<compile_context>
chip_gen: v7x
topology: tpu7x:2x2x1
jax: 0.10.2.dev20260603
libtpu: 0.0.44.dev20260713+nightly
codegen_flags: <defaults>
</compile_context>

<pallas_src>
import functools

import jax
import jax.numpy as jnp
from jax import lax
from jax.experimental import pallas as pl
from jax.experimental.pallas import tpu as pltpu
from jax.experimental.pallas import tpu_sc as plsc

N = 10000
M = 32
AF = 64
NF = 41
E = N * M

R = 400
GRID = N // R
RB = R * M
MP = M // 2
RP = R * MP

NC = 2
NS = 16
NW = NC * NS
CH = 128
KG = 4
NMB = 20
NCH = KG * NMB
MB = KG * CH
EPAD = NW * NCH * CH


def _layernorm(x, scale, bias):
    mu = jnp.mean(x, axis=-1, keepdims=True)
    var = jnp.mean((x - mu) ** 2, axis=-1, keepdims=True)
    return (x - mu) * lax.rsqrt(var + 1e-6) * scale + bias


def _softplus(x):
    return jnp.where(x > 20.0, x, jnp.log(1.0 + jnp.exp(x)))


def _sigmoid(x):
    return 0.5 * jnp.tanh(0.5 * x) + 0.5


def _dot(a, b):
    return jnp.dot(a, b, preferred_element_type=jnp.float32)


def _sc_gather(table, idx3):
    mesh = plsc.VectorSubcoreMesh(core_axis_name="c", subcore_axis_name="s")

    @functools.partial(
        pl.kernel,
        mesh=mesh,
        out_type=jax.ShapeDtypeStruct((EPAD, AF), jnp.float32),
        scratch_types=[
            pltpu.VMEM((NCH, CH), jnp.int32),
            pltpu.VMEM((MB, AF), jnp.float32),
            pltpu.VMEM((MB, AF), jnp.float32),
            pltpu.VMEM_SHARED((N, AF), jnp.float32),
            pltpu.SemaphoreType.DMA,
            pltpu.SemaphoreType.DMA,
            pltpu.SemaphoreType.DMA,
            pltpu.SemaphoreType.DMA,
        ],
        compiler_params=pltpu.CompilerParams(use_tc_tiling_on_sc=False),
    )
    def gather_kernel(table_hbm, idx_hbm, out_hbm, idx_v, buf_a, buf_b,
                      table_sp, gsem_a, gsem_b, osem_a, osem_b):
        wid = lax.axis_index("s") * NC + lax.axis_index("c")
        sid = lax.axis_index("s")
        base = wid * (NCH * CH)

        @pl.when(sid == 0)
        def _():
            pltpu.sync_copy(table_hbm, table_sp)

        pltpu.sync_copy(idx_hbm.at[wid], idx_v)
        plsc.subcore_barrier()

        def fire(m, buf, gsem):
            for k in range(KG):
                pltpu.async_copy(table_sp.at[idx_v.at[m * KG + k]],
                                 buf.at[pl.ds(k * CH, CH)], gsem)

        def gdrain(m, buf, gsem):
            for k in range(KG):
                pltpu.make_async_copy(table_sp.at[idx_v.at[m * KG + k]],
                                      buf.at[pl.ds(k * CH, CH)], gsem).wait()

        def out_start(m, buf, osem):
            pltpu.async_copy(buf, out_hbm.at[pl.ds(base + m * MB, MB)], osem)

        def out_wait(m, buf, osem):
            pltpu.make_async_copy(buf, out_hbm.at[pl.ds(base + m * MB, MB)],
                                  osem).wait()

        fire(0, buf_a, gsem_a)

        def body(p, _):
            m0 = 2 * p
            gdrain(m0, buf_a, gsem_a)

            @pl.when(p > 0)
            def _():
                out_wait(m0 - 1, buf_b, osem_b)

            fire(m0 + 1, buf_b, gsem_b)
            out_start(m0, buf_a, osem_a)

            gdrain(m0 + 1, buf_b, gsem_b)

            @pl.when(p < NMB // 2 - 1)
            def _():
                out_wait(m0, buf_a, osem_a)
                fire(m0 + 2, buf_a, gsem_a)

            out_start(m0 + 1, buf_b, osem_b)
            return 0

        lax.fori_loop(0, NMB // 2, body, 0)
        out_wait(NMB - 2, buf_a, osem_a)
        out_wait(NMB - 1, buf_b, osem_b)

    return gather_kernel(table, idx3)


def _tc_embed(atom_fea, w_emb, b_emb, ln_s, ln_b, wn, bn, wc, bc):
    def body(af, we, be, ls, lb, wn_, bn_, wc_, bc_, x_o, y_o, pc_o):
        x = _dot(af[...], we[...]) + be[...]
        xn = _layernorm(x, ls[...], lb[...])
        x_o[...] = x
        y_o[...] = _dot(xn, wn_[...]) + bn_[...]
        pc_o[...] = _dot(xn, wc_[...]) + bc_[...]

    full = lambda shape: pl.BlockSpec(shape, lambda i: (0, 0))
    return pl.pallas_call(
        body,
        grid=(GRID,),
        in_specs=[
            pl.BlockSpec((R, atom_fea.shape[1]), lambda i: (i, 0)),
            full(w_emb.shape), full(b_emb.shape),
            full(ln_s.shape), full(ln_b.shape),
            full(wn.shape), full(bn.shape),
            full(wc.shape), full(bc.shape),
        ],
        out_specs=[
            pl.BlockSpec((R, AF), lambda i: (i, 0)),
            pl.BlockSpec((R, AF), lambda i: (i, 0)),
            pl.BlockSpec((R, AF), lambda i: (i, 0)),
        ],
        out_shape=[
            jax.ShapeDtypeStruct((N, AF), jnp.float32),
            jax.ShapeDtypeStruct((N, AF), jnp.float32),
            jax.ShapeDtypeStruct((N, AF), jnp.float32),
        ],
        compiler_params=pltpu.CompilerParams(
            dimension_semantics=("arbitrary",)),
    )(atom_fea, w_emb, b_emb, ln_s, ln_b, wn, bn, wc, bc)


def _edge_mix(pc, png2, nf_r, we2, be2, wgm2, bgm2):
    pe2 = _dot(nf_r.reshape(RP, 2 * NF), we2) + be2
    pcc = jnp.concatenate([pc, pc], axis=1)
    pc2 = jnp.broadcast_to(pcc[:, None, :], (R, MP, 2 * AF)).reshape(RP, 2 * AF)
    inter2 = pc2 * png2 * pe2
    z2 = _dot(inter2, wgm2) + bgm2
    zg = jnp.concatenate([z2[:, 0:AF], z2[:, 2 * AF:3 * AF]], axis=1)
    zm = jnp.concatenate([z2[:, AF:2 * AF], z2[:, 3 * AF:4 * AF]], axis=1)
    gm = _sigmoid(zg) * _softplus(zm)
    s2 = gm.reshape(R, MP, 2 * AF).sum(axis=1)
    return s2[:, :AF] + s2[:, AF:]


def _tc_conv_step(x, pc, png1, nfp, we2, be2, wgm2, bgm2,
                  ln_s, ln_b, wn, bn, wc, bc):
    def body(x_r, pc_r, png_r, nf_r, we_r, be_r, wgm_r, bgm_r,
             ls_r, lb_r, wn_r, bn_r, wc_r, bc_r, x_o, y_o, pc_o):
        png2 = png_r[...].reshape(RP, 2 * AF)
        s = _edge_mix(pc_r[...], png2, nf_r[...], we_r[...], be_r[...],
                      wgm_r[...], bgm_r[...])
        xo = x_r[...] + s
        xn = _layernorm(xo, ls_r[...], lb_r[...])
        x_o[...] = xo
        y_o[...] = _dot(xn, wn_r[...]) + bn_r[...]
        pc_o[...] = _dot(xn, wc_r[...]) + bc_r[...]

    full = lambda shape: pl.BlockSpec(shape, lambda i: (0, 0))
    full1 = lambda shape: pl.BlockSpec(shape, lambda i: tuple(0 for _ in shape))
    return pl.pallas_call(
        body,
        grid=(GRID,),
        in_specs=[
            pl.BlockSpec((R, AF), lambda i: (i, 0)),
            pl.BlockSpec((R, AF), lambda i: (i, 0)),
            pl.BlockSpec((RB * AF,), lambda i: (i,)),
            pl.BlockSpec((R, MP, 2 * NF), lambda i: (i, 0, 0)),
            full(we2.shape), full(be2.shape),
            full(wgm2.shape), full(bgm2.shape),
            full(ln_s.shape), full(ln_b.shape),
            full(wn.shape), full(bn.shape),
            full(wc.shape), full(bc.shape),
        ],
        out_specs=[
            pl.BlockSpec((R, AF), lambda i: (i, 0)),
            pl.BlockSpec((R, AF), lambda i: (i, 0)),
            pl.BlockSpec((R, AF), lambda i: (i, 0)),
        ],
        out_shape=[
            jax.ShapeDtypeStruct((N, AF), jnp.float32),
            jax.ShapeDtypeStruct((N, AF), jnp.float32),
            jax.ShapeDtypeStruct((N, AF), jnp.float32),
        ],
        compiler_params=pltpu.CompilerParams(
            dimension_semantics=("arbitrary",)),
    )(x, pc, png1, nfp, we2, be2, wgm2, bgm2, ln_s, ln_b, wn, bn, wc, bc)


def _tc_conv_final(x, pc, png1, nfp, we2, be2, wgm2, bgm2,
                   w1, b1, w2, b2, w3row, b3):
    def body(x_r, pc_r, png_r, nf_r, we_r, be_r, wgm_r, bgm_r,
             w1_r, b1_r, w2_r, b2_r, w3_r, b3_r, acc_o):
        png2 = png_r[...].reshape(RP, 2 * AF)
        s = _edge_mix(pc_r[...], png2, nf_r[...], we_r[...], be_r[...],
                      wgm_r[...], bgm_r[...])
        xo = x_r[...] + s
        h = _softplus(_dot(xo, w1_r[...]) + b1_r[...])
        h2 = _softplus(_dot(h, w2_r[...]) + b2_r[...])
        part = (jnp.sum(h2 * w3_r[...]) + R * b3_r[0, 0]).reshape(1, 1)

        @pl.when(pl.program_id(0) == 0)
        def _():
            acc_o[...] = jnp.zeros((1, 1), jnp.float32)

        acc_o[...] += part

    full = lambda shape: pl.BlockSpec(shape, lambda i: (0, 0))
    out = pl.pallas_call(
        body,
        grid=(GRID,),
        in_specs=[
            pl.BlockSpec((R, AF), lambda i: (i, 0)),
            pl.BlockSpec((R, AF), lambda i: (i, 0)),
            pl.BlockSpec((RB * AF,), lambda i: (i,)),
            pl.BlockSpec((R, MP, 2 * NF), lambda i: (i, 0, 0)),
            full(we2.shape), full(be2.shape),
            full(wgm2.shape), full(bgm2.shape),
            full(w1.shape), full(b1.shape),
            full(w2.shape), full(b2.shape),
            full(w3row.shape), full(b3.shape),
        ],
        out_specs=pl.BlockSpec((1, 1), lambda i: (0, 0)),
        out_shape=jax.ShapeDtypeStruct((1, 1), jnp.float32),
        compiler_params=pltpu.CompilerParams(
            dimension_semantics=("arbitrary",)),
    )(x, pc, png1, nfp, we2, be2, wgm2, bgm2, w1, b1, w2, b2, w3row, b3)
    return out[0, 0]


def _blockdiag2(w):
    zw = jnp.zeros_like(w)
    return jnp.concatenate([jnp.concatenate([w, zw], axis=1),
                            jnp.concatenate([zw, w], axis=1)], axis=0)


def kernel(atom_fea, nbr_fea, nbr_fea_idx, params):
    row = lambda v: v.reshape(1, -1).astype(jnp.float32)
    row2 = lambda v: jnp.concatenate([row(v), row(v)], axis=1)

    idx = nbr_fea_idx.reshape(E).astype(jnp.int32)
    idx3 = jnp.pad(idx, (0, EPAD - E)).reshape(NW, NCH, CH)
    nfp = nbr_fea.reshape(N, MP, 2 * NF)

    convs = params["convs"]
    c0 = convs[0]
    x, y, pc = _tc_embed(
        atom_fea, params["emb"][0], row(params["emb"][1]),
        row(c0["ln_scale"]), row(c0["ln_bias"]),
        c0["phi_n"][0], row(c0["phi_n"][1]),
        c0["phi_c"][0], row(c0["phi_c"][1]))

    for i, conv in enumerate(convs):
        png1 = _sc_gather(y, idx3).reshape(EPAD * AF)
        we2 = _blockdiag2(conv["phi_e"][0])
        be2 = row2(conv["phi_e"][1])
        wgm2 = _blockdiag2(
            jnp.concatenate([conv["gate"][0], conv["mag"][0]], axis=1))
        bgm2 = row2(jnp.concatenate([conv["gate"][1], conv["mag"][1]]))
        if i + 1 < len(convs):
            nxt = convs[i + 1]
            x, y, pc = _tc_conv_step(
                x, pc, png1, nfp, we2, be2, wgm2, bgm2,
                row(nxt["ln_scale"]), row(nxt["ln_bias"]),
                nxt["phi_n"][0], row(nxt["phi_n"][1]),
                nxt["phi_c"][0], row(nxt["phi_c"][1]))
        else:
            total = _tc_conv_final(
                x, pc, png1, nfp, we2, be2, wgm2, bgm2,
                params["ro1"][0], row(params["ro1"][1]),
                params["ro2"][0], row(params["ro2"][1]),
                params["ro3"][0].reshape(1, AF),
                params["ro3"][1].reshape(1, 1))
    return total

# --- scband reference (transcript-rebuilt; emitter-appended) ---
"""Pipeline reference for scband-neural-ce-ising-28149215658676 (READ-ONLY COPY).

The authoritative reference and input builder live on the scoring server;
editing this copy changes nothing except your own understanding.
"""

import jax, jax.numpy as jnp
import numpy as np

N = 10000
M = 32
IN_FEA = 128
AF = 64
NF = 41
N_CONV = 3
H = 128


def _dense(k, fin, fout):
    W = jax.random.normal(k, (fin, fout), dtype=jnp.float32) * (1.0 / np.sqrt(fin))
    b = jnp.zeros((fout,), dtype=jnp.float32)
    return (W, b)


def setup_inputs(seed: int = 0) -> dict:
    key = jax.random.key(seed)
    ks = jax.random.split(key, 40)
    atom_fea = jax.random.normal(ks[0], (N, IN_FEA), dtype=jnp.float32)
    nbr_fea = jax.random.normal(ks[1], (N, M, NF), dtype=jnp.float32)
    nbr_fea_idx = jax.random.randint(ks[2], (N, M), 0, N, dtype=jnp.int64) if jax.config.read('jax_enable_x64') else jax.random.randint(ks[2], (N, M), 0, N, dtype=jnp.int32)
    params = {}
    params['emb'] = _dense(ks[3], IN_FEA, AF)
    convs = []
    for i in range(N_CONV):
        kk = jax.random.split(ks[4 + i], 6)
        convs.append({
            'ln_scale': jnp.ones((AF,), dtype=jnp.float32),
            'ln_bias': jnp.zeros((AF,), dtype=jnp.float32),
            'phi_c': _dense(kk[0], AF, AF),
            'phi_n': _dense(kk[1], AF, AF),
            'phi_e': _dense(kk[2], NF, AF),
            'gate': _dense(kk[3], AF, AF),
            'mag': _dense(kk[4], AF, AF),
        })
    params['convs'] = convs
    params['ro1'] = _dense(ks[10], AF, H)
    params['ro2'] = _dense(ks[11], H, H // 2)
    params['ro3'] = _dense(ks[12], H // 2, 1)
    return {'atom_fea': atom_fea, 'nbr_fea': nbr_fea, 'nbr_fea_idx': nbr_fea_idx, 'params': params}


def _layernorm(x, scale, bias):
    mu = jnp.mean(x, axis=-1, keepdims=True)
    var = jnp.var(x, axis=-1, keepdims=True)
    return (x - mu) / jnp.sqrt(var + 1e-6) * scale + bias


def _forward(atom_fea, nbr_fea, params, nbr_fea_idx):
    W, b = params['emb']
    x = atom_fea @ W + b
    for conv in params['convs']:
        xn = _layernorm(x, conv['ln_scale'], conv['ln_bias'])
        nbr = jnp.take(xn, nbr_fea_idx, axis=0)  # [N, M, AF] gather
        cen = jnp.broadcast_to(xn[:, None, :], (xn.shape[0], nbr_fea_idx.shape[1], xn.shape[1]))
        pc = cen @ conv['phi_c'][0] + conv['phi_c'][1]
        pn = nbr @ conv['phi_n'][0] + conv['phi_n'][1]
        pe = nbr_fea @ conv['phi_e'][0] + conv['phi_e'][1]
        inter = pc * pn * pe
        gate = jax.nn.sigmoid(inter @ conv['gate'][0] + conv['gate'][1])
        mag = jax.nn.softplus(inter @ conv['mag'][0] + conv['mag'][1])
        x = x + jnp.sum(gate * mag, axis=1)
    h = jax.nn.softplus(x @ params['ro1'][0] + params['ro1'][1])
    h2 = jax.nn.softplus(h @ params['ro2'][0] + params['ro2'][1])
    site = h2 @ params['ro3'][0] + params['ro3'][1]  # [N, 1] site energies
    return jnp.sum(site)  # sum-pool over sites -> total energy scalar


def reference(atom_fea, nbr_fea, nbr_fea_idx, params):
    return _forward(atom_fea, nbr_fea, params, nbr_fea_idx)

if __name__ == "__main__":
    import jax
    _d = setup_inputs()
    print(jax.jit(kernel)(*tuple(_d.values())))

</pallas_src>

<mosaic_0001>
#map = affine_map<(d0, d1) -> (0, 0)>
#map1 = affine_map<(d0, d1) -> (0, 0, 0)>
module attributes {stable_mosaic.version = 14 : i64} {
  func.func @gather_kernel(%arg0: i32, %arg1: i32, %arg2: memref<10000x64xf32, #tpu.memory_space<hbm>>, %arg3: memref<32x80x128xi32, #tpu.memory_space<hbm>>, %arg4: memref<327680x64xf32, #tpu.memory_space<hbm>>, %arg5: memref<80x128xi32, #tpu.memory_space<vmem>>, %arg6: memref<512x64xf32, #tpu.memory_space<vmem>>, %arg7: memref<512x64xf32, #tpu.memory_space<vmem>>, %arg8: memref<10000x64xf32, #tpu.memory_space<vmem_shared>>, %arg9: memref<!tpu.dma_semaphore, #tpu.memory_space<semaphore_mem>>, %arg10: memref<!tpu.dma_semaphore, #tpu.memory_space<semaphore_mem>>, %arg11: memref<!tpu.dma_semaphore, #tpu.memory_space<semaphore_mem>>, %arg12: memref<!tpu.dma_semaphore, #tpu.memory_space<semaphore_mem>>) attributes {dimension_semantics = [#tpu.dimension_semantics<core_parallel>, #tpu.dimension_semantics<subcore_parallel>], iteration_bounds = array<i64: 2, 16>, scalar_prefetch = 0 : i64, scratch_operands = 8 : i64, tpu.core_type = #tpu.core_type<sc_vector_subcore>, window_params = [{transform_indices = #map}, {transform_indices = #map1}, {transform_indices = #map}]} {
    %mul3A = arith.constant 2 : i32
    %mul3A_0 = arith.muli %arg1, %mul3A : i32
    %add3A = arith.addi %mul3A_0, %arg0 : i32
    %mul3A_1 = arith.constant 10240 : i32
    %mul3A_2 = arith.muli %add3A, %mul3A_1 : i32
    %eq3A = arith.constant 0 : i32
    %eq3A_3 = arith.cmpi eq, %arg1, %eq3A : i32
    %convert_element_type3A = arith.extui %eq3A_3 : i1 to i32
    %cond3A = arith.constant 0 : i32
    %cond3A_4 = arith.cmpi ne, %convert_element_type3A, %cond3A : i32
    scf.if %cond3A_4 {
      "tpu.region"() ({
        %run_scoped3A = tpu.sem_alloc : memref<!tpu.dma_semaphore, #tpu.memory_space<semaphore_mem>>
        tpu.enqueue_dma source(%arg2 : memref<10000x64xf32, #tpu.memory_space<hbm>>) target(%arg8 : memref<10000x64xf32, #tpu.memory_space<vmem_shared>>) target_semaphore(%run_scoped3A : memref<!tpu.dma_semaphore, #tpu.memory_space<semaphore_mem>>)
        tpu.wait_dma2 semaphore(%run_scoped3A : memref<!tpu.dma_semaphore, #tpu.memory_space<semaphore_mem>>) src(%arg2 : memref<10000x64xf32, #tpu.memory_space<hbm>>) dst(%arg8 : memref<10000x64xf32, #tpu.memory_space<vmem_shared>>)
        tpu.yield
      }) : () -> ()
    } else {
    }
    "tpu.region"() ({
      %run_scoped3A = tpu.sem_alloc : memref<!tpu.dma_semaphore, #tpu.memory_space<semaphore_mem>>
      %dma_start3A_61 = arith.constant 0 : i32
      %dma_start3A_62 = arith.constant 0 : i32
      %dma_start3A_63 = tpu.memref_slice %arg3[%add3A, %dma_start3A_61, %dma_start3A_62] : memref<32x80x128xi32, #tpu.memory_space<hbm>> -> memref<1x80x128xi32, #tpu.memory_space<hbm>>
      %dma_start3A_64 = tpu.memref_squeeze %dma_start3A_63 : memref<1x80x128xi32, #tpu.memory_space<hbm>> -> memref<80x128xi32, #tpu.memory_space<hbm>>
      %dma_start3A_65 = arith.constant 0 : i32
      %dma_start3A_66 = arith.constant 0 : i32
      %dma_start3A_67 = tpu.memref_slice %arg3[%add3A, %dma_start3A_65, %dma_start3A_66] : memref<32x80x128xi32, #tpu.memory_space<hbm>> -> memref<1x80x128xi32, #tpu.memory_space<hbm>>
      %dma_start3A_68 = tpu.memref_squeeze %dma_start3A_67 : memref<1x80x128xi32, #tpu.memory_space<hbm>> -> memref<80x128xi32, #tpu.memory_space<hbm>>
      tpu.enqueue_dma source(%dma_start3A_68 : memref<80x128xi32, #tpu.memory_space<hbm>>) target(%arg5 : memref<80x128xi32, #tpu.memory_space<vmem>>) target_semaphore(%run_scoped3A : memref<!tpu.dma_semaphore, #tpu.memory_space<semaphore_mem>>)
      %dma_wait3A_69 = arith.constant 0 : i32
      %dma_wait3A_70 = arith.constant 0 : i32
      %dma_wait3A_71 = tpu.memref_slice %arg3[%add3A, %dma_wait3A_69, %dma_wait3A_70] : memref<32x80x128xi32, #tpu.memory_space<hbm>> -> memref<1x80x128xi32, #tpu.memory_space<hbm>>
      %dma_wait3A_72 = tpu.memref_squeeze %dma_wait3A_71 : memref<1x80x128xi32, #tpu.memory_space<hbm>> -> memref<80x128xi32, #tpu.memory_space<hbm>>
      %dma_wait3A_73 = arith.constant 0 : i32
      %dma_wait3A_74 = arith.constant 0 : i32
      %dma_wait3A_75 = tpu.memref_slice %arg3[%add3A, %dma_wait3A_73, %dma_wait3A_74] : memref<32x80x128xi32, #tpu.memory_space<hbm>> -> memref<1x80x128xi32, #tpu.memory_space<hbm>>
      %dma_wait3A_76 = tpu.memref_squeeze %dma_wait3A_75 : memref<1x80x128xi32, #tpu.memory_space<hbm>> -> memref<80x128xi32, #tpu.memory_space<hbm>>
      tpu.wait_dma2 semaphore(%run_scoped3A : memref<!tpu.dma_semaphore, #tpu.memory_space<semaphore_mem>>) src(%dma_wait3A_76 : memref<80x128xi32, #tpu.memory_space<hbm>>) dst(%arg5 : memref<80x128xi32, #tpu.memory_space<vmem>>)
      tpu.yield
    }) : () -> ()
    %barrier3A = arith.constant 0 : index
    tpu.barrier barrier_id(%barrier3A)
    %dma_start3A = arith.constant 0 : i32
    %dma_start3A_5 = arith.constant 0 : i32
    %dma_start3A_6 = arith.constant 0 : i32
    %dma_start3A_7 = tpu.memref_slice %arg6[%dma_start3A_5, %dma_start3A_6] : memref<512x64xf32, #tpu.memory_space<vmem>> -> memref<128x64xf32, #tpu.memory_space<vmem>>
    %dma_start3A_8 = arith.constant 0 : i32
    %dma_start3A_9 = tpu.memref_slice %arg5[%dma_start3A, %dma_start3A_8] : memref<80x128xi32, #tpu.memory_space<vmem>> -> memref<1x128xi32, #tpu.memory_space<vmem>>
    %dma_start3A_10 = tpu.memref_squeeze %dma_start3A_9 : memref<1x128xi32, #tpu.memory_space<vmem>> -> memref<128xi32, #tpu.memory_space<vmem>>
    %dma_start3A_11 = arith.constant 0 : i32
    %dma_start3A_12 = arith.constant 0 : i32
    %dma_start3A_13 = tpu.memref_slice %arg8[%dma_start3A_11, %dma_start3A_12] : memref<10000x64xf32, #tpu.memory_space<vmem_shared>> -> memref<10000x64xf32, #tpu.memory_space<vmem_shared>>
    tpu.enqueue_indirect_dma source(%dma_start3A_13 : memref<10000x64xf32, #tpu.memory_space<vmem_shared>>) target(%dma_start3A_7 : memref<128x64xf32, #tpu.memory_space<vmem>>) offsets(%dma_start3A_10 : memref<128xi32, #tpu.memory_space<vmem>>) semaphore(%arg9 : memref<!tpu.dma_semaphore, #tpu.memory_space<semaphore_mem>>)
    %dma_start3A_14 = arith.constant 1 : i32
    %dma_start3A_15 = arith.constant 128 : i32
    %dma_start3A_16 = arith.constant 0 : i32
    %dma_start3A_17 = tpu.memref_slice %arg6[%dma_start3A_15, %dma_start3A_16] : memref<512x64xf32, #tpu.memory_space<vmem>> -> memref<128x64xf32, #tpu.memory_space<vmem>>
    %dma_start3A_18 = arith.constant 0 : i32
    %dma_start3A_19 = tpu.memref_slice %arg5[%dma_start3A_14, %dma_start3A_18] : memref<80x128xi32, #tpu.memory_space<vmem>> -> memref<1x128xi32, #tpu.memory_space<vmem>>
    %dma_start3A_20 = tpu.memref_squeeze %dma_start3A_19 : memref<1x128xi32, #tpu.memory_space<vmem>> -> memref<128xi32, #tpu.memory_space<vmem>>
    %dma_start3A_21 = arith.constant 0 : i32
    %dma_start3A_22 = arith.constant 0 : i32
    %dma_start3A_23 = tpu.memref_slice %arg8[%dma_start3A_21, %dma_start3A_22] : memref<10000x64xf32, #tpu.memory_space<vmem_shared>> -> memref<10000x64xf32, #tpu.memory_space<vmem_shared>>
    tpu.enqueue_indirect_dma source(%dma_start3A_23 : memref<10000x64xf32, #tpu.memory_space<vmem_shared>>) target(%dma_start3A_17 : memref<128x64xf32, #tpu.memory_space<vmem>>) offsets(%dma_start3A_20 : memref<128xi32, #tpu.memory_space<vmem>>) semaphore(%arg9 : memref<!tpu.dma_semaphore, #tpu.memory_space<semaphore_mem>>)
    %dma_start3A_24 = arith.constant 2 : i32
    %dma_start3A_25 = arith.constant 256 : i32
    %dma_start3A_26 = arith.constant 0 : i32
    %dma_start3A_27 = tpu.memref_slice %arg6[%dma_start3A_25, %dma_start3A_26] : memref<512x64xf32, #tpu.memory_space<vmem>> -> memref<128x64xf32, #tpu.memory_space<vmem>>
    %dma_start3A_28 = arith.constant 0 : i32
    %dma_start3A_29 = tpu.memref_slice %arg5[%dma_start3A_24, %dma_start3A_28] : memref<80x128xi32, #tpu.memory_space<vmem>> -> memref<1x128xi32, #tpu.memory_space<vmem>>
    %dma_start3A_30 = tpu.memref_squeeze %dma_start3A_29 : memref<1x128xi32, #tpu.memory_space<vmem>> -> memref<128xi32, #tpu.memory_space<vmem>>
    %dma_start3A_31 = arith.constant 0 : i32
    %dma_start3A_32 = arith.constant 0 : i32
    %dma_start3A_33 = tpu.memref_slice %arg8[%dma_start3A_31, %dma_start3A_32] : memref<10000x64xf32, #tpu.memory_space<vmem_shared>> -> memref<10000x64xf32, #tpu.memory_space<vmem_shared>>
    tpu.enqueue_indirect_dma source(%dma_start3A_33 : memref<10000x64xf32, #tpu.memory_space<vmem_shared>>) target(%dma_start3A_27 : memref<128x64xf32, #tpu.memory_space<vmem>>) offsets(%dma_start3A_30 : memref<128xi32, #tpu.memory_space<vmem>>) semaphore(%arg9 : memref<!tpu.dma_semaphore, #tpu.memory_space<semaphore_mem>>)
    %dma_start3A_34 = arith.constant 3 : i32
    %dma_start3A_35 = arith.constant 384 : i32
    %dma_start3A_36 = arith.constant 0 : i32
    %dma_start3A_37 = tpu.memref_slice %arg6[%dma_start3A_35, %dma_start3A_36] : memref<512x64xf32, #tpu.memory_space<vmem>> -> memref<128x64xf32, #tpu.memory_space<vmem>>
    %dma_start3A_38 = arith.constant 0 : i32
    %dma_start3A_39 = tpu.memref_slice %arg5[%dma_start3A_34, %dma_start3A_38] : memref<80x128xi32, #tpu.memory_space<vmem>> -> memref<1x128xi32, #tpu.memory_space<vmem>>
    %dma_start3A_40 = tpu.memref_squeeze %dma_start3A_39 : memref<1x128xi32, #tpu.memory_space<vmem>> -> memref<128xi32, #tpu.memory_space<vmem>>
    %dma_start3A_41 = arith.constant 0 : i32
    %dma_start3A_42 = arith.constant 0 : i32
    %dma_start3A_43 = tpu.memref_slice %arg8[%dma_start3A_41, %dma_start3A_42] : memref<10000x64xf32, #tpu.memory_space<vmem_shared>> -> memref<10000x64xf32, #tpu.memory_space<vmem_shared>>
    tpu.enqueue_indirect_dma source(%dma_start3A_43 : memref<10000x64xf32, #tpu.memory_space<vmem_shared>>) target(%dma_start3A_37 : memref<128x64xf32, #tpu.memory_space<vmem>>) offsets(%dma_start3A_40 : memref<128xi32, #tpu.memory_space<vmem>>) semaphore(%arg9 : memref<!tpu.dma_semaphore, #tpu.memory_space<semaphore_mem>>)
    %scan3A = arith.constant 0 : i32
    %scan3A_44 = arith.constant 0 : i32
    %scan3A_45 = arith.constant 10 : i32
    %scan3A_46 = arith.addi %scan3A_44, %scan3A_45 : i32
    %scan3A_47 = arith.constant 1 : i32
    %scan3A_48 = scf.for %scan3A_61 = %scan3A_44 to %scan3A_46 step %scan3A_47 iter_args(%scan3A_62 = %scan3A) -> (i32)  : i32 {
      %mul3A_63 = arith.constant 2 : i32
      %mul3A_64 = arith.muli %mul3A_63, %scan3A_61 : i32
      %mul3A_65 = arith.constant 4 : i32
      %mul3A_66 = arith.muli %mul3A_64, %mul3A_65 : i32
      %add3A_67 = arith.constant 0 : i32
      %add3A_68 = arith.addi %mul3A_66, %add3A_67 : i32
      %dma_wait3A_69 = arith.constant 0 : i32
      %dma_wait3A_70 = arith.constant 0 : i32
      %dma_wait3A_71 = tpu.memref_slice %arg6[%dma_wait3A_69, %dma_wait3A_70] : memref<512x64xf32, #tpu.memory_space<vmem>> -> memref<128x64xf32, #tpu.memory_space<vmem>>
      %dma_wait3A_72 = arith.constant 0 : i32
      %dma_wait3A_73 = tpu.memref_slice %arg5[%add3A_68, %dma_wait3A_72] : memref<80x128xi32, #tpu.memory_space<vmem>> -> memref<1x128xi32, #tpu.memory_space<vmem>>
      %dma_wait3A_74 = tpu.memref_squeeze %dma_wait3A_73 : memref<1x128xi32, #tpu.memory_space<vmem>> -> memref<128xi32, #tpu.memory_space<vmem>>
      %dma_wait3A_75 = arith.constant 0 : i32
      %dma_wait3A_76 = arith.constant 0 : i32
      %dma_wait3A_77 = tpu.memref_slice %arg8[%dma_wait3A_75, %dma_wait3A_76] : memref<10000x64xf32, #tpu.memory_space<vmem_shared>> -> memref<10000x64xf32, #tpu.memory_space<vmem_shared>>
      tpu.wait_indirect_dma semaphore(%arg9 : memref<!tpu.dma_semaphore, #tpu.memory_space<semaphore_mem>>) src(%dma_wait3A_77 : memref<10000x64xf32, #tpu.memory_space<vmem_shared>>) dst(%dma_wait3A_71 : memref<128x64xf32, #tpu.memory_space<vmem>>)
      %mul3A_78 = arith.constant 4 : i32
      %mul3A_79 = arith.muli %mul3A_64, %mul3A_78 : i32
      %add3A_80 = arith.constant 1 : i32
      %add3A_81 = arith.addi %mul3A_79, %add3A_80 : i32
      %dma_wait3A_82 = arith.constant 128 : i32
      %dma_wait3A_83 = arith.constant 0 : i32
      %dma_wait3A_84 = tpu.memref_slice %arg6[%dma_wait3A_82, %dma_wait3A_83] : memref<512x64xf32, #tpu.memory_space<vmem>> -> memref<128x64xf32, #tpu.memory_space<vmem>>
      %dma_wait3A_85 = arith.constant 0 : i32
      %dma_wait3A_86 = tpu.memref_slice %arg5[%add3A_81, %dma_wait3A_85] : memref<80x128xi32, #tpu.memory_space<vmem>> -> memref<1x128xi32, #tpu.memory_space<vmem>>
      %dma_wait3A_87 = tpu.memref_squeeze %dma_wait3A_86 : memref<1x128xi32, #tpu.memory_space<vmem>> -> memref<128xi32, #tpu.memory_space<vmem>>
      %dma_wait3A_88 = arith.constant 0 : i32
      %dma_wait3A_89 = arith.constant 0 : i32
      %dma_wait3A_90 = tpu.memref_slice %arg8[%dma_wait3A_88, %dma_wait3A_89] : memref<10000x64xf32, #tpu.memory_space<vmem_shared>> -> memref<10000x64xf32, #tpu.memory_space<vmem_shared>>
      tpu.wait_indirect_dma semaphore(%arg9 : memref<!tpu.dma_semaphore, #tpu.memory_space<semaphore_mem>>) src(%dma_wait3A_90 : memref<10000x64xf32, #tpu.memory_space<vmem_shared>>) dst(%dma_wait3A_84 : memref<128x64xf32, #tpu.memory_space<vmem>>)
      %mul3A_91 = arith.constant 4 : i32
      %mul3A_92 = arith.muli %mul3A_64, %mul3A_91 : i32
      %add3A_93 = arith.constant 2 : i32
      %add3A_94 = arith.addi %mul3A_92, %add3A_93 : i32
      %dma_wait3A_95 = arith.constant 256 : i32
      %dma_wait3A_96 = arith.constant 0 : i32
      %dma_wait3A_97 = tpu.memref_slice %arg6[%dma_wait3A_95, %dma_wait3A_96] : memref<512x64xf32, #tpu.memory_space<vmem>> -> memref<128x64xf32, #tpu.memory_space<vmem>>
      %dma_wait3A_98 = arith.constant 0 : i32
      %dma_wait3A_99 = tpu.memref_slice %arg5[%add3A_94, %dma_wait3A_98] : memref<80x128xi32, #tpu.memory_space<vmem>> -> memref<1x128xi32, #tpu.memory_space<vmem>>
      %dma_wait3A_100 = tpu.memref_squeeze %dma_wait3A_99 : memref<1x128xi32, #tpu.memory_space<vmem>> -> memref<128xi32, #tpu.memory_space<vmem>>
      %dma_wait3A_101 = arith.constant 0 : i32
      %dma_wait3A_102 = arith.constant 0 : i32
      %dma_wait3A_103 = tpu.memref_slice %arg8[%dma_wait3A_101, %dma_wait3A_102] : memref<10000x64xf32, #tpu.memory_space<vmem_shared>> -> memref<10000x64xf32, #tpu.memory_space<vmem_shared>>
      tpu.wait_indirect_dma semaphore(%arg9 : memref<!tpu.dma_semaphore, #tpu.memory_space<semaphore_mem>>) src(%dma_wait3A_103 : memref<10000x64xf32, #tpu.memory_space<vmem_shared>>) dst(%dma_wait3A_97 : memref<128x64xf32, #tpu.memory_space<vmem>>)
      %mul3A_104 = arith.constant 4 : i32
      %mul3A_105 = arith.muli %mul3A_64, %mul3A_104 : i32
      %add3A_106 = arith.constant 3 : i32
      %add3A_107 = arith.addi %mul3A_105, %add3A_106 : i32
      %dma_wait3A_108 = arith.constant 384 : i32
      %dma_wait3A_109 = arith.constant 0 : i32
      %dma_wait3A_110 = tpu.memref_slice %arg6[%dma_wait3A_108, %dma_wait3A_109] : memref<512x64xf32, #tpu.memory_space<vmem>> -> memref<128x64xf32, #tpu.memory_space<vmem>>
      %dma_wait3A_111 = arith.constant 0 : i32
      %dma_wait3A_112 = tpu.memref_slice %arg5[%add3A_107, %dma_wait3A_111] : memref<80x128xi32, #tpu.memory_space<vmem>> -> memref<1x128xi32, #tpu.memory_space<vmem>>
      %dma_wait3A_113 = tpu.memref_squeeze %dma_wait3A_112 : memref<1x128xi32, #tpu.memory_space<vmem>> -> memref<128xi32, #tpu.memory_space<vmem>>
      %dma_wait3A_114 = arith.constant 0 : i32
      %dma_wait3A_115 = arith.constant 0 : i32
      %dma_wait3A_116 = tpu.memref_slice %arg8[%dma_wait3A_114, %dma_wait3A_115] : memref<10000x64xf32, #tpu.memory_space<vmem_shared>> -> memref<10000x64xf32, #tpu.memory_space<vmem_shared>>
      tpu.wait_indirect_dma semaphore(%arg9 : memref<!tpu.dma_semaphore, #tpu.memory_space<semaphore_mem>>) src(%dma_wait3A_116 : memref<10000x64xf32, #tpu.memory_space<vmem_shared>>) dst(%dma_wait3A_110 : memref<128x64xf32, #tpu.memory_space<vmem>>)
      %gt3A = arith.constant 0 : i32
      %gt3A_117 = arith.cmpi sgt, %scan3A_61, %gt3A : i32
      %convert_element_type3A_118 = arith.extui %gt3A_117 : i1 to i32
      %cond3A_119 = arith.constant 0 : i32
      %cond3A_120 = arith.cmpi ne, %convert_element_type3A_118, %cond3A_119 : i32
      scf.if %cond3A_120 {
        %sub3A = arith.constant 1 : i32
        %sub3A_250 = arith.subi %mul3A_64, %sub3A : i32
        %mul3A_251 = arith.constant 512 : i32
        %mul3A_252 = arith.muli %sub3A_250, %mul3A_251 : i32
        %add3A_253 = arith.addi %mul3A_2, %mul3A_252 : i32
        %dma_wait3A_254 = arith.constant 0 : i32
        %dma_wait3A_255 = tpu.memref_slice %arg4[%add3A_253, %dma_wait3A_254] : memref<327680x64xf32, #tpu.memory_space<hbm>> -> memref<512x64xf32, #tpu.memory_space<hbm>>
        %dma_wait3A_256 = arith.constant 0 : i32
        %dma_wait3A_257 = tpu.memref_slice %arg4[%add3A_253, %dma_wait3A_256] : memref<327680x64xf32, #tpu.memory_space<hbm>> -> memref<512x64xf32, #tpu.memory_space<hbm>>
        tpu.wait_dma2 semaphore(%arg12 : memref<!tpu.dma_semaphore, #tpu.memory_space<semaphore_mem>>) src(%arg7 : memref<512x64xf32, #tpu.memory_space<vmem>>) dst(%dma_wait3A_257 : memref<512x64xf32, #tpu.memory_space<hbm>>)
      } else {
      }
      %add3A_121 = arith.constant 1 : i32
      %add3A_122 = arith.addi %mul3A_64, %add3A_121 : i32
      %mul3A_123 = arith.constant 4 : i32
      %mul3A_124 = arith.muli %add3A_122, %mul3A_123 : i32
      %add3A_125 = arith.constant 0 : i32
      %add3A_126 = arith.addi %mul3A_124, %add3A_125 : i32
      %dma_start3A_127 = arith.constant 0 : i32
      %dma_start3A_128 = arith.constant 0 : i32
      %dma_start3A_129 = tpu.memref_slice %arg7[%dma_start3A_127, %dma_start3A_128] : memref<512x64xf32, #tpu.memory_space<vmem>> -> memref<128x64xf32, #tpu.memory_space<vmem>>
      %dma_start3A_130 = arith.constant 0 : i32
      %dma_start3A_131 = tpu.memref_slice %arg5[%add3A_126, %dma_start3A_130] : memref<80x128xi32, #tpu.memory_space<vmem>> -> memref<1x128xi32, #tpu.memory_space<vmem>>
      %dma_start3A_132 = tpu.memref_squeeze %dma_start3A_131 : memref<1x128xi32, #tpu.memory_space<vmem>> -> memref<128xi32, #tpu.memory_space<vmem>>
      %dma_start3A_133 = arith.constant 0 : i32
      %dma_start3A_134 = arith.constant 0 : i32
      %dma_start3A_135 = tpu.memref_slice %arg8[%dma_start3A_133, %dma_start3A_134] : memref<10000x64xf32, #tpu.memory_space<vmem_shared>> -> memref<10000x64xf32, #tpu.memory_space<vmem_shared>>
      tpu.enqueue_indirect_dma source(%dma_start3A_135 : memref<10000x64xf32, #tpu.memory_space<vmem_shared>>) target(%dma_start3A_129 : memref<128x64xf32, #tpu.memory_space<vmem>>) offsets(%dma_start3A_132 : memref<128xi32, #tpu.memory_space<vmem>>) semaphore(%arg10 : memref<!tpu.dma_semaphore, #tpu.memory_space<semaphore_mem>>)
      %mul3A_136 = arith.constant 4 : i32
      %mul3A_137 = arith.muli %add3A_122, %mul3A_136 : i32
      %add3A_138 = arith.constant 1 : i32
      %add3A_139 = arith.addi %mul3A_137, %add3A_138 : i32
      %dma_start3A_140 = arith.constant 128 : i32
      %dma_start3A_141 = arith.constant 0 : i32
      %dma_start3A_142 = tpu.memref_slice %arg7[%dma_start3A_140, %dma_start3A_141] : memref<512x64xf32, #tpu.memory_space<vmem>> -> memref<128x64xf32, #tpu.memory_space<vmem>>
      %dma_start3A_143 = arith.constant 0 : i32
      %dma_start3A_144 = tpu.memref_slice %arg5[%add3A_139, %dma_start3A_143] : memref<80x128xi32, #tpu.memory_space<vmem>> -> memref<1x128xi32, #tpu.memory_space<vmem>>
      %dma_start3A_145 = tpu.memref_squeeze %dma_start3A_144 : memref<1x128xi32, #tpu.memory_space<vmem>> -> memref<128xi32, #tpu.memory_space<vmem>>
      %dma_start3A_146 = arith.constant 0 : i32
      %dma_start3A_147 = arith.constant 0 : i32
      %dma_start3A_148 = tpu.memref_slice %arg8[%dma_start3A_146, %dma_start3A_147] : memref<10000x64xf32, #tpu.memory_space<vmem_shared>> -> memref<10000x64xf32, #tpu.memory_space<vmem_shared>>
      tpu.enqueue_indirect_dma source(%dma_start3A_148 : memref<10000x64xf32, #tpu.memory_space<vmem_shared>>) target(%dma_start3A_142 : memref<128x64xf32, #tpu.memory_space<vmem>>) offsets(%dma_start3A_145 : memref<128xi32, #tpu.memory_space<vmem>>) semaphore(%arg10 : memref<!tpu.dma_semaphore, #tpu.memory_space<semaphore_mem>>)
      %mul3A_149 = arith.constant 4 : i32
      %mul3A_150 = arith.muli %add3A_122, %mul3A_149 : i32
      %add3A_151 = arith.constant 2 : i32
      %add3A_152 = arith.addi %mul3A_150, %add3A_151 : i32
      %dma_start3A_153 = arith.constant 256 : i32
      %dma_start3A_154 = arith.constant 0 : i32
      %dma_start3A_155 = tpu.memref_slice %arg7[%dma_start3A_153, %dma_start3A_154] : memref<512x64xf32, #tpu.memory_space<vmem>> -> memref<128x64xf32, #tpu.memory_space<vmem>>
      %dma_start3A_156 = arith.constant 0 : i32
      %dma_start3A_157 = tpu.memref_slice %arg5[%add3A_152, %dma_start3A_156] : memref<80x128xi32, #tpu.memory_space<vmem>> -> memref<1x128xi32, #tpu.memory_space<vmem>>
      %dma_start3A_158 = tpu.memref_squeeze %dma_start3A_157 : memref<1x128xi32, #tpu.memory_space<vmem>> -> memref<128xi32, #tpu.memory_space<vmem>>
      %dma_start3A_159 = arith.constant 0 : i32
      %dma_start3A_160 = arith.constant 0 : i32
      %dma_start3A_161 = tpu.memref_slice %arg8[%dma_start3A_159, %dma_start3A_160] : memref<10000x64xf32, #tpu.memory_space<vmem_shared>> -> memref<10000x64xf32, #tpu.memory_space<vmem_shared>>
      tpu.enqueue_indirect_dma source(%dma_start3A_161 : memref<10000x64xf32, #tpu.memory_space<vmem_shared>>) target(%dma_start3A_155 : memref<128x64xf32, #tpu.memory_space<vmem>>) offsets(%dma_start3A_158 : memref<128xi32, #tpu.memory_space<vmem>>) semaphore(%arg10 : memref<!tpu.dma_semaphore, #tpu.memory_space<semaphore_mem>>)
      %mul3A_162 = arith.constant 4 : i32
      %mul3A_163 = arith.muli %add3A_122, %mul3A_162 : i32
      %add3A_164 = arith.constant 3 : i32
      %add3A_165 = arith.addi %mul3A_163, %add3A_164 : i32
      %dma_start3A_166 = arith.constant 384 : i32
      %dma_start3A_167 = arith.constant 0 : i32
      %dma_start3A_168 = tpu.memref_slice %arg7[%dma_start3A_166, %dma_start3A_167] : memref<512x64xf32, #tpu.memory_space<vmem>> -> memref<128x64xf32, #tpu.memory_space<vmem>>
      %dma_start3A_169 = arith.constant 0 : i32
      %dma_start3A_170 = tpu.memref_slice %arg5[%add3A_165, %dma_start3A_169] : memref<80x128xi32, #tpu.memory_space<vmem>> -> memref<1x128xi32, #tpu.memory_space<vmem>>
      %dma_start3A_171 = tpu.memref_squeeze %dma_start3A_170 : memref<1x128xi32, #tpu.memory_space<vmem>> -> memref<128xi32, #tpu.memory_space<vmem>>
      %dma_start3A_172 = arith.constant 0 : i32
      %dma_start3A_173 = arith.constant 0 : i32
      %dma_start3A_174 = tpu.memref_slice %arg8[%dma_start3A_172, %dma_start3A_173] : memref<10000x64xf32, #tpu.memory_space<vmem_shared>> -> memref<10000x64xf32, #tpu.memory_space<vmem_shared>>
      tpu.enqueue_indirect_dma source(%dma_start3A_174 : memref<10000x64xf32, #tpu.memory_space<vmem_shared>>) target(%dma_start3A_168 : memref<128x64xf32, #tpu.memory_space<vmem>>) offsets(%dma_start3A_171 : memref<128xi32, #tpu.memory_space<vmem>>) semaphore(%arg10 : memref<!tpu.dma_semaphore, #tpu.memory_space<semaphore_mem>>)
      %mul3A_175 = arith.constant 512 : i32
      %mul3A_176 = arith.muli %mul3A_64, %mul3A_175 : i32
      %add3A_177 = arith.addi %mul3A_2, %mul3A_176 : i32
      %dma_start3A_178 = arith.constant 0 : i32
      %dma_start3A_179 = tpu.memref_slice %arg4[%add3A_177, %dma_start3A_178] : memref<327680x64xf32, #tpu.memory_space<hbm>> -> memref<512x64xf32, #tpu.memory_space<hbm>>
      %dma_start3A_180 = arith.constant 0 : i32
      %dma_start3A_181 = tpu.memref_slice %arg4[%add3A_177, %dma_start3A_180] : memref<327680x64xf32, #tpu.memory_space<hbm>> -> memref<512x64xf32, #tpu.memory_space<hbm>>
      tpu.enqueue_dma source(%arg6 : memref<512x64xf32, #tpu.memory_space<vmem>>) target(%dma_start3A_181 : memref<512x64xf32, #tpu.memory_space<hbm>>) target_semaphore(%arg11 : memref<!tpu.dma_semaphore, #tpu.memory_space<semaphore_mem>>)
      %add3A_182 = arith.constant 1 : i32
      %add3A_183 = arith.addi %mul3A_64, %add3A_182 : i32
      %mul3A_184 = arith.constant 4 : i32
      %mul3A_185 = arith.muli %add3A_183, %mul3A_184 : i32
      %add3A_186 = arith.constant 0 : i32
      %add3A_187 = arith.addi %mul3A_185, %add3A_186 : i32
      %dma_wait3A_188 = arith.constant 0 : i32
      %dma_wait3A_189 = arith.constant 0 : i32
      %dma_wait3A_190 = tpu.memref_slice %arg7[%dma_wait3A_188, %dma_wait3A_189] : memref<512x64xf32, #tpu.memory_space<vmem>> -> memref<128x64xf32, #tpu.memory_space<vmem>>
      %dma_wait3A_191 = arith.constant 0 : i32
      %dma_wait3A_192 = tpu.memref_slice %arg5[%add3A_187, %dma_wait3A_191] : memref<80x128xi32, #tpu.memory_space<vmem>> -> memref<1x128xi32, #tpu.memory_space<vmem>>
      %dma_wait3A_193 = tpu.memref_squeeze %dma_wait3A_192 : memref<1x128xi32, #tpu.memory_space<vmem>> -> memref<128xi32, #tpu.memory_space<vmem>>
      %dma_wait3A_194 = arith.constant 0 : i32
      %dma_wait3A_195 = arith.constant 0 : i32
      %dma_wait3A_196 = tpu.memref_slice %arg8[%dma_wait3A_194, %dma_wait3A_195] : memref<10000x64xf32, #tpu.memory_space<vmem_shared>> -> memref<10000x64xf32, #tpu.memory_space<vmem_shared>>
      tpu.wait_indirect_dma semaphore(%arg10 : memref<!tpu.dma_semaphore, #tpu.memory_space<semaphore_mem>>) src(%dma_wait3A_196 : memref<10000x64xf32, #tpu.memory_space<vmem_shared>>) dst(%dma_wait3A_190 : memref<128x64xf32, #tpu.memory_space<vmem>>)
      %mul3A_197 = arith.constant 4 : i32
      %mul3A_198 = arith.muli %add3A_183, %mul3A_197 : i32
      %add3A_199 = arith.constant 1 : i32
      %add3A_200 = arith.addi %mul3A_198, %add3A_199 : i32
      %dma_wait3A_201 = arith.constant 128 : i32
      %dma_wait3A_202 = arith.constant 0 : i32
      %dma_wait3A_203 = tpu.memref_slice %arg7[%dma_wait3A_201, %dma_wait3A_202] : memref<512x64xf32, #tpu.memory_space<vmem>> -> memref<128x64xf32, #tpu.memory_space<vmem>>
      %dma_wait3A_204 = arith.constant 0 : i32
      %dma_wait3A_205 = tpu.memref_slice %arg5[%add3A_200, %dma_wait3A_204] : memref<80x128xi32, #tpu.memory_space<vmem>> -> memref<1x128xi32, #tpu.memory_space<vmem>>
      %dma_wait3A_206 = tpu.memref_squeeze %dma_wait3A_205 : memref<1x128xi32, #tpu.memory_space<vmem>> -> memref<128xi32, #tpu.memory_space<vmem>>
      %dma_wait3A_207 = arith.constant 0 : i32
      %dma_wait3A_208 = arith.constant 0 : i32
      %dma_wait3A_209 = tpu.memref_slice %arg8[%dma_wait3A_207, %dma_wait3A_208] : memref<10000x64xf32, #tpu.memory_space<vmem_shared>> -> memref<10000x64xf32, #tpu.memory_space<vmem_shared>>
      tpu.wait_indirect_dma semaphore(%arg10 : memref<!tpu.dma_semaphore, #tpu.memory_space<semaphore_mem>>) src(%dma_wait3A_209 : memref<10000x64xf32, #tpu.memory_space<vmem_shared>>) dst(%dma_wait3A_203 : memref<128x64xf32, #tpu.memory_space<vmem>>)
      %mul3A_210 = arith.constant 4 : i32
      %mul3A_211 = arith.muli %add3A_183, %mul3A_210 : i32
      %add3A_212 = arith.constant 2 : i32
      %add3A_213 = arith.addi %mul3A_211, %add3A_212 : i32
      %dma_wait3A_214 = arith.constant 256 : i32
      %dma_wait3A_215 = arith.constant 0 : i32
      %dma_wait3A_216 = tpu.memref_slice %arg7[%dma_wait3A_214, %dma_wait3A_215] : memref<512x64xf32, #tpu.memory_space<vmem>> -> memref<128x64xf32, #tpu.memory_space<vmem>>
      %dma_wait3A_217 = arith.constant 0 : i32
      %dma_wait3A_218 = tpu.memref_slice %arg5[%add3A_213, %dma_wait3A_217] : memref<80x128xi32, #tpu.memory_space<vmem>> -> memref<1x128xi32, #tpu.memory_space<vmem>>
      %dma_wait3A_219 = tpu.memref_squeeze %dma_wait3A_218 : memref<1x128xi32, #tpu.memory_space<vmem>> -> memref<128xi32, #tpu.memory_space<vmem>>
      %dma_wait3A_220 = arith.constant 0 : i32
      %dma_wait3A_221 = arith.constant 0 : i32
      %dma_wait3A_222 = tpu.memref_slice %arg8[%dma_wait3A_220, %dma_wait3A_221] : memref<10000x64xf32, #tpu.memory_space<vmem_shared>> -> memref<10000x64xf32, #tpu.memory_space<vmem_shared>>
      tpu.wait_indirect_dma semaphore(%arg10 : memref<!tpu.dma_semaphore, #tpu.memory_space<semaphore_mem>>) src(%dma_wait3A_222 : memref<10000x64xf32, #tpu.memory_space<vmem_shared>>) dst(%dma_wait3A_216 : memref<128x64xf32, #tpu.memory_space<vmem>>)
      %mul3A_223 = arith.constant 4 : i32
      %mul3A_224 = arith.muli %add3A_183, %mul3A_223 : i32
      %add3A_225 = arith.constant 3 : i32
      %add3A_226 = arith.addi %mul3A_224, %add3A_225 : i32
      %dma_wait3A_227 = arith.constant 384 : i32
      %dma_wait3A_228 = arith.constant 0 : i32
      %dma_wait3A_229 = tpu.memref_slice %arg7[%dma_wait3A_227, %dma_wait3A_228] : memref<512x64xf32, #tpu.memory_space<vmem>> -> memref<128x64xf32, #tpu.memory_space<vmem>>
      %dma_wait3A_230 = arith.constant 0 : i32
      %dma_wait3A_231 = tpu.memref_slice %arg5[%add3A_226, %dma_wait3A_230] : memref<80x128xi32, #tpu.memory_space<vmem>> -> memref<1x128xi32, #tpu.memory_space<vmem>>
      %dma_wait3A_232 = tpu.memref_squeeze %dma_wait3A_231 : memref<1x128xi32, #tpu.memory_space<vmem>> -> memref<128xi32, #tpu.memory_space<vmem>>
      %dma_wait3A_233 = arith.constant 0 : i32
      %dma_wait3A_234 = arith.constant 0 : i32
      %dma_wait3A_235 = tpu.memref_slice %arg8[%dma_wait3A_233, %dma_wait3A_234] : memref<10000x64xf32, #tpu.memory_space<vmem_shared>> -> memref<10000x64xf32, #tpu.memory_space<vmem_shared>>
      tpu.wait_indirect_dma semaphore(%arg10 : memref<!tpu.dma_semaphore, #tpu.memory_space<semaphore_mem>>) src(%dma_wait3A_235 : memref<10000x64xf32, #tpu.memory_space<vmem_shared>>) dst(%dma_wait3A_229 : memref<128x64xf32, #tpu.memory_space<vmem>>)
      %lt3A = arith.constant 9 : i32
      %lt3A_236 = arith.cmpi slt, %scan3A_61, %lt3A : i32
      %convert_element_type3A_237 = arith.extui %lt3A_236 : i1 to i32
      %cond3A_238 = arith.constant 0 : i32
      %cond3A_239 = arith.cmpi ne, %convert_element_type3A_237, %cond3A_238 : i32
      scf.if %cond3A_239 {
        %mul3A_250 = arith.constant 512 : i32
        %mul3A_251 = arith.muli %mul3A_64, %mul3A_250 : i32
        %add3A_252 = arith.addi %mul3A_2, %mul3A_251 : i32
        %dma_wait3A_253 = arith.constant 0 : i32
        %dma_wait3A_254 = tpu.memref_slice %arg4[%add3A_252, %dma_wait3A_253] : memref<327680x64xf32, #tpu.memory_space<hbm>> -> memref<512x64xf32, #tpu.memory_space<hbm>>
        %dma_wait3A_255 = arith.constant 0 : i32
        %dma_wait3A_256 = tpu.memref_slice %arg4[%add3A_252, %dma_wait3A_255] : memref<327680x64xf32, #tpu.memory_space<hbm>> -> memref<512x64xf32, #tpu.memory_space<hbm>>
        tpu.wait_dma2 semaphore(%arg11 : memref<!tpu.dma_semaphore, #tpu.memory_space<semaphore_mem>>) src(%arg6 : memref<512x64xf32, #tpu.memory_space<vmem>>) dst(%dma_wait3A_256 : memref<512x64xf32, #tpu.memory_space<hbm>>)
        %add3A_257 = arith.constant 2 : i32
        %add3A_258 = arith.addi %mul3A_64, %add3A_257 : i32
        %mul3A_259 = arith.constant 4 : i32
        %mul3A_260 = arith.muli %add3A_258, %mul3A_259 : i32
        %add3A_261 = arith.constant 0 : i32
        %add3A_262 = arith.addi %mul3A_260, %add3A_261 : i32
        %dma_start3A_263 = arith.constant 0 : i32
        %dma_start3A_264 = arith.constant 0 : i32
        %dma_start3A_265 = tpu.memref_slice %arg6[%dma_start3A_263, %dma_start3A_264] : memref<512x64xf32, #tpu.memory_space<vmem>> -> memref<128x64xf32, #tpu.memory_space<vmem>>
        %dma_start3A_266 = arith.constant 0 : i32
        %dma_start3A_267 = tpu.memref_slice %arg5[%add3A_262, %dma_start3A_266] : memref<80x128xi32, #tpu.memory_space<vmem>> -> memref<1x128xi32, #tpu.memory_space<vmem>>
        %dma_start3A_268 = tpu.memref_squeeze %dma_start3A_267 : memref<1x128xi32, #tpu.memory_space<vmem>> -> memref<128xi32, #tpu.memory_space<vmem>>
        %dma_start3A_269 = arith.constant 0 : i32
        %dma_start3A_270 = arith.constant 0 : i32
        %dma_start3A_271 = tpu.memref_slice %arg8[%dma_start3A_269, %dma_start3A_270] : memref<10000x64xf32, #tpu.memory_space<vmem_shared>> -> memref<10000x64xf32, #tpu.memory_space<vmem_shared>>
        tpu.enqueue_indirect_dma source(%dma_start3A_271 : memref<10000x64xf32, #tpu.memory_space<vmem_shared>>) target(%dma_start3A_265 : memref<128x64xf32, #tpu.memory_space<vmem>>) offsets(%dma_start3A_268 : memref<128xi32, #tpu.memory_space<vmem>>) semaphore(%arg9 : memref<!tpu.dma_semaphore, #tpu.memory_space<semaphore_mem>>)
        %mul3A_272 = arith.constant 4 : i32
        %mul3A_273 = arith.muli %add3A_258, %mul3A_272 : i32
        %add3A_274 = arith.constant 1 : i32
        %add3A_275 = arith.addi %mul3A_273, %add3A_274 : i32
        %dma_start3A_276 = arith.constant 128 : i32
        %dma_start3A_277 = arith.constant 0 : i32
        %dma_start3A_278 = tpu.memref_slice %arg6[%dma_start3A_276, %dma_start3A_277] : memref<512x64xf32, #tpu.memory_space<vmem>> -> memref<128x64xf32, #tpu.memory_space<vmem>>
        %dma_start3A_279 = arith.constant 0 : i32
        %dma_start3A_280 = tpu.memref_slice %arg5[%add3A_275, %dma_start3A_279] : memref<80x128xi32, #tpu.memory_space<vmem>> -> memref<1x128xi32, #tpu.memory_space<vmem>>
        %dma_start3A_281 = tpu.memref_squeeze %dma_start3A_280 : memref<1x128xi32, #tpu.memory_space<vmem>> -> memref<128xi32, #tpu.memory_space<vmem>>
        %dma_start3A_282 = arith.constant 0 : i32
        %dma_start3A_283 = arith.constant 0 : i32
        %dma_start3A_284 = tpu.memref_slice %arg8[%dma_start3A_282, %dma_start3A_283] : memref<10000x64xf32, #tpu.memory_space<vmem_shared>> -> memref<10000x64xf32, #tpu.memory_space<vmem_shared>>
        tpu.enqueue_indirect_dma source(%dma_start3A_284 : memref<10000x64xf32, #tpu.memory_space<vmem_shared>>) target(%dma_start3A_278 : memref<128x64xf32, #tpu.memory_space<vmem>>) offsets(%dma_start3A_281 : memref<128xi32, #tpu.memory_space<vmem>>) semaphore(%arg9 : memref<!tpu.dma_semaphore, #tpu.memory_space<semaphore_mem>>)
        %mul3A_285 = arith.constant 4 : i32
        %mul3A_286 = arith.muli %add3A_258, %mul3A_285 : i32
        %add3A_287 = arith.constant 2 : i32
        %add3A_288 = arith.addi %mul3A_286, %add3A_287 : i32
        %dma_start3A_289 = arith.constant 256 : i32
        %dma_start3A_290 = arith.constant 0 : i32
        %dma_start3A_291 = tpu.memref_slice %arg6[%dma_start3A_289, %dma_start3A_290] : memref<512x64xf32, #tpu.memory_space<vmem>> -> memref<128x64xf32, #tpu.memory_space<vmem>>
        %dma_start3A_292 = arith.constant 0 : i32
        %dma_start3A_293 = tpu.memref_slice %arg5[%add3A_288, %dma_start3A_292] : memref<80x128xi32, #tpu.memory_space<vmem>> -> memref<1x128xi32, #tpu.memory_space<vmem>>
        %dma_start3A_294 = tpu.memref_squeeze %dma_start3A_293 : memref<1x128xi32, #tpu.memory_space<vmem>> -> memref<128xi32, #tpu.memory_space<vmem>>
        %dma_start3A_295 = arith.constant 0 : i32
        %dma_start3A_296 = arith.constant 0 : i32
        %dma_start3A_297 = tpu.memref_slice %arg8[%dma_start3A_295, %dma_start3A_296] : memref<10000x64xf32, #tpu.memory_space<vmem_shared>> -> memref<10000x64xf32, #tpu.memory_space<vmem_shared>>
        tpu.enqueue_indirect_dma source(%dma_start3A_297 : memref<10000x64xf32, #tpu.memory_space<vmem_shared>>) target(%dma_start3A_291 : memref<128x64xf32, #tpu.memory_space<vmem>>) offsets(%dma_start3A_294 : memref<128xi32, #tpu.memory_space<vmem>>) semaphore(%arg9 : memref<!tpu.dma_semaphore, #tpu.memory_space<semaphore_mem>>)
        %mul3A_298 = arith.constant 4 : i32
        %mul3A_299 = arith.muli %add3A_258, %mul3A_298 : i32
        %add3A_300 = arith.constant 3 : i32
        %add3A_301 = arith.addi %mul3A_299, %add3A_300 : i32
        %dma_start3A_302 = arith.constant 384 : i32
        %dma_start3A_303 = arith.constant 0 : i32
        %dma_start3A_304 = tpu.memref_slice %arg6[%dma_start3A_302, %dma_start3A_303] : memref<512x64xf32, #tpu.memory_space<vmem>> -> memref<128x64xf32, #tpu.memory_space<vmem>>
        %dma_start3A_305 = arith.constant 0 : i32
        %dma_start3A_306 = tpu.memref_slice %arg5[%add3A_301, %dma_start3A_305] : memref<80x128xi32, #tpu.memory_space<vmem>> -> memref<1x128xi32, #tpu.memory_space<vmem>>
        %dma_start3A_307 = tpu.memref_squeeze %dma_start3A_306 : memref<1x128xi32, #tpu.memory_space<vmem>> -> memref<128xi32, #tpu.memory_space<vmem>>
        %dma_start3A_308 = arith.constant 0 : i32
        %dma_start3A_309 = arith.constant 0 : i32
        %dma_start3A_310 = tpu.memref_slice %arg8[%dma_start3A_308, %dma_start3A_309] : memref<10000x64xf32, #tpu.memory_space<vmem_shared>> -> memref<10000x64xf32, #tpu.memory_space<vmem_shared>>
        tpu.enqueue_indirect_dma source(%dma_start3A_310 : memref<10000x64xf32, #tpu.memory_space<vmem_shared>>) target(%dma_start3A_304 : memref<128x64xf32, #tpu.memory_space<vmem>>) offsets(%dma_start3A_307 : memref<128xi32, #tpu.memory_space<vmem>>) semaphore(%arg9 : memref<!tpu.dma_semaphore, #tpu.memory_space<semaphore_mem>>)
      } else {
      }
      %add3A_240 = arith.constant 1 : i32
      %add3A_241 = arith.addi %mul3A_64, %add3A_240 : i32
      %mul3A_242 = arith.constant 512 : i32
      %mul3A_243 = arith.muli %add3A_241, %mul3A_242 : i32
      %add3A_244 = arith.addi %mul3A_2, %mul3A_243 : i32
      %dma_start3A_245 = arith.constant 0 : i32
      %dma_start3A_246 = tpu.memref_slice %arg4[%add3A_244, %dma_start3A_245] : memref<327680x64xf32, #tpu.memory_space<hbm>> -> memref<512x64xf32, #tpu.memory_space<hbm>>
      %dma_start3A_247 = arith.constant 0 : i32
      %dma_start3A_248 = tpu.memref_slice %arg4[%add3A_244, %dma_start3A_247] : memref<327680x64xf32, #tpu.memory_space<hbm>> -> memref<512x64xf32, #tpu.memory_space<hbm>>
      tpu.enqueue_dma source(%arg7 : memref<512x64xf32, #tpu.memory_space<vmem>>) target(%dma_start3A_248 : memref<512x64xf32, #tpu.memory_space<hbm>>) target_semaphore(%arg12 : memref<!tpu.dma_semaphore, #tpu.memory_space<semaphore_mem>>)
      %scan3A_249 = arith.constant 0 : i32
      scf.yield %scan3A_249 : i32
    }
    %scan3A_49 = arith.constant 10 : i32
    %add3A_50 = arith.constant 9216 : i32
    %add3A_51 = arith.addi %mul3A_2, %add3A_50 : i32
    %dma_wait3A = arith.constant 0 : i32
    %dma_wait3A_52 = tpu.memref_slice %arg4[%add3A_51, %dma_wait3A] : memref<327680x64xf32, #tpu.memory_space<hbm>> -> memref<512x64xf32, #tpu.memory_space<hbm>>
    %dma_wait3A_53 = arith.constant 0 : i32
    %dma_wait3A_54 = tpu.memref_slice %arg4[%add3A_51, %dma_wait3A_53] : memref<327680x64xf32, #tpu.memory_space<hbm>> -> memref<512x64xf32, #tpu.memory_space<hbm>>
    tpu.wait_dma2 semaphore(%arg11 : memref<!tpu.dma_semaphore, #tpu.memory_space<semaphore_mem>>) src(%arg6 : memref<512x64xf32, #tpu.memory_space<vmem>>) dst(%dma_wait3A_54 : memref<512x64xf32, #tpu.memory_space<hbm>>)
    %add3A_55 = arith.constant 9728 : i32
    %add3A_56 = arith.addi %mul3A_2, %add3A_55 : i32
    %dma_wait3A_57 = arith.constant 0 : i32
    %dma_wait3A_58 = tpu.memref_slice %arg4[%add3A_56, %dma_wait3A_57] : memref<327680x64xf32, #tpu.memory_space<hbm>> -> memref<512x64xf32, #tpu.memory_space<hbm>>
    %dma_wait3A_59 = arith.constant 0 : i32
    %dma_wait3A_60 = tpu.memref_slice %arg4[%add3A_56, %dma_wait3A_59] : memref<327680x64xf32, #tpu.memory_space<hbm>> -> memref<512x64xf32, #tpu.memory_space<hbm>>
    tpu.wait_dma2 semaphore(%arg12 : memref<!tpu.dma_semaphore, #tpu.memory_space<semaphore_mem>>) src(%arg7 : memref<512x64xf32, #tpu.memory_space<vmem>>) dst(%dma_wait3A_60 : memref<512x64xf32, #tpu.memory_space<hbm>>)
    return
  }
}

#map = affine_map<(d0, d1) -> (0, 0)>
#map1 = affine_map<(d0, d1) -> (0, 0, 0)>
module attributes {stable_mosaic.version = 14 : i64} {
  func.func @gather_kernel(%arg0: i32, %arg1: i32, %arg2: memref<10000x64xf32, #tpu.memory_space<hbm>>, %arg3: memref<32x80x128xi32, #tpu.memory_space<hbm>>, %arg4: memref<327680x64xf32, #tpu.memory_space<hbm>>, %arg5: memref<80x128xi32, #tpu.memory_space<vmem>>, %arg6: memref<512x64xf32, #tpu.memory_space<vmem>>, %arg7: memref<512x64xf32, #tpu.memory_space<vmem>>, %arg8: memref<10000x64xf32, #tpu.memory_space<vmem_shared>>, %arg9: memref<!tpu.dma_semaphore, #tpu.memory_space<semaphore_mem>>, %arg10: memref<!tpu.dma_semaphore, #tpu.memory_space<semaphore_mem>>, %arg11: memref<!tpu.dma_semaphore, #tpu.memory_space<semaphore_mem>>, %arg12: memref<!tpu.dma_semaphore, #tpu.memory_space<semaphore_mem>>) attributes {dimension_semantics = [#tpu.dimension_semantics<core_parallel>, #tpu.dimension_semantics<subcore_parallel>], iteration_bounds = array<i64: 2, 16>, scalar_prefetch = 0 : i64, scratch_operands = 8 : i64, tpu.core_type = #tpu.core_type<sc_vector_subcore>, window_params = [{transform_indices = #map}, {transform_indices = #map1}, {transform_indices = #map}]} {
    %mul3A = arith.constant 2 : i32
    %mul3A_0 = arith.muli %arg1, %mul3A : i32
    %add3A = arith.addi %mul3A_0, %arg0 : i32
    %mul3A_1 = arith.constant 10240 : i32
    %mul3A_2 = arith.muli %add3A, %mul3A_1 : i32
    %eq3A = arith.constant 0 : i32
    %eq3A_3 = arith.cmpi eq, %arg1, %eq3A : i32
    %convert_element_type3A = arith.extui %eq3A_3 : i1 to i32
    %cond3A = arith.constant 0 : i32
    %cond3A_4 = arith.cmpi ne, %convert_element_type3A, %cond3A : i32
    scf.if %cond3A_4 {
      "tpu.region"() ({
        %run_scoped3A = tpu.sem_alloc : memref<!tpu.dma_semaphore, #tpu.memory_space<semaphore_mem>>
        tpu.enqueue_dma source(%arg2 : memref<10000x64xf32, #tpu.memory_space<hbm>>) target(%arg8 : memref<10000x64xf32, #tpu.memory_space<vmem_shared>>) target_semaphore(%run_scoped3A : memref<!tpu.dma_semaphore, #tpu.memory_space<semaphore_mem>>)
        tpu.wait_dma2 semaphore(%run_scoped3A : memref<!tpu.dma_semaphore, #tpu.memory_space<semaphore_mem>>) src(%arg2 : memref<10000x64xf32, #tpu.memory_space<hbm>>) dst(%arg8 : memref<10000x64xf32, #tpu.memory_space<vmem_shared>>)
        tpu.yield
      }) : () -> ()
    } else {
    }
    "tpu.region"() ({
      %run_scoped3A = tpu.sem_alloc : memref<!tpu.dma_semaphore, #tpu.memory_space<semaphore_mem>>
      %dma_start3A_61 = arith.constant 0 : i32
      %dma_start3A_62 = arith.constant 0 : i32
      %dma_start3A_63 = tpu.memref_slice %arg3[%add3A, %dma_start3A_61, %dma_start3A_62] : memref<32x80x128xi32, #tpu.memory_space<hbm>> -> memref<1x80x128xi32, #tpu.memory_space<hbm>>
      %dma_start3A_64 = tpu.memref_squeeze %dma_start3A_63 : memref<1x80x128xi32, #tpu.memory_space<hbm>> -> memref<80x128xi32, #tpu.memory_space<hbm>>
      %dma_start3A_65 = arith.constant 0 : i32
      %dma_start3A_66 = arith.constant 0 : i32
      %dma_start3A_67 = tpu.memref_slice %arg3[%add3A, %dma_start3A_65, %dma_start3A_66] : memref<32x80x128xi32, #tpu.memory_space<hbm>> -> memref<1x80x128xi32, #tpu.memory_space<hbm>>
      %dma_start3A_68 = tpu.memref_squeeze %dma_start3A_67 : memref<1x80x128xi32, #tpu.memory_space<hbm>> -> memref<80x128xi32, #tpu.memory_space<hbm>>
      tpu.enqueue_dma source(%dma_start3A_68 : memref<80x128xi32, #tpu.memory_space<hbm>>) target(%arg5 : memref<80x128xi32, #tpu.memory_space<vmem>>) target_semaphore(%run_scoped3A : memref<!tpu.dma_semaphore, #tpu.memory_space<semaphore_mem>>)
      %dma_wait3A_69 = arith.constant 0 : i32
      %dma_wait3A_70 = arith.constant 0 : i32
      %dma_wait3A_71 = tpu.memref_slice %arg3[%add3A, %dma_wait3A_69, %dma_wait3A_70] : memref<32x80x128xi32, #tpu.memory_space<hbm>> -> memref<1x80x128xi32, #tpu.memory_space<hbm>>
      %dma_wait3A_72 = tpu.memref_squeeze %dma_wait3A_71 : memref<1x80x128xi32, #tpu.memory_space<hbm>> -> memref<80x128xi32, #tpu.memory_space<hbm>>
      %dma_wait3A_73 = arith.constant 0 : i32
      %dma_wait3A_74 = arith.constant 0 : i32
      %dma_wait3A_75 = tpu.memref_slice %arg3[%add3A, %dma_wait3A_73, %dma_wait3A_74] : memref<32x80x128xi32, #tpu.memory_space<hbm>> -> memref<1x80x128xi32, #tpu.memory_space<hbm>>
      %dma_wait3A_76 = tpu.memref_squeeze %dma_wait3A_75 : memref<1x80x128xi32, #tpu.memory_space<hbm>> -> memref<80x128xi32, #tpu.memory_space<hbm>>
      tpu.wait_dma2 semaphore(%run_scoped3A : memref<!tpu.dma_semaphore, #tpu.memory_space<semaphore_mem>>) src(%dma_wait3A_76 : memref<80x128xi32, #tpu.memory_space<hbm>>) dst(%arg5 : memref<80x128xi32, #tpu.memory_space<vmem>>)
      tpu.yield
    }) : () -> ()
    %barrier3A = arith.constant 0 : index
    tpu.barrier barrier_id(%barrier3A)
    %dma_start3A = arith.constant 0 : i32
    %dma_start3A_5 = arith.constant 0 : i32
    %dma_start3A_6 = arith.constant 0 : i32
    %dma_start3A_7 = tpu.memref_slice %arg6[%dma_start3A_5, %dma_start3A_6] : memref<512x64xf32, #tpu.memory_space<vmem>> -> memref<128x64xf32, #tpu.memory_space<vmem>>
    %dma_start3A_8 = arith.constant 0 : i32
    %dma_start3A_9 = tpu.memref_slice %arg5[%dma_start3A, %dma_start3A_8] : memref<80x128xi32, #tpu.memory_space<vmem>> -> memref<1x128xi32, #tpu.memory_space<vmem>>
    %dma_start3A_10 = tpu.memref_squeeze %dma_start3A_9 : memref<1x128xi32, #tpu.memory_space<vmem>> -> memref<128xi32, #tpu.memory_space<vmem>>
    %dma_start3A_11 = arith.constant 0 : i32
    %dma_start3A_12 = arith.constant 0 : i32
    %dma_start3A_13 = tpu.memref_slice %arg8[%dma_start3A_11, %dma_start3A_12] : memref<10000x64xf32, #tpu.memory_space<vmem_shared>> -> memref<10000x64xf32, #tpu.memory_space<vmem_shared>>
    tpu.enqueue_indirect_dma source(%dma_start3A_13 : memref<10000x64xf32, #tpu.memory_space<vmem_shared>>) target(%dma_start3A_7 : memref<128x64xf32, #tpu.memory_space<vmem>>) offsets(%dma_start3A_10 : memref<128xi32, #tpu.memory_space<vmem>>) semaphore(%arg9 : memref<!tpu.dma_semaphore, #tpu.memory_space<semaphore_mem>>)
    %dma_start3A_14 = arith.constant 1 : i32
    %dma_start3A_15 = arith.constant 128 : i32
    %dma_start3A_16 = arith.constant 0 : i32
    %dma_start3A_17 = tpu.memref_slice %arg6[%dma_start3A_15, %dma_start3A_16] : memref<512x64xf32, #tpu.memory_space<vmem>> -> memref<128x64xf32, #tpu.memory_space<vmem>>
    %dma_start3A_18 = arith.constant 0 : i32
    %dma_start3A_19 = tpu.memref_slice %arg5[%dma_start3A_14, %dma_start3A_18] : memref<80x128xi32, #tpu.memory_space<vmem>> -> memref<1x128xi32, #tpu.memory_space<vmem>>
    %dma_start3A_20 = tpu.memref_squeeze %dma_start3A_19 : memref<1x128xi32, #tpu.memory_space<vmem>> -> memref<128xi32, #tpu.memory_space<vmem>>
    %dma_start3A_21 = arith.constant 0 : i32
    %dma_start3A_22 = arith.constant 0 : i32
    %dma_start3A_23 = tpu.memref_slice %arg8[%dma_start3A_21, %dma_start3A_22] : memref<10000x64xf32, #tpu.memory_space<vmem_shared>> -> memref<10000x64xf32, #tpu.memory_space<vmem_shared>>
    tpu.enqueue_indirect_dma source(%dma_start3A_23 : memref<10000x64xf32, #tpu.memory_space<vmem_shared>>) target(%dma_start3A_17 : memref<128x64xf32, #tpu.memory_space<vmem>>) offsets(%dma_start3A_20 : memref<128xi32, #tpu.memory_space<vmem>>) semaphore(%arg9 : memref<!tpu.dma_semaphore, #tpu.memory_space<semaphore_mem>>)
    %dma_start3A_24 = arith.constant 2 : i32
    %dma_start3A_25 = arith.constant 256 : i32
    %dma_start3A_26 = arith.constant 0 : i32
    %dma_start3A_27 = tpu.memref_slice %arg6[%dma_start3A_25, %dma_start3A_26] : memref<512x64xf32, #tpu.memory_space<vmem>> -> memref<128x64xf32, #tpu.memory_space<vmem>>
    %dma_start3A_28 = arith.constant 0 : i32
    %dma_start3A_29 = tpu.memref_slice %arg5[%dma_start3A_24, %dma_start3A_28] : memref<80x128xi32, #tpu.memory_space<vmem>> -> memref<1x128xi32, #tpu.memory_space<vmem>>
    %dma_start3A_30 = tpu.memref_squeeze %dma_start3A_29 : memref<1x128xi32, #tpu.memory_space<vmem>> -> memref<128xi32, #tpu.memory_space<vmem>>
    %dma_start3A_31 = arith.constant 0 : i32
    %dma_start3A_32 = arith.constant 0 : i32
    %dma_start3A_33 = tpu.memref_slice %arg8[%dma_start3A_31, %dma_start3A_32] : memref<10000x64xf32, #tpu.memory_space<vmem_shared>> -> memref<10000x64xf32, #tpu.memory_space<vmem_shared>>
    tpu.enqueue_indirect_dma source(%dma_start3A_33 : memref<10000x64xf32, #tpu.memory_space<vmem_shared>>) target(%dma_start3A_27 : memref<128x64xf32, #tpu.memory_space<vmem>>) offsets(%dma_start3A_30 : memref<128xi32, #tpu.memory_space<vmem>>) semaphore(%arg9 : memref<!tpu.dma_semaphore, #tpu.memory_space<semaphore_mem>>)
    %dma_start3A_34 = arith.constant 3 : i32
    %dma_start3A_35 = arith.constant 384 : i32
    %dma_start3A_36 = arith.constant 0 : i32
    %dma_start3A_37 = tpu.memref_slice %arg6[%dma_start3A_35, %dma_start3A_36] : memref<512x64xf32, #tpu.memory_space<vmem>> -> memref<128x64xf32, #tpu.memory_space<vmem>>
    %dma_start3A_38 = arith.constant 0 : i32
    %dma_start3A_39 = tpu.memref_slice %arg5[%dma_start3A_34, %dma_start3A_38] : memref<80x128xi32, #tpu.memory_space<vmem>> -> memref<1x128xi32, #tpu.memory_space<vmem>>
    %dma_start3A_40 = tpu.memref_squeeze %dma_start3A_39 : memref<1x128xi32, #tpu.memory_space<vmem>> -> memref<128xi32, #tpu.memory_space<vmem>>
    %dma_start3A_41 = arith.constant 0 : i32
    %dma_start3A_42 = arith.constant 0 : i32
    %dma_start3A_43 = tpu.memref_slice %arg8[%dma_start3A_41, %dma_start3A_42] : memref<10000x64xf32, #tpu.memory_space<vmem_shared>> -> memref<10000x64xf32, #tpu.memory_space<vmem_shared>>
    tpu.enqueue_indirect_dma source(%dma_start3A_43 : memref<10000x64xf32, #tpu.memory_space<vmem_shared>>) target(%dma_start3A_37 : memref<128x64xf32, #tpu.memory_space<vmem>>) offsets(%dma_start3A_40 : memref<128xi32, #tpu.memory_space<vmem>>) semaphore(%arg9 : memref<!tpu.dma_semaphore, #tpu.memory_space<semaphore_mem>>)
    %scan3A = arith.constant 0 : i32
    %scan3A_44 = arith.constant 0 : i32
    %scan3A_45 = arith.constant 10 : i32
    %scan3A_46 = arith.addi %scan3A_44, %scan3A_45 : i32
    %scan3A_47 = arith.constant 1 : i32
    %scan3A_48 = scf.for %scan3A_61 = %scan3A_44 to %scan3A_46 step %scan3A_47 iter_args(%scan3A_62 = %scan3A) -> (i32)  : i32 {
      %mul3A_63 = arith.constant 2 : i32
      %mul3A_64 = arith.muli %mul3A_63, %scan3A_61 : i32
      %mul3A_65 = arith.constant 4 : i32
      %mul3A_66 = arith.muli %mul3A_64, %mul3A_65 : i32
      %add3A_67 = arith.constant 0 : i32
      %add3A_68 = arith.addi %mul3A_66, %add3A_67 : i32
      %dma_wait3A_69 = arith.constant 0 : i32
      %dma_wait3A_70 = arith.constant 0 : i32
      %dma_wait3A_71 = tpu.memref_slice %arg6[%dma_wait3A_69, %dma_wait3A_70] : memref<512x64xf32, #tpu.memory_space<vmem>> -> memref<128x64xf32, #tpu.memory_space<vmem>>
      %dma_wait3A_72 = arith.constant 0 : i32
      %dma_wait3A_73 = tpu.memref_slice %arg5[%add3A_68, %dma_wait3A_72] : memref<80x128xi32, #tpu.memory_space<vmem>> -> memref<1x128xi32, #tpu.memory_space<vmem>>
      %dma_wait3A_74 = tpu.memref_squeeze %dma_wait3A_73 : memref<1x128xi32, #tpu.memory_space<vmem>> -> memref<128xi32, #tpu.memory_space<vmem>>
      %dma_wait3A_75 = arith.constant 0 : i32
      %dma_wait3A_76 = arith.constant 0 : i32
      %dma_wait3A_77 = tpu.memref_slice %arg8[%dma_wait3A_75, %dma_wait3A_76] : memref<10000x64xf32, #tpu.memory_space<vmem_shared>> -> memref<10000x64xf32, #tpu.memory_space<vmem_shared>>
      tpu.wait_indirect_dma semaphore(%arg9 : memref<!tpu.dma_semaphore, #tpu.memory_space<semaphore_mem>>) src(%dma_wait3A_77 : memref<10000x64xf32, #tpu.memory_space<vmem_shared>>) dst(%dma_wait3A_71 : memref<128x64xf32, #tpu.memory_space<vmem>>)
      %mul3A_78 = arith.constant 4 : i32
      %mul3A_79 = arith.muli %mul3A_64, %mul3A_78 : i32
      %add3A_80 = arith.constant 1 : i32
      %add3A_81 = arith.addi %mul3A_79, %add3A_80 : i32
      %dma_wait3A_82 = arith.constant 128 : i32
      %dma_wait3A_83 = arith.constant 0 : i32
      %dma_wait3A_84 = tpu.memref_slice %arg6[%dma_wait3A_82, %dma_wait3A_83] : memref<512x64xf32, #tpu.memory_space<vmem>> -> memref<128x64xf32, #tpu.memory_space<vmem>>
      %dma_wait3A_85 = arith.constant 0 : i32
      %dma_wait3A_86 = tpu.memref_slice %arg5[%add3A_81, %dma_wait3A_85] : memref<80x128xi32, #tpu.memory_space<vmem>> -> memref<1x128xi32, #tpu.memory_space<vmem>>
      %dma_wait3A_87 = tpu.memref_squeeze %dma_wait3A_86 : memref<1x128xi32, #tpu.memory_space<vmem>> -> memref<128xi32, #tpu.memory_space<vmem>>
      %dma_wait3A_88 = arith.constant 0 : i32
      %dma_wait3A_89 = arith.constant 0 : i32
      %dma_wait3A_90 = tpu.memref_slice %arg8[%dma_wait3A_88, %dma_wait3A_89] : memref<10000x64xf32, #tpu.memory_space<vmem_shared>> -> memref<10000x64xf32, #tpu.memory_space<vmem_shared>>
      tpu.wait_indirect_dma semaphore(%arg9 : memref<!tpu.dma_semaphore, #tpu.memory_space<semaphore_mem>>) src(%dma_wait3A_90 : memref<10000x64xf32, #tpu.memory_space<vmem_shared>>) dst(%dma_wait3A_84 : memref<128x64xf32, #tpu.memory_space<vmem>>)
      %mul3A_91 = arith.constant 4 : i32
      %mul3A_92 = arith.muli %mul3A_64, %mul3A_91 : i32
      %add3A_93 = arith.constant 2 : i32
      %add3A_94 = arith.addi %mul3A_92, %add3A_93 : i32
      %dma_wait3A_95 = arith.constant 256 : i32
      %dma_wait3A_96 = arith.constant 0 : i32
      %dma_wait3A_97 = tpu.memref_slice %arg6[%dma_wait3A_95, %dma_wait3A_96] : memref<512x64xf32, #tpu.memory_space<vmem>> -> memref<128x64xf32, #tpu.memory_space<vmem>>
      %dma_wait3A_98 = arith.constant 0 : i32
      %dma_wait3A_99 = tpu.memref_slice %arg5[%add3A_94, %dma_wait3A_98] : memref<80x128xi32, #tpu.memory_space<vmem>> -> memref<1x128xi32, #tpu.memory_space<vmem>>
      %dma_wait3A_100 = tpu.memref_squeeze %dma_wait3A_99 : memref<1x128xi32, #tpu.memory_space<vmem>> -> memref<128xi32, #tpu.memory_space<vmem>>
      %dma_wait3A_101 = arith.constant 0 : i32
      %dma_wait3A_102 = arith.constant 0 : i32
      %dma_wait3A_103 = tpu.memref_slice %arg8[%dma_wait3A_101, %dma_wait3A_102] : memref<10000x64xf32, #tpu.memory_space<vmem_shared>> -> memref<10000x64xf32, #tpu.memory_space<vmem_shared>>
      tpu.wait_indirect_dma semaphore(%arg9 : memref<!tpu.dma_semaphore, #tpu.memory_space<semaphore_mem>>) src(%dma_wait3A_103 : memref<10000x64xf32, #tpu.memory_space<vmem_shared>>) dst(%dma_wait3A_97 : memref<128x64xf32, #tpu.memory_space<vmem>>)
      %mul3A_104 = arith.constant 4 : i32
      %mul3A_105 = arith.muli %mul3A_64, %mul3A_104 : i32
      %add3A_106 = arith.constant 3 : i32
      %add3A_107 = arith.addi %mul3A_105, %add3A_106 : i32
      %dma_wait3A_108 = arith.constant 384 : i32
      %dma_wait3A_109 = arith.constant 0 : i32
      %dma_wait3A_110 = tpu.memref_slice %arg6[%dma_wait3A_108, %dma_wait3A_109] : memref<512x64xf32, #tpu.memory_space<vmem>> -> memref<128x64xf32, #tpu.memory_space<vmem>>
      %dma_wait3A_111 = arith.constant 0 : i32
      %dma_wait3A_112 = tpu.memref_slice %arg5[%add3A_107, %dma_wait3A_111] : memref<80x128xi32, #tpu.memory_space<vmem>> -> memref<1x128xi32, #tpu.memory_space<vmem>>
      %dma_wait3A_113 = tpu.memref_squeeze %dma_wait3A_112 : memref<1x128xi32, #tpu.memory_space<vmem>> -> memref<128xi32, #tpu.memory_space<vmem>>
      %dma_wait3A_114 = arith.constant 0 : i32
      %dma_wait3A_115 = arith.constant 0 : i32
      %dma_wait3A_116 = tpu.memref_slice %arg8[%dma_wait3A_114, %dma_wait3A_115] : memref<10000x64xf32, #tpu.memory_space<vmem_shared>> -> memref<10000x64xf32, #tpu.memory_space<vmem_shared>>
      tpu.wait_indirect_dma semaphore(%arg9 : memref<!tpu.dma_semaphore, #tpu.memory_space<semaphore_mem>>) src(%dma_wait3A_116 : memref<10000x64xf32, #tpu.memory_space<vmem_shared>>) dst(%dma_wait3A_110 : memref<128x64xf32, #tpu.memory_space<vmem>>)
      %gt3A = arith.constant 0 : i32
      %gt3A_117 = arith.cmpi sgt, %scan3A_61, %gt3A : i32
      %convert_element_type3A_118 = arith.extui %gt3A_117 : i1 to i32
      %cond3A_119 = arith.constant 0 : i32
      %cond3A_120 = arith.cmpi ne, %convert_element_type3A_118, %cond3A_119 : i32
      scf.if %cond3A_120 {
        %sub3A = arith.constant 1 : i32
        %sub3A_250 = arith.subi %mul3A_64, %sub3A : i32
        %mul3A_251 = arith.constant 512 : i32
        %mul3A_252 = arith.muli %sub3A_250, %mul3A_251 : i32
        %add3A_253 = arith.addi %mul3A_2, %mul3A_252 : i32
        %dma_wait3A_254 = arith.constant 0 : i32
        %dma_wait3A_255 = tpu.memref_slice %arg4[%add3A_253, %dma_wait3A_254] : memref<327680x64xf32, #tpu.memory_space<hbm>> -> memref<512x64xf32, #tpu.memory_space<hbm>>
        %dma_wait3A_256 = arith.constant 0 : i32
        %dma_wait3A_257 = tpu.memref_slice %arg4[%add3A_253, %dma_wait3A_256] : memref<327680x64xf32, #tpu.memory_space<hbm>> -> memref<512x64xf32, #tpu.memory_space<hbm>>
        tpu.wait_dma2 semaphore(%arg12 : memref<!tpu.dma_semaphore, #tpu.memory_space<semaphore_mem>>) src(%arg7 : memref<512x64xf32, #tpu.memory_space<vmem>>) dst(%dma_wait3A_257 : memref<512x64xf32, #tpu.memory_space<hbm>>)
      } else {
      }
      %add3A_121 = arith.constant 1 : i32
      %add3A_122 = arith.addi %mul3A_64, %add3A_121 : i32
      %mul3A_123 = arith.constant 4 : i32
      %mul3A_124 = arith.muli %add3A_122, %mul3A_123 : i32
      %add3A_125 = arith.constant 0 : i32
      %add3A_126 = arith.addi %mul3A_124, %add3A_125 : i32
      %dma_start3A_127 = arith.constant 0 : i32
      %dma_start3A_128 = arith.constant 0 : i32
      %dma_start3A_129 = tpu.memref_slice %arg7[%dma_start3A_127, %dma_start3A_128] : memref<512x64xf32, #tpu.memory_space<vmem>> -> memref<128x64xf32, #tpu.memory_space<vmem>>
      %dma_start3A_130 = arith.constant 0 : i32
      %dma_start3A_131 = tpu.memref_slice %arg5[%add3A_126, %dma_start3A_130] : memref<80x128xi32, #tpu.memory_space<vmem>> -> memref<1x128xi32, #tpu.memory_space<vmem>>
      %dma_start3A_132 = tpu.memref_squeeze %dma_start3A_131 : memref<1x128xi32, #tpu.memory_space<vmem>> -> memref<128xi32, #tpu.memory_space<vmem>>
      %dma_start3A_133 = arith.constant 0 : i32
      %dma_start3A_134 = arith.constant 0 : i32
      %dma_start3A_135 = tpu.memref_slice %arg8[%dma_start3A_133, %dma_start3A_134] : memref<10000x64xf32, #tpu.memory_space<vmem_shared>> -> memref<10000x64xf32, #tpu.memory_space<vmem_shared>>
      tpu.enqueue_indirect_dma source(%dma_start3A_135 : memref<10000x64xf32, #tpu.memory_space<vmem_shared>>) target(%dma_start3A_129 : memref<128x64xf32, #tpu.memory_space<vmem>>) offsets(%dma_start3A_132 : memref<128xi32, #tpu.memory_space<vmem>>) semaphore(%arg10 : memref<!tpu.dma_semaphore, #tpu.memory_space<semaphore_mem>>)
      %mul3A_136 = arith.constant 4 : i32
      %mul3A_137 = arith.muli %add3A_122, %mul3A_136 : i32
      %add3A_138 = arith.constant 1 : i32
      %add3A_139 = arith.addi %mul3A_137, %add3A_138 : i32
      %dma_start3A_140 = arith.constant 128 : i32
      %dma_start3A_141 = arith.constant 0 : i32
      %dma_start3A_142 = tpu.memref_slice %arg7[%dma_start3A_140, %dma_start3A_141] : memref<512x64xf32, #tpu.memory_space<vmem>> -> memref<128x64xf32, #tpu.memory_space<vmem>>
      %dma_start3A_143 = arith.constant 0 : i32
      %dma_start3A_144 = tpu.memref_slice %arg5[%add3A_139, %dma_start3A_143] : memref<80x128xi32, #tpu.memory_space<vmem>> -> memref<1x128xi32, #tpu.memory_space<vmem>>
      %dma_start3A_145 = tpu.memref_squeeze %dma_start3A_144 : memref<1x128xi32, #tpu.memory_space<vmem>> -> memref<128xi32, #tpu.memory_space<vmem>>
      %dma_start3A_146 = arith.constant 0 : i32
      %dma_start3A_147 = arith.constant 0 : i32
      %dma_start3A_148 = tpu.memref_slice %arg8[%dma_start3A_146, %dma_start3A_147] : memref<10000x64xf32, #tpu.memory_space<vmem_shared>> -> memref<10000x64xf32, #tpu.memory_space<vmem_shared>>
      tpu.enqueue_indirect_dma source(%dma_start3A_148 : memref<10000x64xf32, #tpu.memory_space<vmem_shared>>) target(%dma_start3A_142 : memref<128x64xf32, #tpu.memory_space<vmem>>) offsets(%dma_start3A_145 : memref<128xi32, #tpu.memory_space<vmem>>) semaphore(%arg10 : memref<!tpu.dma_semaphore, #tpu.memory_space<semaphore_mem>>)
      %mul3A_149 = arith.constant 4 : i32
      %mul3A_150 = arith.muli %add3A_122, %mul3A_149 : i32
      %add3A_151 = arith.constant 2 : i32
      %add3A_152 = arith.addi %mul3A_150, %add3A_151 : i32
      %dma_start3A_153 = arith.constant 256 : i32
      %dma_start3A_154 = arith.constant 0 : i32
      %dma_start3A_155 = tpu.memref_slice %arg7[%dma_start3A_153, %dma_start3A_154] : memref<512x64xf32, #tpu.memory_space<vmem>> -> memref<128x64xf32, #tpu.memory_space<vmem>>
      %dma_start3A_156 = arith.constant 0 : i32
      %dma_start3A_157 = tpu.memref_slice %arg5[%add3A_152, %dma_start3A_156] : memref<80x128xi32, #tpu.memory_space<vmem>> -> memref<1x128xi32, #tpu.memory_space<vmem>>
      %dma_start3A_158 = tpu.memref_squeeze %dma_start3A_157 : memref<1x128xi32, #tpu.memory_space<vmem>> -> memref<128xi32, #tpu.memory_space<vmem>>
      %dma_start3A_159 = arith.constant 0 : i32
      %dma_start3A_160 = arith.constant 0 : i32
      %dma_start3A_161 = tpu.memref_slice %arg8[%dma_start3A_159, %dma_start3A_160] : memref<10000x64xf32, #tpu.memory_space<vmem_shared>> -> memref<10000x64xf32, #tpu.memory_space<vmem_shared>>
      tpu.enqueue_indirect_dma source(%dma_start3A_161 : memref<10000x64xf32, #tpu.memory_space<vmem_shared>>) target(%dma_start3A_155 : memref<128x64xf32, #tpu.memory_space<vmem>>) offsets(%dma_start3A_158 : memref<128xi32, #tpu.memory_space<vmem>>) semaphore(%arg10 : memref<!tpu.dma_semaphore, #tpu.memory_space<semaphore_mem>>)
      %mul3A_162 = arith.constant 4 : i32
      %mul3A_163 = arith.muli %add3A_122, %mul3A_162 : i32
      %add3A_164 = arith.constant 3 : i32
      %add3A_165 = arith.addi %mul3A_163, %add3A_164 : i32
      %dma_start3A_166 = arith.constant 384 : i32
      %dma_start3A_167 = arith.constant 0 : i32
      %dma_start3A_168 = tpu.memref_slice %arg7[%dma_start3A_166, %dma_start3A_167] : memref<512x64xf32, #tpu.memory_space<vmem>> -> memref<128x64xf32, #tpu.memory_space<vmem>>
      %dma_start3A_169 = arith.constant 0 : i32
      %dma_start3A_170 = tpu.memref_slice %arg5[%add3A_165, %dma_start3A_169] : memref<80x128xi32, #tpu.memory_space<vmem>> -> memref<1x128xi32, #tpu.memory_space<vmem>>
      %dma_start3A_171 = tpu.memref_squeeze %dma_start3A_170 : memref<1x128xi32, #tpu.memory_space<vmem>> -> memref<128xi32, #tpu.memory_space<vmem>>
      %dma_start3A_172 = arith.constant 0 : i32
      %dma_start3A_173 = arith.constant 0 : i32
      %dma_start3A_174 = tpu.memref_slice %arg8[%dma_start3A_172, %dma_start3A_173] : memref<10000x64xf32, #tpu.memory_space<vmem_shared>> -> memref<10000x64xf32, #tpu.memory_space<vmem_shared>>
      tpu.enqueue_indirect_dma source(%dma_start3A_174 : memref<10000x64xf32, #tpu.memory_space<vmem_shared>>) target(%dma_start3A_168 : memref<128x64xf32, #tpu.memory_space<vmem>>) offsets(%dma_start3A_171 : memref<128xi32, #tpu.memory_space<vmem>>) semaphore(%arg10 : memref<!tpu.dma_semaphore, #tpu.memory_space<semaphore_mem>>)
      %mul3A_175 = arith.constant 512 : i32
      %mul3A_176 = arith.muli %mul3A_64, %mul3A_175 : i32
      %add3A_177 = arith.addi %mul3A_2, %mul3A_176 : i32
      %dma_start3A_178 = arith.constant 0 : i32
      %dma_start3A_179 = tpu.memref_slice %arg4[%add3A_177, %dma_start3A_178] : memref<327680x64xf32, #tpu.memory_space<hbm>> -> memref<512x64xf32, #tpu.memory_space<hbm>>
      %dma_start3A_180 = arith.constant 0 : i32
      %dma_start3A_181 = tpu.memref_slice %arg4[%add3A_177, %dma_start3A_180] : memref<327680x64xf32, #tpu.memory_space<hbm>> -> memref<512x64xf32, #tpu.memory_space<hbm>>
      tpu.enqueue_dma source(%arg6 : memref<512x64xf32, #tpu.memory_space<vmem>>) target(%dma_start3A_181 : memref<512x64xf32, #tpu.memory_space<hbm>>) target_semaphore(%arg11 : memref<!tpu.dma_semaphore, #tpu.memory_space<semaphore_mem>>)
      %add3A_182 = arith.constant 1 : i32
      %add3A_183 = arith.addi %mul3A_64, %add3A_182 : i32
      %mul3A_184 = arith.constant 4 : i32
      %mul3A_185 = arith.muli %add3A_183, %mul3A_184 : i32
      %add3A_186 = arith.constant 0 : i32
      %add3A_187 = arith.addi %mul3A_185, %add3A_186 : i32
      %dma_wait3A_188 = arith.constant 0 : i32
      %dma_wait3A_189 = arith.constant 0 : i32
      %dma_wait3A_190 = tpu.memref_slice %arg7[%dma_wait3A_188, %dma_wait3A_189] : memref<512x64xf32, #tpu.memory_space<vmem>> -> memref<128x64xf32, #tpu.memory_space<vmem>>
      %dma_wait3A_191 = arith.constant 0 : i32
      %dma_wait3A_192 = tpu.memref_slice %arg5[%add3A_187, %dma_wait3A_191] : memref<80x128xi32, #tpu.memory_space<vmem>> -> memref<1x128xi32, #tpu.memory_space<vmem>>
      %dma_wait3A_193 = tpu.memref_squeeze %dma_wait3A_192 : memref<1x128xi32, #tpu.memory_space<vmem>> -> memref<128xi32, #tpu.memory_space<vmem>>
      %dma_wait3A_194 = arith.constant 0 : i32
      %dma_wait3A_195 = arith.constant 0 : i32
      %dma_wait3A_196 = tpu.memref_slice %arg8[%dma_wait3A_194, %dma_wait3A_195] : memref<10000x64xf32, #tpu.memory_space<vmem_shared>> -> memref<10000x64xf32, #tpu.memory_space<vmem_shared>>
      tpu.wait_indirect_dma semaphore(%arg10 : memref<!tpu.dma_semaphore, #tpu.memory_space<semaphore_mem>>) src(%dma_wait3A_196 : memref<10000x64xf32, #tpu.memory_space<vmem_shared>>) dst(%dma_wait3A_190 : memref<128x64xf32, #tpu.memory_space<vmem>>)
      %mul3A_197 = arith.constant 4 : i32
      %mul3A_198 = arith.muli %add3A_183, %mul3A_197 : i32
      %add3A_199 = arith.constant 1 : i32
      %add3A_200 = arith.addi %mul3A_198, %add3A_199 : i32
      %dma_wait3A_201 = arith.constant 128 : i32
      %dma_wait3A_202 = arith.constant 0 : i32
      %dma_wait3A_203 = tpu.memref_slice %arg7[%dma_wait3A_201, %dma_wait3A_202] : memref<512x64xf32, #tpu.memory_space<vmem>> -> memref<128x64xf32, #tpu.memory_space<vmem>>
      %dma_wait3A_204 = arith.constant 0 : i32
      %dma_wait3A_205 = tpu.memref_slice %arg5[%add3A_200, %dma_wait3A_204] : memref<80x128xi32, #tpu.memory_space<vmem>> -> memref<1x128xi32, #tpu.memory_space<vmem>>
      %dma_wait3A_206 = tpu.memref_squeeze %dma_wait3A_205 : memref<1x128xi32, #tpu.memory_space<vmem>> -> memref<128xi32, #tpu.memory_space<vmem>>
      %dma_wait3A_207 = arith.constant 0 : i32
      %dma_wait3A_208 = arith.constant 0 : i32
      %dma_wait3A_209 = tpu.memref_slice %arg8[%dma_wait3A_207, %dma_wait3A_208] : memref<10000x64xf32, #tpu.memory_space<vmem_shared>> -> memref<10000x64xf32, #tpu.memory_space<vmem_shared>>
      tpu.wait_indirect_dma semaphore(%arg10 : memref<!tpu.dma_semaphore, #tpu.memory_space<semaphore_mem>>) src(%dma_wait3A_209 : memref<10000x64xf32, #tpu.memory_space<vmem_shared>>) dst(%dma_wait3A_203 : memref<128x64xf32, #tpu.memory_space<vmem>>)
      %mul3A_210 = arith.constant 4 : i32
      %mul3A_211 = arith.muli %add3A_183, %mul3A_210 : i32
      %add3A_212 = arith.constant 2 : i32
      %add3A_213 = arith.addi %mul3A_211, %add3A_212 : i32
      %dma_wait3A_214 = arith.constant 256 : i32
      %dma_wait3A_215 = arith.constant 0 : i32
      %dma_wait3A_216 = tpu.memref_slice %arg7[%dma_wait3A_214, %dma_wait3A_215] : memref<512x64xf32, #tpu.memory_space<vmem>> -> memref<128x64xf32, #tpu.memory_space<vmem>>
      %dma_wait3A_217 = arith.constant 0 : i32
      %dma_wait3A_218 = tpu.memref_slice %arg5[%add3A_213, %dma_wait3A_217] : memref<80x128xi32, #tpu.memory_space<vmem>> -> memref<1x128xi32, #tpu.memory_space<vmem>>
      %dma_wait3A_219 = tpu.memref_squeeze %dma_wait3A_218 : memref<1x128xi32, #tpu.memory_space<vmem>> -> memref<128xi32, #tpu.memory_space<vmem>>
      %dma_wait3A_220 = arith.constant 0 : i32
      %dma_wait3A_221 = arith.constant 0 : i32
      %dma_wait3A_222 = tpu.memref_slice %arg8[%dma_wait3A_220, %dma_wait3A_221] : memref<10000x64xf32, #tpu.memory_space<vmem_shared>> -> memref<10000x64xf32, #tpu.memory_space<vmem_shared>>
      tpu.wait_indirect_dma semaphore(%arg10 : memref<!tpu.dma_semaphore, #tpu.memory_space<semaphore_mem>>) src(%dma_wait3A_222 : memref<10000x64xf32, #tpu.memory_space<vmem_shared>>) dst(%dma_wait3A_216 : memref<128x64xf32, #tpu.memory_space<vmem>>)
      %mul3A_223 = arith.constant 4 : i32
      %mul3A_224 = arith.muli %add3A_183, %mul3A_223 : i32
      %add3A_225 = arith.constant 3 : i32
      %add3A_226 = arith.addi %mul3A_224, %add3A_225 : i32
      %dma_wait3A_227 = arith.constant 384 : i32
      %dma_wait3A_228 = arith.constant 0 : i32
      %dma_wait3A_229 = tpu.memref_slice %arg7[%dma_wait3A_227, %dma_wait3A_228] : memref<512x64xf32, #tpu.memory_space<vmem>> -> memref<128x64xf32, #tpu.memory_space<vmem>>
      %dma_wait3A_230 = arith.constant 0 : i32
      %dma_wait3A_231 = tpu.memref_slice %arg5[%add3A_226, %dma_wait3A_230] : memref<80x128xi32, #tpu.memory_space<vmem>> -> memref<1x128xi32, #tpu.memory_space<vmem>>
      %dma_wait3A_232 = tpu.memref_squeeze %dma_wait3A_231 : memref<1x128xi32, #tpu.memory_space<vmem>> -> memref<128xi32, #tpu.memory_space<vmem>>
      %dma_wait3A_233 = arith.constant 0 : i32
      %dma_wait3A_234 = arith.constant 0 : i32
      %dma_wait3A_235 = tpu.memref_slice %arg8[%dma_wait3A_233, %dma_wait3A_234] : memref<10000x64xf32, #tpu.memory_space<vmem_shared>> -> memref<10000x64xf32, #tpu.memory_space<vmem_shared>>
      tpu.wait_indirect_dma semaphore(%arg10 : memref<!tpu.dma_semaphore, #tpu.memory_space<semaphore_mem>>) src(%dma_wait3A_235 : memref<10000x64xf32, #tpu.memory_space<vmem_shared>>) dst(%dma_wait3A_229 : memref<128x64xf32, #tpu.memory_space<vmem>>)
      %lt3A = arith.constant 9 : i32
      %lt3A_236 = arith.cmpi slt, %scan3A_61, %lt3A : i32
      %convert_element_type3A_237 = arith.extui %lt3A_236 : i1 to i32
      %cond3A_238 = arith.constant 0 : i32
      %cond3A_239 = arith.cmpi ne, %convert_element_type3A_237, %cond3A_238 : i32
      scf.if %cond3A_239 {
        %mul3A_250 = arith.constant 512 : i32
        %mul3A_251 = arith.muli %mul3A_64, %mul3A_250 : i32
        %add3A_252 = arith.addi %mul3A_2, %mul3A_251 : i32
        %dma_wait3A_253 = arith.constant 0 : i32
        %dma_wait3A_254 = tpu.memref_slice %arg4[%add3A_252, %dma_wait3A_253] : memref<327680x64xf32, #tpu.memory_space<hbm>> -> memref<512x64xf32, #tpu.memory_space<hbm>>
        %dma_wait3A_255 = arith.constant 0 : i32
        %dma_wait3A_256 = tpu.memref_slice %arg4[%add3A_252, %dma_wait3A_255] : memref<327680x64xf32, #tpu.memory_space<hbm>> -> memref<512x64xf32, #tpu.memory_space<hbm>>
        tpu.wait_dma2 semaphore(%arg11 : memref<!tpu.dma_semaphore, #tpu.memory_space<semaphore_mem>>) src(%arg6 : memref<512x64xf32, #tpu.memory_space<vmem>>) dst(%dma_wait3A_256 : memref<512x64xf32, #tpu.memory_space<hbm>>)
        %add3A_257 = arith.constant 2 : i32
        %add3A_258 = arith.addi %mul3A_64, %add3A_257 : i32
        %mul3A_259 = arith.constant 4 : i32
        %mul3A_260 = arith.muli %add3A_258, %mul3A_259 : i32
        %add3A_261 = arith.constant 0 : i32
        %add3A_262 = arith.addi %mul3A_260, %add3A_261 : i32
        %dma_start3A_263 = arith.constant 0 : i32
        %dma_start3A_264 = arith.constant 0 : i32
        %dma_start3A_265 = tpu.memref_slice %arg6[%dma_start3A_263, %dma_start3A_264] : memref<512x64xf32, #tpu.memory_space<vmem>> -> memref<128x64xf32, #tpu.memory_space<vmem>>
        %dma_start3A_266 = arith.constant 0 : i32
        %dma_start3A_267 = tpu.memref_slice %arg5[%add3A_262, %dma_start3A_266] : memref<80x128xi32, #tpu.memory_space<vmem>> -> memref<1x128xi32, #tpu.memory_space<vmem>>
        %dma_start3A_268 = tpu.memref_squeeze %dma_start3A_267 : memref<1x128xi32, #tpu.memory_space<vmem>> -> memref<128xi32, #tpu.memory_space<vmem>>
        %dma_start3A_269 = arith.constant 0 : i32
        %dma_start3A_270 = arith.constant 0 : i32
        %dma_start3A_271 = tpu.memref_slice %arg8[%dma_start3A_269, %dma_start3A_270] : memref<10000x64xf32, #tpu.memory_space<vmem_shared>> -> memref<10000x64xf32, #tpu.memory_space<vmem_shared>>
        tpu.enqueue_indirect_dma source(%dma_start3A_271 : memref<10000x64xf32, #tpu.memory_space<vmem_shared>>) target(%dma_start3A_265 : memref<128x64xf32, #tpu.memory_space<vmem>>) offsets(%dma_start3A_268 : memref<128xi32, #tpu.memory_space<vmem>>) semaphore(%arg9 : memref<!tpu.dma_semaphore, #tpu.memory_space<semaphore_mem>>)
        %mul3A_272 = arith.constant 4 : i32
        %mul3A_273 = arith.muli %add3A_258, %mul3A_272 : i32
        %add3A_274 = arith.constant 1 : i32
        %add3A_275 = arith.addi %mul3A_273, %add3A_274 : i32
        %dma_start3A_276 = arith.constant 128 : i32
        %dma_start3A_277 = arith.constant 0 : i32
        %dma_start3A_278 = tpu.memref_slice %arg6[%dma_start3A_276, %dma_start3A_277] : memref<512x64xf32, #tpu.memory_space<vmem>> -> memref<128x64xf32, #tpu.memory_space<vmem>>
        %dma_start3A_279 = arith.constant 0 : i32
        %dma_start3A_280 = tpu.memref_slice %arg5[%add3A_275, %dma_start3A_279] : memref<80x128xi32, #tpu.memory_space<vmem>> -> memref<1x128xi32, #tpu.memory_space<vmem>>
        %dma_start3A_281 = tpu.memref_squeeze %dma_start3A_280 : memref<1x128xi32, #tpu.memory_space<vmem>> -> memref<128xi32, #tpu.memory_space<vmem>>
        %dma_start3A_282 = arith.constant 0 : i32
        %dma_start3A_283 = arith.constant 0 : i32
        %dma_start3A_284 = tpu.memref_slice %arg8[%dma_start3A_282, %dma_start3A_283] : memref<10000x64xf32, #tpu.memory_space<vmem_shared>> -> memref<10000x64xf32, #tpu.memory_space<vmem_shared>>
        tpu.enqueue_indirect_dma source(%dma_start3A_284 : memref<10000x64xf32, #tpu.memory_space<vmem_shared>>) target(%dma_start3A_278 : memref<128x64xf32, #tpu.memory_space<vmem>>) offsets(%dma_start3A_281 : memref<128xi32, #tpu.memory_space<vmem>>) semaphore(%arg9 : memref<!tpu.dma_semaphore, #tpu.memory_space<semaphore_mem>>)
        %mul3A_285 = arith.constant 4 : i32
        %mul3A_286 = arith.muli %add3A_258, %mul3A_285 : i32
        %add3A_287 = arith.constant 2 : i32
        %add3A_288 = arith.addi %mul3A_286, %add3A_287 : i32
        %dma_start3A_289 = arith.constant 256 : i32
        %dma_start3A_290 = arith.constant 0 : i32
        %dma_start3A_291 = tpu.memref_slice %arg6[%dma_start3A_289, %dma_start3A_290] : memref<512x64xf32, #tpu.memory_space<vmem>> -> memref<128x64xf32, #tpu.memory_space<vmem>>
        %dma_start3A_292 = arith.constant 0 : i32
        %dma_start3A_293 = tpu.memref_slice %arg5[%add3A_288, %dma_start3A_292] : memref<80x128xi32, #tpu.memory_space<vmem>> -> memref<1x128xi32, #tpu.memory_space<vmem>>
        %dma_start3A_294 = tpu.memref_squeeze %dma_start3A_293 : memref<1x128xi32, #tpu.memory_space<vmem>> -> memref<128xi32, #tpu.memory_space<vmem>>
        %dma_start3A_295 = arith.constant 0 : i32
        %dma_start3A_296 = arith.constant 0 : i32
        %dma_start3A_297 = tpu.memref_slice %arg8[%dma_start3A_295, %dma_start3A_296] : memref<10000x64xf32, #tpu.memory_space<vmem_shared>> -> memref<10000x64xf32, #tpu.memory_space<vmem_shared>>
        tpu.enqueue_indirect_dma source(%dma_start3A_297 : memref<10000x64xf32, #tpu.memory_space<vmem_shared>>) target(%dma_start3A_291 : memref<128x64xf32, #tpu.memory_space<vmem>>) offsets(%dma_start3A_294 : memref<128xi32, #tpu.memory_space<vmem>>) semaphore(%arg9 : memref<!tpu.dma_semaphore, #tpu.memory_space<semaphore_mem>>)
        %mul3A_298 = arith.constant 4 : i32
        %mul3A_299 = arith.muli %add3A_258, %mul3A_298 : i32
        %add3A_300 = arith.constant 3 : i32
        %add3A_301 = arith.addi %mul3A_299, %add3A_300 : i32
        %dma_start3A_302 = arith.constant 384 : i32
        %dma_start3A_303 = arith.constant 0 : i32
        %dma_start3A_304 = tpu.memref_slice %arg6[%dma_start3A_302, %dma_start3A_303] : memref<512x64xf32, #tpu.memory_space<vmem>> -> memref<128x64xf32, #tpu.memory_space<vmem>>
        %dma_start3A_305 = arith.constant 0 : i32
        %dma_start3A_306 = tpu.memref_slice %arg5[%add3A_301, %dma_start3A_305] : memref<80x128xi32, #tpu.memory_space<vmem>> -> memref<1x128xi32, #tpu.memory_space<vmem>>
        %dma_start3A_307 = tpu.memref_squeeze %dma_start3A_306 : memref<1x128xi32, #tpu.memory_space<vmem>> -> memref<128xi32, #tpu.memory_space<vmem>>
        %dma_start3A_308 = arith.constant 0 : i32
        %dma_start3A_309 = arith.constant 0 : i32
        %dma_start3A_310 = tpu.memref_slice %arg8[%dma_start3A_308, %dma_start3A_309] : memref<10000x64xf32, #tpu.memory_space<vmem_shared>> -> memref<10000x64xf32, #tpu.memory_space<vmem_shared>>
        tpu.enqueue_indirect_dma source(%dma_start3A_310 : memref<10000x64xf32, #tpu.memory_space<vmem_shared>>) target(%dma_start3A_304 : memref<128x64xf32, #tpu.memory_space<vmem>>) offsets(%dma_start3A_307 : memref<128xi32, #tpu.memory_space<vmem>>) semaphore(%arg9 : memref<!tpu.dma_semaphore, #tpu.memory_space<semaphore_mem>>)
      } else {
      }
      %add3A_240 = arith.constant 1 : i32
      %add3A_241 = arith.addi %mul3A_64, %add3A_240 : i32
      %mul3A_242 = arith.constant 512 : i32
      %mul3A_243 = arith.muli %add3A_241, %mul3A_242 : i32
      %add3A_244 = arith.addi %mul3A_2, %mul3A_243 : i32
      %dma_start3A_245 = arith.constant 0 : i32
      %dma_start3A_246 = tpu.memref_slice %arg4[%add3A_244, %dma_start3A_245] : memref<327680x64xf32, #tpu.memory_space<hbm>> -> memref<512x64xf32, #tpu.memory_space<hbm>>
      %dma_start3A_247 = arith.constant 0 : i32
      %dma_start3A_248 = tpu.memref_slice %arg4[%add3A_244, %dma_start3A_247] : memref<327680x64xf32, #tpu.memory_space<hbm>> -> memref<512x64xf32, #tpu.memory_space<hbm>>
      tpu.enqueue_dma source(%arg7 : memref<512x64xf32, #tpu.memory_space<vmem>>) target(%dma_start3A_248 : memref<512x64xf32, #tpu.memory_space<hbm>>) target_semaphore(%arg12 : memref<!tpu.dma_semaphore, #tpu.memory_space<semaphore_mem>>)
      %scan3A_249 = arith.constant 0 : i32
      scf.yield %scan3A_249 : i32
    }
    %scan3A_49 = arith.constant 10 : i32
    %add3A_50 = arith.constant 9216 : i32
    %add3A_51 = arith.addi %mul3A_2, %add3A_50 : i32
    %dma_wait3A = arith.constant 0 : i32
    %dma_wait3A_52 = tpu.memref_slice %arg4[%add3A_51, %dma_wait3A] : memref<327680x64xf32, #tpu.memory_space<hbm>> -> memref<512x64xf32, #tpu.memory_space<hbm>>
    %dma_wait3A_53 = arith.constant 0 : i32
    %dma_wait3A_54 = tpu.memref_slice %arg4[%add3A_51, %dma_wait3A_53] : memref<327680x64xf32, #tpu.memory_space<hbm>> -> memref<512x64xf32, #tpu.memory_space<hbm>>
    tpu.wait_dma2 semaphore(%arg11 : memref<!tpu.dma_semaphore, #tpu.memory_space<semaphore_mem>>) src(%arg6 : memref<512x64xf32, #tpu.memory_space<vmem>>) dst(%dma_wait3A_54 : memref<512x64xf32, #tpu.memory_space<hbm>>)
    %add3A_55 = arith.constant 9728 : i32
    %add3A_56 = arith.addi %mul3A_2, %add3A_55 : i32
    %dma_wait3A_57 = arith.constant 0 : i32
    %dma_wait3A_58 = tpu.memref_slice %arg4[%add3A_56, %dma_wait3A_57] : memref<327680x64xf32, #tpu.memory_space<hbm>> -> memref<512x64xf32, #tpu.memory_space<hbm>>
    %dma_wait3A_59 = arith.constant 0 : i32
    %dma_wait3A_60 = tpu.memref_slice %arg4[%add3A_56, %dma_wait3A_59] : memref<327680x64xf32, #tpu.memory_space<hbm>> -> memref<512x64xf32, #tpu.memory_space<hbm>>
    tpu.wait_dma2 semaphore(%arg12 : memref<!tpu.dma_semaphore, #tpu.memory_space<semaphore_mem>>) src(%arg7 : memref<512x64xf32, #tpu.memory_space<vmem>>) dst(%dma_wait3A_60 : memref<512x64xf32, #tpu.memory_space<hbm>>)
    return
  }
}

#map = affine_map<(d0, d1) -> (0, 0)>
#map1 = affine_map<(d0, d1) -> (0, 0, 0)>
module attributes {stable_mosaic.version = 14 : i64} {
  func.func @gather_kernel(%arg0: i32, %arg1: i32, %arg2: memref<10000x64xf32, #tpu.memory_space<hbm>>, %arg3: memref<32x80x128xi32, #tpu.memory_space<hbm>>, %arg4: memref<327680x64xf32, #tpu.memory_space<hbm>>, %arg5: memref<80x128xi32, #tpu.memory_space<vmem>>, %arg6: memref<512x64xf32, #tpu.memory_space<vmem>>, %arg7: memref<512x64xf32, #tpu.memory_space<vmem>>, %arg8: memref<10000x64xf32, #tpu.memory_space<vmem_shared>>, %arg9: memref<!tpu.dma_semaphore, #tpu.memory_space<semaphore_mem>>, %arg10: memref<!tpu.dma_semaphore, #tpu.memory_space<semaphore_mem>>, %arg11: memref<!tpu.dma_semaphore, #tpu.memory_space<semaphore_mem>>, %arg12: memref<!tpu.dma_semaphore, #tpu.memory_space<semaphore_mem>>) attributes {dimension_semantics = [#tpu.dimension_semantics<core_parallel>, #tpu.dimension_semantics<subcore_parallel>], iteration_bounds = array<i64: 2, 16>, scalar_prefetch = 0 : i64, scratch_operands = 8 : i64, tpu.core_type = #tpu.core_type<sc_vector_subcore>, window_params = [{transform_indices = #map}, {transform_indices = #map1}, {transform_indices = #map}]} {
    %mul3A = arith.constant 2 : i32
    %mul3A_0 = arith.muli %arg1, %mul3A : i32
    %add3A = arith.addi %mul3A_0, %arg0 : i32
    %mul3A_1 = arith.constant 10240 : i32
    %mul3A_2 = arith.muli %add3A, %mul3A_1 : i32
    %eq3A = arith.constant 0 : i32
    %eq3A_3 = arith.cmpi eq, %arg1, %eq3A : i32
    %convert_element_type3A = arith.extui %eq3A_3 : i1 to i32
    %cond3A = arith.constant 0 : i32
    %cond3A_4 = arith.cmpi ne, %convert_element_type3A, %cond3A : i32
    scf.if %cond3A_4 {
      "tpu.region"() ({
        %run_scoped3A = tpu.sem_alloc : memref<!tpu.dma_semaphore, #tpu.memory_space<semaphore_mem>>
        tpu.enqueue_dma source(%arg2 : memref<10000x64xf32, #tpu.memory_space<hbm>>) target(%arg8 : memref<10000x64xf32, #tpu.memory_space<vmem_shared>>) target_semaphore(%run_scoped3A : memref<!tpu.dma_semaphore, #tpu.memory_space<semaphore_mem>>)
        tpu.wait_dma2 semaphore(%run_scoped3A : memref<!tpu.dma_semaphore, #tpu.memory_space<semaphore_mem>>) src(%arg2 : memref<10000x64xf32, #tpu.memory_space<hbm>>) dst(%arg8 : memref<10000x64xf32, #tpu.memory_space<vmem_shared>>)
        tpu.yield
      }) : () -> ()
    } else {
    }
    "tpu.region"() ({
      %run_scoped3A = tpu.sem_alloc : memref<!tpu.dma_semaphore, #tpu.memory_space<semaphore_mem>>
      %dma_start3A_61 = arith.constant 0 : i32
      %dma_start3A_62 = arith.constant 0 : i32
      %dma_start3A_63 = tpu.memref_slice %arg3[%add3A, %dma_start3A_61, %dma_start3A_62] : memref<32x80x128xi32, #tpu.memory_space<hbm>> -> memref<1x80x128xi32, #tpu.memory_space<hbm>>
      %dma_start3A_64 = tpu.memref_squeeze %dma_start3A_63 : memref<1x80x128xi32, #tpu.memory_space<hbm>> -> memref<80x128xi32, #tpu.memory_space<hbm>>
      %dma_start3A_65 = arith.constant 0 : i32
      %dma_start3A_66 = arith.constant 0 : i32
      %dma_start3A_67 = tpu.memref_slice %arg3[%add3A, %dma_start3A_65, %dma_start3A_66] : memref<32x80x128xi32, #tpu.memory_space<hbm>> -> memref<1x80x128xi32, #tpu.memory_space<hbm>>
      %dma_start3A_68 = tpu.memref_squeeze %dma_start3A_67 : memref<1x80x128xi32, #tpu.memory_space<hbm>> -> memref<80x128xi32, #tpu.memory_space<hbm>>
      tpu.enqueue_dma source(%dma_start3A_68 : memref<80x128xi32, #tpu.memory_space<hbm>>) target(%arg5 : memref<80x128xi32, #tpu.memory_space<vmem>>) target_semaphore(%run_scoped3A : memref<!tpu.dma_semaphore, #tpu.memory_space<semaphore_mem>>)
      %dma_wait3A_69 = arith.constant 0 : i32
      %dma_wait3A_70 = arith.constant 0 : i32
      %dma_wait3A_71 = tpu.memref_slice %arg3[%add3A, %dma_wait3A_69, %dma_wait3A_70] : memref<32x80x128xi32, #tpu.memory_space<hbm>> -> memref<1x80x128xi32, #tpu.memory_space<hbm>>
      %dma_wait3A_72 = tpu.memref_squeeze %dma_wait3A_71 : memref<1x80x128xi32, #tpu.memory_space<hbm>> -> memref<80x128xi32, #tpu.memory_space<hbm>>
      %dma_wait3A_73 = arith.constant 0 : i32
      %dma_wait3A_74 = arith.constant 0 : i32
      %dma_wait3A_75 = tpu.memref_slice %arg3[%add3A, %dma_wait3A_73, %dma_wait3A_74] : memref<32x80x128xi32, #tpu.memory_space<hbm>> -> memref<1x80x128xi32, #tpu.memory_space<hbm>>
      %dma_wait3A_76 = tpu.memref_squeeze %dma_wait3A_75 : memref<1x80x128xi32, #tpu.memory_space<hbm>> -> memref<80x128xi32, #tpu.memory_space<hbm>>
      tpu.wait_dma2 semaphore(%run_scoped3A : memref<!tpu.dma_semaphore, #tpu.memory_space<semaphore_mem>>) src(%dma_wait3A_76 : memref<80x128xi32, #tpu.memory_space<hbm>>) dst(%arg5 : memref<80x128xi32, #tpu.memory_space<vmem>>)
      tpu.yield
    }) : () -> ()
    %barrier3A = arith.constant 0 : index
    tpu.barrier barrier_id(%barrier3A)
    %dma_start3A = arith.constant 0 : i32
    %dma_start3A_5 = arith.constant 0 : i32
    %dma_start3A_6 = arith.constant 0 : i32
    %dma_start3A_7 = tpu.memref_slice %arg6[%dma_start3A_5, %dma_start3A_6] : memref<512x64xf32, #tpu.memory_space<vmem>> -> memref<128x64xf32, #tpu.memory_space<vmem>>
    %dma_start3A_8 = arith.constant 0 : i32
    %dma_start3A_9 = tpu.memref_slice %arg5[%dma_start3A, %dma_start3A_8] : memref<80x128xi32, #tpu.memory_space<vmem>> -> memref<1x128xi32, #tpu.memory_space<vmem>>
    %dma_start3A_10 = tpu.memref_squeeze %dma_start3A_9 : memref<1x128xi32, #tpu.memory_space<vmem>> -> memref<128xi32, #tpu.memory_space<vmem>>
    %dma_start3A_11 = arith.constant 0 : i32
    %dma_start3A_12 = arith.constant 0 : i32
    %dma_start3A_13 = tpu.memref_slice %arg8[%dma_start3A_11, %dma_start3A_12] : memref<10000x64xf32, #tpu.memory_space<vmem_shared>> -> memref<10000x64xf32, #tpu.memory_space<vmem_shared>>
    tpu.enqueue_indirect_dma source(%dma_start3A_13 : memref<10000x64xf32, #tpu.memory_space<vmem_shared>>) target(%dma_start3A_7 : memref<128x64xf32, #tpu.memory_space<vmem>>) offsets(%dma_start3A_10 : memref<128xi32, #tpu.memory_space<vmem>>) semaphore(%arg9 : memref<!tpu.dma_semaphore, #tpu.memory_space<semaphore_mem>>)
    %dma_start3A_14 = arith.constant 1 : i32
    %dma_start3A_15 = arith.constant 128 : i32
    %dma_start3A_16 = arith.constant 0 : i32
    %dma_start3A_17 = tpu.memref_slice %arg6[%dma_start3A_15, %dma_start3A_16] : memref<512x64xf32, #tpu.memory_space<vmem>> -> memref<128x64xf32, #tpu.memory_space<vmem>>
    %dma_start3A_18 = arith.constant 0 : i32
    %dma_start3A_19 = tpu.memref_slice %arg5[%dma_start3A_14, %dma_start3A_18] : memref<80x128xi32, #tpu.memory_space<vmem>> -> memref<1x128xi32, #tpu.memory_space<vmem>>
    %dma_start3A_20 = tpu.memref_squeeze %dma_start3A_19 : memref<1x128xi32, #tpu.memory_space<vmem>> -> memref<128xi32, #tpu.memory_space<vmem>>
    %dma_start3A_21 = arith.constant 0 : i32
    %dma_start3A_22 = arith.constant 0 : i32
    %dma_start3A_23 = tpu.memref_slice %arg8[%dma_start3A_21, %dma_start3A_22] : memref<10000x64xf32, #tpu.memory_space<vmem_shared>> -> memref<10000x64xf32, #tpu.memory_space<vmem_shared>>
    tpu.enqueue_indirect_dma source(%dma_start3A_23 : memref<10000x64xf32, #tpu.memory_space<vmem_shared>>) target(%dma_start3A_17 : memref<128x64xf32, #tpu.memory_space<vmem>>) offsets(%dma_start3A_20 : memref<128xi32, #tpu.memory_space<vmem>>) semaphore(%arg9 : memref<!tpu.dma_semaphore, #tpu.memory_space<semaphore_mem>>)
    %dma_start3A_24 = arith.constant 2 : i32
    %dma_start3A_25 = arith.constant 256 : i32
    %dma_start3A_26 = arith.constant 0 : i32
    %dma_start3A_27 = tpu.memref_slice %arg6[%dma_start3A_25, %dma_start3A_26] : memref<512x64xf32, #tpu.memory_space<vmem>> -> memref<128x64xf32, #tpu.memory_space<vmem>>
    %dma_start3A_28 = arith.constant 0 : i32
    %dma_start3A_29 = tpu.memref_slice %arg5[%dma_start3A_24, %dma_start3A_28] : memref<80x128xi32, #tpu.memory_space<vmem>> -> memref<1x128xi32, #tpu.memory_space<vmem>>
    %dma_start3A_30 = tpu.memref_squeeze %dma_start3A_29 : memref<1x128xi32, #tpu.memory_space<vmem>> -> memref<128xi32, #tpu.memory_space<vmem>>
    %dma_start3A_31 = arith.constant 0 : i32
    %dma_start3A_32 = arith.constant 0 : i32
    %dma_start3A_33 = tpu.memref_slice %arg8[%dma_start3A_31, %dma_start3A_32] : memref<10000x64xf32, #tpu.memory_space<vmem_shared>> -> memref<10000x64xf32, #tpu.memory_space<vmem_shared>>
    tpu.enqueue_indirect_dma source(%dma_start3A_33 : memref<10000x64xf32, #tpu.memory_space<vmem_shared>>) target(%dma_start3A_27 : memref<128x64xf32, #tpu.memory_space<vmem>>) offsets(%dma_start3A_30 : memref<128xi32, #tpu.memory_space<vmem>>) semaphore(%arg9 : memref<!tpu.dma_semaphore, #tpu.memory_space<semaphore_mem>>)
    %dma_start3A_34 = arith.constant 3 : i32
    %dma_start3A_35 = arith.constant 384 : i32
    %dma_start3A_36 = arith.constant 0 : i32
    %dma_start3A_37 = tpu.memref_slice %arg6[%dma_start3A_35, %dma_start3A_36] : memref<512x64xf32, #tpu.memory_space<vmem>> -> memref<128x64xf32, #tpu.memory_space<vmem>>
    %dma_start3A_38 = arith.constant 0 : i32
    %dma_start3A_39 = tpu.memref_slice %arg5[%dma_start3A_34, %dma_start3A_38] : memref<80x128xi32, #tpu.memory_space<vmem>> -> memref<1x128xi32, #tpu.memory_space<vmem>>
    %dma_start3A_40 = tpu.memref_squeeze %dma_start3A_39 : memref<1x128xi32, #tpu.memory_space<vmem>> -> memref<128xi32, #tpu.memory_space<vmem>>
    %dma_start3A_41 = arith.constant 0 : i32
    %dma_start3A_42 = arith.constant 0 : i32
    %dma_start3A_43 = tpu.memref_slice %arg8[%dma_start3A_41, %dma_start3A_42] : memref<10000x64xf32, #tpu.memory_space<vmem_shared>> -> memref<10000x64xf32, #tpu.memory_space<vmem_shared>>
    tpu.enqueue_indirect_dma source(%dma_start3A_43 : memref<10000x64xf32, #tpu.memory_space<vmem_shared>>) target(%dma_start3A_37 : memref<128x64xf32, #tpu.memory_space<vmem>>) offsets(%dma_start3A_40 : memref<128xi32, #tpu.memory_space<vmem>>) semaphore(%arg9 : memref<!tpu.dma_semaphore, #tpu.memory_space<semaphore_mem>>)
    %scan3A = arith.constant 0 : i32
    %scan3A_44 = arith.constant 0 : i32
    %scan3A_45 = arith.constant 10 : i32
    %scan3A_46 = arith.addi %scan3A_44, %scan3A_45 : i32
    %scan3A_47 = arith.constant 1 : i32
    %scan3A_48 = scf.for %scan3A_61 = %scan3A_44 to %scan3A_46 step %scan3A_47 iter_args(%scan3A_62 = %scan3A) -> (i32)  : i32 {
      %mul3A_63 = arith.constant 2 : i32
      %mul3A_64 = arith.muli %mul3A_63, %scan3A_61 : i32
      %mul3A_65 = arith.constant 4 : i32
      %mul3A_66 = arith.muli %mul3A_64, %mul3A_65 : i32
      %add3A_67 = arith.constant 0 : i32
      %add3A_68 = arith.addi %mul3A_66, %add3A_67 : i32
      %dma_wait3A_69 = arith.constant 0 : i32
      %dma_wait3A_70 = arith.constant 0 : i32
      %dma_wait3A_71 = tpu.memref_slice %arg6[%dma_wait3A_69, %dma_wait3A_70] : memref<512x64xf32, #tpu.memory_space<vmem>> -> memref<128x64xf32, #tpu.memory_space<vmem>>
      %dma_wait3A_72 = arith.constant 0 : i32
      %dma_wait3A_73 = tpu.memref_slice %arg5[%add3A_68, %dma_wait3A_72] : memref<80x128xi32, #tpu.memory_space<vmem>> -> memref<1x128xi32, #tpu.memory_space<vmem>>
      %dma_wait3A_74 = tpu.memref_squeeze %dma_wait3A_73 : memref<1x128xi32, #tpu.memory_space<vmem>> -> memref<128xi32, #tpu.memory_space<vmem>>
      %dma_wait3A_75 = arith.constant 0 : i32
      %dma_wait3A_76 = arith.constant 0 : i32
      %dma_wait3A_77 = tpu.memref_slice %arg8[%dma_wait3A_75, %dma_wait3A_76] : memref<10000x64xf32, #tpu.memory_space<vmem_shared>> -> memref<10000x64xf32, #tpu.memory_space<vmem_shared>>
      tpu.wait_indirect_dma semaphore(%arg9 : memref<!tpu.dma_semaphore, #tpu.memory_space<semaphore_mem>>) src(%dma_wait3A_77 : memref<10000x64xf32, #tpu.memory_space<vmem_shared>>) dst(%dma_wait3A_71 : memref<128x64xf32, #tpu.memory_space<vmem>>)
      %mul3A_78 = arith.constant 4 : i32
      %mul3A_79 = arith.muli %mul3A_64, %mul3A_78 : i32
      %add3A_80 = arith.constant 1 : i32
      %add3A_81 = arith.addi %mul3A_79, %add3A_80 : i32
      %dma_wait3A_82 = arith.constant 128 : i32
      %dma_wait3A_83 = arith.constant 0 : i32
      %dma_wait3A_84 = tpu.memref_slice %arg6[%dma_wait3A_82, %dma_wait3A_83] : memref<512x64xf32, #tpu.memory_space<vmem>> -> memref<128x64xf32, #tpu.memory_space<vmem>>
      %dma_wait3A_85 = arith.constant 0 : i32
      %dma_wait3A_86 = tpu.memref_slice %arg5[%add3A_81, %dma_wait3A_85] : memref<80x128xi32, #tpu.memory_space<vmem>> -> memref<1x128xi32, #tpu.memory_space<vmem>>
      %dma_wait3A_87 = tpu.memref_squeeze %dma_wait3A_86 : memref<1x128xi32, #tpu.memory_space<vmem>> -> memref<128xi32, #tpu.memory_space<vmem>>
      %dma_wait3A_88 = arith.constant 0 : i32
      %dma_wait3A_89 = arith.constant 0 : i32
      %dma_wait3A_90 = tpu.memref_slice %arg8[%dma_wait3A_88, %dma_wait3A_89] : memref<10000x64xf32, #tpu.memory_space<vmem_shared>> -> memref<10000x64xf32, #tpu.memory_space<vmem_shared>>
      tpu.wait_indirect_dma semaphore(%arg9 : memref<!tpu.dma_semaphore, #tpu.memory_space<semaphore_mem>>) src(%dma_wait3A_90 : memref<10000x64xf32, #tpu.memory_space<vmem_shared>>) dst(%dma_wait3A_84 : memref<128x64xf32, #tpu.memory_space<vmem>>)
      %mul3A_91 = arith.constant 4 : i32
      %mul3A_92 = arith.muli %mul3A_64, %mul3A_91 : i32
      %add3A_93 = arith.constant 2 : i32
      %add3A_94 = arith.addi %mul3A_92, %add3A_93 : i32
      %dma_wait3A_95 = arith.constant 256 : i32
      %dma_wait3A_96 = arith.constant 0 : i32
      %dma_wait3A_97 = tpu.memref_slice %arg6[%dma_wait3A_95, %dma_wait3A_96] : memref<512x64xf32, #tpu.memory_space<vmem>> -> memref<128x64xf32, #tpu.memory_space<vmem>>
      %dma_wait3A_98 = arith.constant 0 : i32
      %dma_wait3A_99 = tpu.memref_slice %arg5[%add3A_94, %dma_wait3A_98] : memref<80x128xi32, #tpu.memory_space<vmem>> -> memref<1x128xi32, #tpu.memory_space<vmem>>
      %dma_wait3A_100 = tpu.memref_squeeze %dma_wait3A_99 : memref<1x128xi32, #tpu.memory_space<vmem>> -> memref<128xi32, #tpu.memory_space<vmem>>
      %dma_wait3A_101 = arith.constant 0 : i32
      %dma_wait3A_102 = arith.constant 0 : i32
      %dma_wait3A_103 = tpu.memref_slice %arg8[%dma_wait3A_101, %dma_wait3A_102] : memref<10000x64xf32, #tpu.memory_space<vmem_shared>> -> memref<10000x64xf32, #tpu.memory_space<vmem_shared>>
      tpu.wait_indirect_dma semaphore(%arg9 : memref<!tpu.dma_semaphore, #tpu.memory_space<semaphore_mem>>) src(%dma_wait3A_103 : memref<10000x64xf32, #tpu.memory_space<vmem_shared>>) dst(%dma_wait3A_97 : memref<128x64xf32, #tpu.memory_space<vmem>>)
      %mul3A_104 = arith.constant 4 : i32
      %mul3A_105 = arith.muli %mul3A_64, %mul3A_104 : i32
      %add3A_106 = arith.constant 3 : i32
      %add3A_107 = arith.addi %mul3A_105, %add3A_106 : i32
      %dma_wait3A_108 = arith.constant 384 : i32
      %dma_wait3A_109 = arith.constant 0 : i32
      %dma_wait3A_110 = tpu.memref_slice %arg6[%dma_wait3A_108, %dma_wait3A_109] : memref<512x64xf32, #tpu.memory_space<vmem>> -> memref<128x64xf32, #tpu.memory_space<vmem>>
      %dma_wait3A_111 = arith.constant 0 : i32
      %dma_wait3A_112 = tpu.memref_slice %arg5[%add3A_107, %dma_wait3A_111] : memref<80x128xi32, #tpu.memory_space<vmem>> -> memref<1x128xi32, #tpu.memory_space<vmem>>
      %dma_wait3A_113 = tpu.memref_squeeze %dma_wait3A_112 : memref<1x128xi32, #tpu.memory_space<vmem>> -> memref<128xi32, #tpu.memory_space<vmem>>
      %dma_wait3A_114 = arith.constant 0 : i32
      %dma_wait3A_115 = arith.constant 0 : i32
      %dma_wait3A_116 = tpu.memref_slice %arg8[%dma_wait3A_114, %dma_wait3A_115] : memref<10000x64xf32, #tpu.memory_space<vmem_shared>> -> memref<10000x64xf32, #tpu.memory_space<vmem_shared>>
      tpu.wait_indirect_dma semaphore(%arg9 : memref<!tpu.dma_semaphore, #tpu.memory_space<semaphore_mem>>) src(%dma_wait3A_116 : memref<10000x64xf32, #tpu.memory_space<vmem_shared>>) dst(%dma_wait3A_110 : memref<128x64xf32, #tpu.memory_space<vmem>>)
      %gt3A = arith.constant 0 : i32
      %gt3A_117 = arith.cmpi sgt, %scan3A_61, %gt3A : i32
      %convert_element_type3A_118 = arith.extui %gt3A_117 : i1 to i32
      %cond3A_119 = arith.constant 0 : i32
      %cond3A_120 = arith.cmpi ne, %convert_element_type3A_118, %cond3A_119 : i32
      scf.if %cond3A_120 {
        %sub3A = arith.constant 1 : i32
        %sub3A_250 = arith.subi %mul3A_64, %sub3A : i32
        %mul3A_251 = arith.constant 512 : i32
        %mul3A_252 = arith.muli %sub3A_250, %mul3A_251 : i32
        %add3A_253 = arith.addi %mul3A_2, %mul3A_252 : i32
        %dma_wait3A_254 = arith.constant 0 : i32
        %dma_wait3A_255 = tpu.memref_slice %arg4[%add3A_253, %dma_wait3A_254] : memref<327680x64xf32, #tpu.memory_space<hbm>> -> memref<512x64xf32, #tpu.memory_space<hbm>>
        %dma_wait3A_256 = arith.constant 0 : i32
        %dma_wait3A_257 = tpu.memref_slice %arg4[%add3A_253, %dma_wait3A_256] : memref<327680x64xf32, #tpu.memory_space<hbm>> -> memref<512x64xf32, #tpu.memory_space<hbm>>
        tpu.wait_dma2 semaphore(%arg12 : memref<!tpu.dma_semaphore, #tpu.memory_space<semaphore_mem>>) src(%arg7 : memref<512x64xf32, #tpu.memory_space<vmem>>) dst(%dma_wait3A_257 : memref<512x64xf32, #tpu.memory_space<hbm>>)
      } else {
      }
      %add3A_121 = arith.constant 1 : i32
      %add3A_122 = arith.addi %mul3A_64, %add3A_121 : i32
      %mul3A_123 = arith.constant 4 : i32
      %mul3A_124 = arith.muli %add3A_122, %mul3A_123 : i32
      %add3A_125 = arith.constant 0 : i32
      %add3A_126 = arith.addi %mul3A_124, %add3A_125 : i32
      %dma_start3A_127 = arith.constant 0 : i32
      %dma_start3A_128 = arith.constant 0 : i32
      %dma_start3A_129 = tpu.memref_slice %arg7[%dma_start3A_127, %dma_start3A_128] : memref<512x64xf32, #tpu.memory_space<vmem>> -> memref<128x64xf32, #tpu.memory_space<vmem>>
      %dma_start3A_130 = arith.constant 0 : i32
      %dma_start3A_131 = tpu.memref_slice %arg5[%add3A_126, %dma_start3A_130] : memref<80x128xi32, #tpu.memory_space<vmem>> -> memref<1x128xi32, #tpu.memory_space<vmem>>
      %dma_start3A_132 = tpu.memref_squeeze %dma_start3A_131 : memref<1x128xi32, #tpu.memory_space<vmem>> -> memref<128xi32, #tpu.memory_space<vmem>>
      %dma_start3A_133 = arith.constant 0 : i32
      %dma_start3A_134 = arith.constant 0 : i32
      %dma_start3A_135 = tpu.memref_slice %arg8[%dma_start3A_133, %dma_start3A_134] : memref<10000x64xf32, #tpu.memory_space<vmem_shared>> -> memref<10000x64xf32, #tpu.memory_space<vmem_shared>>
      tpu.enqueue_indirect_dma source(%dma_start3A_135 : memref<10000x64xf32, #tpu.memory_space<vmem_shared>>) target(%dma_start3A_129 : memref<128x64xf32, #tpu.memory_space<vmem>>) offsets(%dma_start3A_132 : memref<128xi32, #tpu.memory_space<vmem>>) semaphore(%arg10 : memref<!tpu.dma_semaphore, #tpu.memory_space<semaphore_mem>>)
      %mul3A_136 = arith.constant 4 : i32
      %mul3A_137 = arith.muli %add3A_122, %mul3A_136 : i32
      %add3A_138 = arith.constant 1 : i32
      %add3A_139 = arith.addi %mul3A_137, %add3A_138 : i32
      %dma_start3A_140 = arith.constant 128 : i32
      %dma_start3A_141 = arith.constant 0 : i32
      %dma_start3A_142 = tpu.memref_slice %arg7[%dma_start3A_140, %dma_start3A_141] : memref<512x64xf32, #tpu.memory_space<vmem>> -> memref<128x64xf32, #tpu.memory_space<vmem>>
      %dma_start3A_143 = arith.constant 0 : i32
      %dma_start3A_144 = tpu.memref_slice %arg5[%add3A_139, %dma_start3A_143] : memref<80x128xi32, #tpu.memory_space<vmem>> -> memref<1x128xi32, #tpu.memory_space<vmem>>
      %dma_start3A_145 = tpu.memref_squeeze %dma_start3A_144 : memref<1x128xi32, #tpu.memory_space<vmem>> -> memref<128xi32, #tpu.memory_space<vmem>>
      %dma_start3A_146 = arith.constant 0 : i32
      %dma_start3A_147 = arith.constant 0 : i32
      %dma_start3A_148 = tpu.memref_slice %arg8[%dma_start3A_146, %dma_start3A_147] : memref<10000x64xf32, #tpu.memory_space<vmem_shared>> -> memref<10000x64xf32, #tpu.memory_space<vmem_shared>>
      tpu.enqueue_indirect_dma source(%dma_start3A_148 : memref<10000x64xf32, #tpu.memory_space<vmem_shared>>) target(%dma_start3A_142 : memref<128x64xf32, #tpu.memory_space<vmem>>) offsets(%dma_start3A_145 : memref<128xi32, #tpu.memory_space<vmem>>) semaphore(%arg10 : memref<!tpu.dma_semaphore, #tpu.memory_space<semaphore_mem>>)
      %mul3A_149 = arith.constant 4 : i32
      %mul3A_150 = arith.muli %add3A_122, %mul3A_149 : i32
      %add3A_151 = arith.constant 2 : i32
      %add3A_152 = arith.addi %mul3A_150, %add3A_151 : i32
      %dma_start3A_153 = arith.constant 256 : i32
      %dma_start3A_154 = arith.constant 0 : i32
      %dma_start3A_155 = tpu.memref_slice %arg7[%dma_start3A_153, %dma_start3A_154] : memref<512x64xf32, #tpu.memory_space<vmem>> -> memref<128x64xf32, #tpu.memory_space<vmem>>
      %dma_start3A_156 = arith.constant 0 : i32
      %dma_start3A_157 = tpu.memref_slice %arg5[%add3A_152, %dma_start3A_156] : memref<80x128xi32, #tpu.memory_space<vmem>> -> memref<1x128xi32, #tpu.memory_space<vmem>>
      %dma_start3A_158 = tpu.memref_squeeze %dma_start3A_157 : memref<1x128xi32, #tpu.memory_space<vmem>> -> memref<128xi32, #tpu.memory_space<vmem>>
      %dma_start3A_159 = arith.constant 0 : i32
      %dma_start3A_160 = arith.constant 0 : i32
      %dma_start3A_161 = tpu.memref_slice %arg8[%dma_start3A_159, %dma_start3A_160] : memref<10000x64xf32, #tpu.memory_space<vmem_shared>> -> memref<10000x64xf32, #tpu.memory_space<vmem_shared>>
      tpu.enqueue_indirect_dma source(%dma_start3A_161 : memref<10000x64xf32, #tpu.memory_space<vmem_shared>>) target(%dma_start3A_155 : memref<128x64xf32, #tpu.memory_space<vmem>>) offsets(%dma_start3A_158 : memref<128xi32, #tpu.memory_space<vmem>>) semaphore(%arg10 : memref<!tpu.dma_semaphore, #tpu.memory_space<semaphore_mem>>)
      %mul3A_162 = arith.constant 4 : i32
      %mul3A_163 = arith.muli %add3A_122, %mul3A_162 : i32
      %add3A_164 = arith.constant 3 : i32
      %add3A_165 = arith.addi %mul3A_163, %add3A_164 : i32
      %dma_start3A_166 = arith.constant 384 : i32
      %dma_start3A_167 = arith.constant 0 : i32
      %dma_start3A_168 = tpu.memref_slice %arg7[%dma_start3A_166, %dma_start3A_167] : memref<512x64xf32, #tpu.memory_space<vmem>> -> memref<128x64xf32, #tpu.memory_space<vmem>>
      %dma_start3A_169 = arith.constant 0 : i32
      %dma_start3A_170 = tpu.memref_slice %arg5[%add3A_165, %dma_start3A_169] : memref<80x128xi32, #tpu.memory_space<vmem>> -> memref<1x128xi32, #tpu.memory_space<vmem>>
      %dma_start3A_171 = tpu.memref_squeeze %dma_start3A_170 : memref<1x128xi32, #tpu.memory_space<vmem>> -> memref<128xi32, #tpu.memory_space<vmem>>
      %dma_start3A_172 = arith.constant 0 : i32
      %dma_start3A_173 = arith.constant 0 : i32
      %dma_start3A_174 = tpu.memref_slice %arg8[%dma_start3A_172, %dma_start3A_173] : memref<10000x64xf32, #tpu.memory_space<vmem_shared>> -> memref<10000x64xf32, #tpu.memory_space<vmem_shared>>
      tpu.enqueue_indirect_dma source(%dma_start3A_174 : memref<10000x64xf32, #tpu.memory_space<vmem_shared>>) target(%dma_start3A_168 : memref<128x64xf32, #tpu.memory_space<vmem>>) offsets(%dma_start3A_171 : memref<128xi32, #tpu.memory_space<vmem>>) semaphore(%arg10 : memref<!tpu.dma_semaphore, #tpu.memory_space<semaphore_mem>>)
      %mul3A_175 = arith.constant 512 : i32
      %mul3A_176 = arith.muli %mul3A_64, %mul3A_175 : i32
      %add3A_177 = arith.addi %mul3A_2, %mul3A_176 : i32
      %dma_start3A_178 = arith.constant 0 : i32
      %dma_start3A_179 = tpu.memref_slice %arg4[%add3A_177, %dma_start3A_178] : memref<327680x64xf32, #tpu.memory_space<hbm>> -> memref<512x64xf32, #tpu.memory_space<hbm>>
      %dma_start3A_180 = arith.constant 0 : i32
      %dma_start3A_181 = tpu.memref_slice %arg4[%add3A_177, %dma_start3A_180] : memref<327680x64xf32, #tpu.memory_space<hbm>> -> memref<512x64xf32, #tpu.memory_space<hbm>>
      tpu.enqueue_dma source(%arg6 : memref<512x64xf32, #tpu.memory_space<vmem>>) target(%dma_start3A_181 : memref<512x64xf32, #tpu.memory_space<hbm>>) target_semaphore(%arg11 : memref<!tpu.dma_semaphore, #tpu.memory_space<semaphore_mem>>)
      %add3A_182 = arith.constant 1 : i32
      %add3A_183 = arith.addi %mul3A_64, %add3A_182 : i32
      %mul3A_184 = arith.constant 4 : i32
      %mul3A_185 = arith.muli %add3A_183, %mul3A_184 : i32
      %add3A_186 = arith.constant 0 : i32
      %add3A_187 = arith.addi %mul3A_185, %add3A_186 : i32
      %dma_wait3A_188 = arith.constant 0 : i32
      %dma_wait3A_189 = arith.constant 0 : i32
      %dma_wait3A_190 = tpu.memref_slice %arg7[%dma_wait3A_188, %dma_wait3A_189] : memref<512x64xf32, #tpu.memory_space<vmem>> -> memref<128x64xf32, #tpu.memory_space<vmem>>
      %dma_wait3A_191 = arith.constant 0 : i32
      %dma_wait3A_192 = tpu.memref_slice %arg5[%add3A_187, %dma_wait3A_191] : memref<80x128xi32, #tpu.memory_space<vmem>> -> memref<1x128xi32, #tpu.memory_space<vmem>>
      %dma_wait3A_193 = tpu.memref_squeeze %dma_wait3A_192 : memref<1x128xi32, #tpu.memory_space<vmem>> -> memref<128xi32, #tpu.memory_space<vmem>>
      %dma_wait3A_194 = arith.constant 0 : i32
      %dma_wait3A_195 = arith.constant 0 : i32
      %dma_wait3A_196 = tpu.memref_slice %arg8[%dma_wait3A_194, %dma_wait3A_195] : memref<10000x64xf32, #tpu.memory_space<vmem_shared>> -> memref<10000x64xf32, #tpu.memory_space<vmem_shared>>
      tpu.wait_indirect_dma semaphore(%arg10 : memref<!tpu.dma_semaphore, #tpu.memory_space<semaphore_mem>>) src(%dma_wait3A_196 : memref<10000x64xf32, #tpu.memory_space<vmem_shared>>) dst(%dma_wait3A_190 : memref<128x64xf32, #tpu.memory_space<vmem>>)
      %mul3A_197 = arith.constant 4 : i32
      %mul3A_198 = arith.muli %add3A_183, %mul3A_197 : i32
      %add3A_199 = arith.constant 1 : i32
      %add3A_200 = arith.addi %mul3A_198, %add3A_199 : i32
      %dma_wait3A_201 = arith.constant 128 : i32
      %dma_wait3A_202 = arith.constant 0 : i32
      %dma_wait3A_203 = tpu.memref_slice %arg7[%dma_wait3A_201, %dma_wait3A_202] : memref<512x64xf32, #tpu.memory_space<vmem>> -> memref<128x64xf32, #tpu.memory_space<vmem>>
      %dma_wait3A_204 = arith.constant 0 : i32
      %dma_wait3A_205 = tpu.memref_slice %arg5[%add3A_200, %dma_wait3A_204] : memref<80x128xi32, #tpu.memory_space<vmem>> -> memref<1x128xi32, #tpu.memory_space<vmem>>
      %dma_wait3A_206 = tpu.memref_squeeze %dma_wait3A_205 : memref<1x128xi32, #tpu.memory_space<vmem>> -> memref<128xi32, #tpu.memory_space<vmem>>
      %dma_wait3A_207 = arith.constant 0 : i32
      %dma_wait3A_208 = arith.constant 0 : i32
      %dma_wait3A_209 = tpu.memref_slice %arg8[%dma_wait3A_207, %dma_wait3A_208] : memref<10000x64xf32, #tpu.memory_space<vmem_shared>> -> memref<10000x64xf32, #tpu.memory_space<vmem_shared>>
      tpu.wait_indirect_dma semaphore(%arg10 : memref<!tpu.dma_semaphore, #tpu.memory_space<semaphore_mem>>) src(%dma_wait3A_209 : memref<10000x64xf32, #tpu.memory_space<vmem_shared>>) dst(%dma_wait3A_203 : memref<128x64xf32, #tpu.memory_space<vmem>>)
      %mul3A_210 = arith.constant 4 : i32
      %mul3A_211 = arith.muli %add3A_183, %mul3A_210 : i32
      %add3A_212 = arith.constant 2 : i32
      %add3A_213 = arith.addi %mul3A_211, %add3A_212 : i32
      %dma_wait3A_214 = arith.constant 256 : i32
      %dma_wait3A_215 = arith.constant 0 : i32
      %dma_wait3A_216 = tpu.memref_slice %arg7[%dma_wait3A_214, %dma_wait3A_215] : memref<512x64xf32, #tpu.memory_space<vmem>> -> memref<128x64xf32, #tpu.memory_space<vmem>>
      %dma_wait3A_217 = arith.constant 0 : i32
      %dma_wait3A_218 = tpu.memref_slice %arg5[%add3A_213, %dma_wait3A_217] : memref<80x128xi32, #tpu.memory_space<vmem>> -> memref<1x128xi32, #tpu.memory_space<vmem>>
      %dma_wait3A_219 = tpu.memref_squeeze %dma_wait3A_218 : memref<1x128xi32, #tpu.memory_space<vmem>> -> memref<128xi32, #tpu.memory_space<vmem>>
      %dma_wait3A_220 = arith.constant 0 : i32
      %dma_wait3A_221 = arith.constant 0 : i32
      %dma_wait3A_222 = tpu.memref_slice %arg8[%dma_wait3A_220, %dma_wait3A_221] : memref<10000x64xf32, #tpu.memory_space<vmem_shared>> -> memref<10000x64xf32, #tpu.memory_space<vmem_shared>>
      tpu.wait_indirect_dma semaphore(%arg10 : memref<!tpu.dma_semaphore, #tpu.memory_space<semaphore_mem>>) src(%dma_wait3A_222 : memref<10000x64xf32, #tpu.memory_space<vmem_shared>>) dst(%dma_wait3A_216 : memref<128x64xf32, #tpu.memory_space<vmem>>)
      %mul3A_223 = arith.constant 4 : i32
      %mul3A_224 = arith.muli %add3A_183, %mul3A_223 : i32
      %add3A_225 = arith.constant 3 : i32
      %add3A_226 = arith.addi %mul3A_224, %add3A_225 : i32
      %dma_wait3A_227 = arith.constant 384 : i32
      %dma_wait3A_228 = arith.constant 0 : i32
      %dma_wait3A_229 = tpu.memref_slice %arg7[%dma_wait3A_227, %dma_wait3A_228] : memref<512x64xf32, #tpu.memory_space<vmem>> -> memref<128x64xf32, #tpu.memory_space<vmem>>
      %dma_wait3A_230 = arith.constant 0 : i32
      %dma_wait3A_231 = tpu.memref_slice %arg5[%add3A_226, %dma_wait3A_230] : memref<80x128xi32, #tpu.memory_space<vmem>> -> memref<1x128xi32, #tpu.memory_space<vmem>>
      %dma_wait3A_232 = tpu.memref_squeeze %dma_wait3A_231 : memref<1x128xi32, #tpu.memory_space<vmem>> -> memref<128xi32, #tpu.memory_space<vmem>>
      %dma_wait3A_233 = arith.constant 0 : i32
      %dma_wait3A_234 = arith.constant 0 : i32
      %dma_wait3A_235 = tpu.memref_slice %arg8[%dma_wait3A_233, %dma_wait3A_234] : memref<10000x64xf32, #tpu.memory_space<vmem_shared>> -> memref<10000x64xf32, #tpu.memory_space<vmem_shared>>
      tpu.wait_indirect_dma semaphore(%arg10 : memref<!tpu.dma_semaphore, #tpu.memory_space<semaphore_mem>>) src(%dma_wait3A_235 : memref<10000x64xf32, #tpu.memory_space<vmem_shared>>) dst(%dma_wait3A_229 : memref<128x64xf32, #tpu.memory_space<vmem>>)
      %lt3A = arith.constant 9 : i32
      %lt3A_236 = arith.cmpi slt, %scan3A_61, %lt3A : i32
      %convert_element_type3A_237 = arith.extui %lt3A_236 : i1 to i32
      %cond3A_238 = arith.constant 0 : i32
      %cond3A_239 = arith.cmpi ne, %convert_element_type3A_237, %cond3A_238 : i32
      scf.if %cond3A_239 {
        %mul3A_250 = arith.constant 512 : i32
        %mul3A_251 = arith.muli %mul3A_64, %mul3A_250 : i32
        %add3A_252 = arith.addi %mul3A_2, %mul3A_251 : i32
        %dma_wait3A_253 = arith.constant 0 : i32
        %dma_wait3A_254 = tpu.memref_slice %arg4[%add3A_252, %dma_wait3A_253] : memref<327680x64xf32, #tpu.memory_space<hbm>> -> memref<512x64xf32, #tpu.memory_space<hbm>>
        %dma_wait3A_255 = arith.constant 0 : i32
        %dma_wait3A_256 = tpu.memref_slice %arg4[%add3A_252, %dma_wait3A_255] : memref<327680x64xf32, #tpu.memory_space<hbm>> -> memref<512x64xf32, #tpu.memory_space<hbm>>
        tpu.wait_dma2 semaphore(%arg11 : memref<!tpu.dma_semaphore, #tpu.memory_space<semaphore_mem>>) src(%arg6 : memref<512x64xf32, #tpu.memory_space<vmem>>) dst(%dma_wait3A_256 : memref<512x64xf32, #tpu.memory_space<hbm>>)
        %add3A_257 = arith.constant 2 : i32
        %add3A_258 = arith.addi %mul3A_64, %add3A_257 : i32
        %mul3A_259 = arith.constant 4 : i32
        %mul3A_260 = arith.muli %add3A_258, %mul3A_259 : i32
        %add3A_261 = arith.constant 0 : i32
        %add3A_262 = arith.addi %mul3A_260, %add3A_261 : i32
        %dma_start3A_263 = arith.constant 0 : i32
        %dma_start3A_264 = arith.constant 0 : i32
        %dma_start3A_265 = tpu.memref_slice %arg6[%dma_start3A_263, %dma_start3A_264] : memref<512x64xf32, #tpu.memory_space<vmem>> -> memref<128x64xf32, #tpu.memory_space<vmem>>
        %dma_start3A_266 = arith.constant 0 : i32
        %dma_start3A_267 = tpu.memref_slice %arg5[%add3A_262, %dma_start3A_266] : memref<80x128xi32, #tpu.memory_space<vmem>> -> memref<1x128xi32, #tpu.memory_space<vmem>>
        %dma_start3A_268 = tpu.memref_squeeze %dma_start3A_267 : memref<1x128xi32, #tpu.memory_space<vmem>> -> memref<128xi32, #tpu.memory_space<vmem>>
        %dma_start3A_269 = arith.constant 0 : i32
        %dma_start3A_270 = arith.constant 0 : i32
        %dma_start3A_271 = tpu.memref_slice %arg8[%dma_start3A_269, %dma_start3A_270] : memref<10000x64xf32, #tpu.memory_space<vmem_shared>> -> memref<10000x64xf32, #tpu.memory_space<vmem_shared>>
        tpu.enqueue_indirect_dma source(%dma_start3A_271 : memref<10000x64xf32, #tpu.memory_space<vmem_shared>>) target(%dma_start3A_265 : memref<128x64xf32, #tpu.memory_space<vmem>>) offsets(%dma_start3A_268 : memref<128xi32, #tpu.memory_space<vmem>>) semaphore(%arg9 : memref<!tpu.dma_semaphore, #tpu.memory_space<semaphore_mem>>)
        %mul3A_272 = arith.constant 4 : i32
        %mul3A_273 = arith.muli %add3A_258, %mul3A_272 : i32
        %add3A_274 = arith.constant 1 : i32
        %add3A_275 = arith.addi %mul3A_273, %add3A_274 : i32
        %dma_start3A_276 = arith.constant 128 : i32
        %dma_start3A_277 = arith.constant 0 : i32
        %dma_start3A_278 = tpu.memref_slice %arg6[%dma_start3A_276, %dma_start3A_277] : memref<512x64xf32, #tpu.memory_space<vmem>> -> memref<128x64xf32, #tpu.memory_space<vmem>>
        %dma_start3A_279 = arith.constant 0 : i32
        %dma_start3A_280 = tpu.memref_slice %arg5[%add3A_275, %dma_start3A_279] : memref<80x128xi32, #tpu.memory_space<vmem>> -> memref<1x128xi32, #tpu.memory_space<vmem>>
        %dma_start3A_281 = tpu.memref_squeeze %dma_start3A_280 : memref<1x128xi32, #tpu.memory_space<vmem>> -> memref<128xi32, #tpu.memory_space<vmem>>
        %dma_start3A_282 = arith.constant 0 : i32
        %dma_start3A_283 = arith.constant 0 : i32
        %dma_start3A_284 = tpu.memref_slice %arg8[%dma_start3A_282, %dma_start3A_283] : memref<10000x64xf32, #tpu.memory_space<vmem_shared>> -> memref<10000x64xf32, #tpu.memory_space<vmem_shared>>
        tpu.enqueue_indirect_dma source(%dma_start3A_284 : memref<10000x64xf32, #tpu.memory_space<vmem_shared>>) target(%dma_start3A_278 : memref<128x64xf32, #tpu.memory_space<vmem>>) offsets(%dma_start3A_281 : memref<128xi32, #tpu.memory_space<vmem>>) semaphore(%arg9 : memref<!tpu.dma_semaphore, #tpu.memory_space<semaphore_mem>>)
        %mul3A_285 = arith.constant 4 : i32
        %mul3A_286 = arith.muli %add3A_258, %mul3A_285 : i32
        %add3A_287 = arith.constant 2 : i32
        %add3A_288 = arith.addi %mul3A_286, %add3A_287 : i32
        %dma_start3A_289 = arith.constant 256 : i32
        %dma_start3A_290 = arith.constant 0 : i32
        %dma_start3A_291 = tpu.memref_slice %arg6[%dma_start3A_289, %dma_start3A_290] : memref<512x64xf32, #tpu.memory_space<vmem>> -> memref<128x64xf32, #tpu.memory_space<vmem>>
        %dma_start3A_292 = arith.constant 0 : i32
        %dma_start3A_293 = tpu.memref_slice %arg5[%add3A_288, %dma_start3A_292] : memref<80x128xi32, #tpu.memory_space<vmem>> -> memref<1x128xi32, #tpu.memory_space<vmem>>
        %dma_start3A_294 = tpu.memref_squeeze %dma_start3A_293 : memref<1x128xi32, #tpu.memory_space<vmem>> -> memref<128xi32, #tpu.memory_space<vmem>>
        %dma_start3A_295 = arith.constant 0 : i32
        %dma_start3A_296 = arith.constant 0 : i32
        %dma_start3A_297 = tpu.memref_slice %arg8[%dma_start3A_295, %dma_start3A_296] : memref<10000x64xf32, #tpu.memory_space<vmem_shared>> -> memref<10000x64xf32, #tpu.memory_space<vmem_shared>>
        tpu.enqueue_indirect_dma source(%dma_start3A_297 : memref<10000x64xf32, #tpu.memory_space<vmem_shared>>) target(%dma_start3A_291 : memref<128x64xf32, #tpu.memory_space<vmem>>) offsets(%dma_start3A_294 : memref<128xi32, #tpu.memory_space<vmem>>) semaphore(%arg9 : memref<!tpu.dma_semaphore, #tpu.memory_space<semaphore_mem>>)
        %mul3A_298 = arith.constant 4 : i32
        %mul3A_299 = arith.muli %add3A_258, %mul3A_298 : i32
        %add3A_300 = arith.constant 3 : i32
        %add3A_301 = arith.addi %mul3A_299, %add3A_300 : i32
        %dma_start3A_302 = arith.constant 384 : i32
        %dma_start3A_303 = arith.constant 0 : i32
        %dma_start3A_304 = tpu.memref_slice %arg6[%dma_start3A_302, %dma_start3A_303] : memref<512x64xf32, #tpu.memory_space<vmem>> -> memref<128x64xf32, #tpu.memory_space<vmem>>
        %dma_start3A_305 = arith.constant 0 : i32
        %dma_start3A_306 = tpu.memref_slice %arg5[%add3A_301, %dma_start3A_305] : memref<80x128xi32, #tpu.memory_space<vmem>> -> memref<1x128xi32, #tpu.memory_space<vmem>>
        %dma_start3A_307 = tpu.memref_squeeze %dma_start3A_306 : memref<1x128xi32, #tpu.memory_space<vmem>> -> memref<128xi32, #tpu.memory_space<vmem>>
        %dma_start3A_308 = arith.constant 0 : i32
        %dma_start3A_309 = arith.constant 0 : i32
        %dma_start3A_310 = tpu.memref_slice %arg8[%dma_start3A_308, %dma_start3A_309] : memref<10000x64xf32, #tpu.memory_space<vmem_shared>> -> memref<10000x64xf32, #tpu.memory_space<vmem_shared>>
        tpu.enqueue_indirect_dma source(%dma_start3A_310 : memref<10000x64xf32, #tpu.memory_space<vmem_shared>>) target(%dma_start3A_304 : memref<128x64xf32, #tpu.memory_space<vmem>>) offsets(%dma_start3A_307 : memref<128xi32, #tpu.memory_space<vmem>>) semaphore(%arg9 : memref<!tpu.dma_semaphore, #tpu.memory_space<semaphore_mem>>)
      } else {
      }
      %add3A_240 = arith.constant 1 : i32
      %add3A_241 = arith.addi %mul3A_64, %add3A_240 : i32
      %mul3A_242 = arith.constant 512 : i32
      %mul3A_243 = arith.muli %add3A_241, %mul3A_242 : i32
      %add3A_244 = arith.addi %mul3A_2, %mul3A_243 : i32
      %dma_start3A_245 = arith.constant 0 : i32
      %dma_start3A_246 = tpu.memref_slice %arg4[%add3A_244, %dma_start3A_245] : memref<327680x64xf32, #tpu.memory_space<hbm>> -> memref<512x64xf32, #tpu.memory_space<hbm>>
      %dma_start3A_247 = arith.constant 0 : i32
      %dma_start3A_248 = tpu.memref_slice %arg4[%add3A_244, %dma_start3A_247] : memref<327680x64xf32, #tpu.memory_space<hbm>> -> memref<512x64xf32, #tpu.memory_space<hbm>>
      tpu.enqueue_dma source(%arg7 : memref<512x64xf32, #tpu.memory_space<vmem>>) target(%dma_start3A_248 : memref<512x64xf32, #tpu.memory_space<hbm>>) target_semaphore(%arg12 : memref<!tpu.dma_semaphore, #tpu.memory_space<semaphore_mem>>)
      %scan3A_249 = arith.constant 0 : i32
      scf.yield %scan3A_249 : i32
    }
    %scan3A_49 = arith.constant 10 : i32
    %add3A_50 = arith.constant 9216 : i32
    %add3A_51 = arith.addi %mul3A_2, %add3A_50 : i32
    %dma_wait3A = arith.constant 0 : i32
    %dma_wait3A_52 = tpu.memref_slice %arg4[%add3A_51, %dma_wait3A] : memref<327680x64xf32, #tpu.memory_space<hbm>> -> memref<512x64xf32, #tpu.memory_space<hbm>>
    %dma_wait3A_53 = arith.constant 0 : i32
    %dma_wait3A_54 = tpu.memref_slice %arg4[%add3A_51, %dma_wait3A_53] : memref<327680x64xf32, #tpu.memory_space<hbm>> -> memref<512x64xf32, #tpu.memory_space<hbm>>
    tpu.wait_dma2 semaphore(%arg11 : memref<!tpu.dma_semaphore, #tpu.memory_space<semaphore_mem>>) src(%arg6 : memref<512x64xf32, #tpu.memory_space<vmem>>) dst(%dma_wait3A_54 : memref<512x64xf32, #tpu.memory_space<hbm>>)
    %add3A_55 = arith.constant 9728 : i32
    %add3A_56 = arith.addi %mul3A_2, %add3A_55 : i32
    %dma_wait3A_57 = arith.constant 0 : i32
    %dma_wait3A_58 = tpu.memref_slice %arg4[%add3A_56, %dma_wait3A_57] : memref<327680x64xf32, #tpu.memory_space<hbm>> -> memref<512x64xf32, #tpu.memory_space<hbm>>
    %dma_wait3A_59 = arith.constant 0 : i32
    %dma_wait3A_60 = tpu.memref_slice %arg4[%add3A_56, %dma_wait3A_59] : memref<327680x64xf32, #tpu.memory_space<hbm>> -> memref<512x64xf32, #tpu.memory_space<hbm>>
    tpu.wait_dma2 semaphore(%arg12 : memref<!tpu.dma_semaphore, #tpu.memory_space<semaphore_mem>>) src(%arg7 : memref<512x64xf32, #tpu.memory_space<vmem>>) dst(%dma_wait3A_60 : memref<512x64xf32, #tpu.memory_space<hbm>>)
    return
  }
}

module attributes {stable_mosaic.version = 14 : i64} {
  func.func @body(%arg0: i32, %arg1: memref<400x128xf32, #tpu.memory_space<vmem>>, %arg2: memref<128x64xf32, #tpu.memory_space<vmem>>, %arg3: memref<1x64xf32, #tpu.memory_space<vmem>>, %arg4: memref<1x64xf32, #tpu.memory_space<vmem>>, %arg5: memref<1x64xf32, #tpu.memory_space<vmem>>, %arg6: memref<64x64xf32, #tpu.memory_space<vmem>>, %arg7: memref<1x64xf32, #tpu.memory_space<vmem>>, %arg8: memref<64x64xf32, #tpu.memory_space<vmem>>, %arg9: memref<1x64xf32, #tpu.memory_space<vmem>>, %arg10: memref<400x64xf32, #tpu.memory_space<vmem>>, %arg11: memref<400x64xf32, #tpu.memory_space<vmem>>, %arg12: memref<400x64xf32, #tpu.memory_space<vmem>>) attributes {dimension_semantics = [#tpu.dimension_semantics<arbitrary>], iteration_bounds = array<i64: 25>, scalar_prefetch = 0 : i64, scratch_operands = 0 : i64, tpu.core_type = #tpu.core_type<tc>, window_params = [{transform_indices = @transform_0, window_bounds = array<i64: 400, 128>}, {pipeline_mode = #tpu.pipeline_mode<synchronous>, transform_indices = @transform_1, window_bounds = array<i64: 128, 64>}, {pipeline_mode = #tpu.pipeline_mode<synchronous>, transform_indices = @transform_2, window_bounds = array<i64: 1, 64>}, {pipeline_mode = #tpu.pipeline_mode<synchronous>, transform_indices = @transform_3, window_bounds = array<i64: 1, 64>}, {pipeline_mode = #tpu.pipeline_mode<synchronous>, transform_indices = @transform_4, window_bounds = array<i64: 1, 64>}, {pipeline_mode = #tpu.pipeline_mode<synchronous>, transform_indices = @transform_5, window_bounds = array<i64: 64, 64>}, {pipeline_mode = #tpu.pipeline_mode<synchronous>, transform_indices = @transform_6, window_bounds = array<i64: 1, 64>}, {pipeline_mode = #tpu.pipeline_mode<synchronous>, transform_indices = @transform_7, window_bounds = array<i64: 64, 64>}, {pipeline_mode = #tpu.pipeline_mode<synchronous>, transform_indices = @transform_8, window_bounds = array<i64: 1, 64>}, {transform_indices = @transform_9, window_bounds = array<i64: 400, 64>}, {transform_indices = @transform_10, window_bounds = array<i64: 400, 64>}, {transform_indices = @transform_11, window_bounds = array<i64: 400, 64>}]} {
    %get3A = arith.constant 0 : index
    %get3A_0 = arith.constant 0 : index
    %get3A_1 = vector.load %arg1[%get3A, %get3A_0] : memref<400x128xf32, #tpu.memory_space<vmem>>, vector<400x128xf32>
    %get3A_2 = arith.constant 0 : index
    %get3A_3 = arith.constant 0 : index
    %get3A_4 = vector.load %arg2[%get3A_2, %get3A_3] : memref<128x64xf32, #tpu.memory_space<vmem>>, vector<128x64xf32>
    %dot_general3A = arith.constant dense<0.000000e+00> : vector<400x64xf32>
    %dot_general3A_5 = tpu.matmul %get3A_1, %get3A_4, %dot_general3A {dimension_numbers = #tpu.dot_dimension_numbers<[1], [0], [0], [1], [0, 0, 1, 1], [], []>, transpose_lhs_hint = false} : vector<400x128xf32>, vector<128x64xf32>, vector<400x64xf32> -> vector<400x64xf32>
    %get3A_6 = arith.constant 0 : index
    %get3A_7 = arith.constant 0 : index
    %get3A_8 = vector.load %arg3[%get3A_6, %get3A_7] : memref<1x64xf32, #tpu.memory_space<vmem>>, vector<1x64xf32>
    %add3A = vector.broadcast %get3A_8 : vector<1x64xf32> to vector<400x64xf32>
    %add3A_9 = arith.addf %dot_general3A_5, %add3A : vector<400x64xf32>
    %get3A_10 = arith.constant 0 : index
    %get3A_11 = arith.constant 0 : index
    %get3A_12 = vector.load %arg4[%get3A_10, %get3A_11] : memref<1x64xf32, #tpu.memory_space<vmem>>, vector<1x64xf32>
    %get3A_13 = arith.constant 0 : index
    %get3A_14 = arith.constant 0 : index
    %get3A_15 = vector.load %arg5[%get3A_13, %get3A_14] : memref<1x64xf32, #tpu.memory_space<vmem>>, vector<1x64xf32>
    %reduce_sum3A = arith.constant dense<0.000000e+00> : vector<400xf32>
    %reduce_sum3A_16 = vector.multi_reduction <add>, %add3A_9, %reduce_sum3A [1] : vector<400x64xf32> to vector<400xf32>
    %broadcast_in_dim3A = vector.shape_cast %reduce_sum3A_16 : vector<400xf32> to vector<400x1xf32>
    %div3A = arith.constant 6.400000e+01 : f32
    %div3A_17 = vector.broadcast %div3A : f32 to vector<400x1xf32>
    %div3A_18 = arith.divf %broadcast_in_dim3A, %div3A_17 : vector<400x1xf32>
    %jit3A = arith.constant 0 : i32
    %reduce_sum3A_19 = arith.constant dense<0.000000e+00> : vector<400xf32>
    %reduce_sum3A_20 = vector.multi_reduction <add>, %add3A_9, %reduce_sum3A_19 [1] : vector<400x64xf32> to vector<400xf32>
    %broadcast_in_dim3A_21 = vector.shape_cast %reduce_sum3A_20 : vector<400xf32> to vector<400x1xf32>
    %div3A_22 = arith.constant 6.400000e+01 : f32
    %div3A_23 = vector.broadcast %div3A_22 : f32 to vector<400x1xf32>
    %div3A_24 = arith.divf %broadcast_in_dim3A_21, %div3A_23 : vector<400x1xf32>
    %sub3A = vector.broadcast %div3A_24 : vector<400x1xf32> to vector<400x64xf32>
    %sub3A_25 = arith.subf %add3A_9, %sub3A : vector<400x64xf32>
    %square3A = arith.mulf %sub3A_25, %sub3A_25 : vector<400x64xf32>
    %convert_element_type3A = arith.sitofp %jit3A : i32 to f32
    %sub3A_26 = arith.constant 6.400000e+01 : f32
    %sub3A_27 = arith.subf %sub3A_26, %convert_element_type3A : f32
    %reduce_sum3A_28 = arith.constant dense<0.000000e+00> : vector<400xf32>
    %reduce_sum3A_29 = vector.multi_reduction <add>, %square3A, %reduce_sum3A_28 [1] : vector<400x64xf32> to vector<400xf32>
    %broadcast_in_dim3A_30 = vector.shape_cast %reduce_sum3A_29 : vector<400xf32> to vector<400x1xf32>
    %div3A_31 = vector.broadcast %sub3A_27 : f32 to vector<400x1xf32>
    %div3A_32 = arith.divf %broadcast_in_dim3A_30, %div3A_31 : vector<400x1xf32>
    %gt3A = arith.constant 0.000000e+00 : f32
    %gt3A_33 = arith.cmpf ogt, %sub3A_27, %gt3A : f32
    %jit3A_34 = arith.constant 0x7FC00000 : f32
    %broadcast_in_dim3A_35 = vector.broadcast %jit3A_34 : f32 to vector<400x1xf32>
    %select_n3A = arith.select %gt3A_33, %div3A_32, %broadcast_in_dim3A_35 : vector<400x1xf32>
    %sub3A_36 = vector.broadcast %div3A_18 : vector<400x1xf32> to vector<400x64xf32>
    %sub3A_37 = arith.subf %add3A_9, %sub3A_36 : vector<400x64xf32>
    %add3A_38 = arith.constant 9.99999997E-7 : f32
    %add3A_39 = vector.broadcast %add3A_38 : f32 to vector<400x1xf32>
    %add3A_40 = arith.addf %select_n3A, %add3A_39 : vector<400x1xf32>
    %sqrt3A = math.sqrt %add3A_40 : vector<400x1xf32>
    %div3A_41 = vector.broadcast %sqrt3A : vector<400x1xf32> to vector<400x64xf32>
    %div3A_42 = arith.divf %sub3A_37, %div3A_41 : vector<400x64xf32>
    %mul3A = vector.broadcast %get3A_12 : vector<1x64xf32> to vector<400x64xf32>
    %mul3A_43 = arith.mulf %div3A_42, %mul3A : vector<400x64xf32>
    %add3A_44 = vector.broadcast %get3A_15 : vector<1x64xf32> to vector<400x64xf32>
    %add3A_45 = arith.addf %mul3A_43, %add3A_44 : vector<400x64xf32>
    %swap3A = arith.constant 0 : index
    %swap3A_46 = arith.constant 0 : index
    %swap3A_47 = vector.load %arg10[%swap3A, %swap3A_46] : memref<400x64xf32, #tpu.memory_space<vmem>>, vector<400x64xf32>
    tpu.vector_store %arg10[%swap3A, %swap3A_46], %add3A_9 {strides = array<i32>} : memref<400x64xf32, #tpu.memory_space<vmem>>, vector<400x64xf32>,
    %get3A_48 = arith.constant 0 : index
    %get3A_49 = arith.constant 0 : index
    %get3A_50 = vector.load %arg6[%get3A_48, %get3A_49] : memref<64x64xf32, #tpu.memory_space<vmem>>, vector<64x64xf32>
    %dot_general3A_51 = arith.constant dense<0.000000e+00> : vector<400x64xf32>
    %dot_general3A_52 = tpu.matmul %add3A_45, %get3A_50, %dot_general3A_51 {dimension_numbers = #tpu.dot_dimension_numbers<[1], [0], [0], [1], [0, 0, 1, 1], [], []>, transpose_lhs_hint = false} : vector<400x64xf32>, vector<64x64xf32>, vector<400x64xf32> -> vector<400x64xf32>
    %get3A_53 = arith.constant 0 : index
    %get3A_54 = arith.constant 0 : index
    %get3A_55 = vector.load %arg7[%get3A_53, %get3A_54] : memref<1x64xf32, #tpu.memory_space<vmem>>, vector<1x64xf32>
    %add3A_56 = vector.broadcast %get3A_55 : vector<1x64xf32> to vector<400x64xf32>
    %add3A_57 = arith.addf %dot_general3A_52, %add3A_56 : vector<400x64xf32>
    %swap3A_58 = arith.constant 0 : index
    %swap3A_59 = arith.constant 0 : index
    %swap3A_60 = vector.load %arg11[%swap3A_58, %swap3A_59] : memref<400x64xf32, #tpu.memory_space<vmem>>, vector<400x64xf32>
    tpu.vector_store %arg11[%swap3A_58, %swap3A_59], %add3A_57 {strides = array<i32>} : memref<400x64xf32, #tpu.memory_space<vmem>>, vector<400x64xf32>,
    %get3A_61 = arith.constant 0 : index
    %get3A_62 = arith.constant 0 : index
    %get3A_63 = vector.load %arg8[%get3A_61, %get3A_62] : memref<64x64xf32, #tpu.memory_space<vmem>>, vector<64x64xf32>
    %dot_general3A_64 = arith.constant dense<0.000000e+00> : vector<400x64xf32>
    %dot_general3A_65 = tpu.matmul %add3A_45, %get3A_63, %dot_general3A_64 {dimension_numbers = #tpu.dot_dimension_numbers<[1], [0], [0], [1], [0, 0, 1, 1], [], []>, transpose_lhs_hint = false} : vector<400x64xf32>, vector<64x64xf32>, vector<400x64xf32> -> vector<400x64xf32>
    %get3A_66 = arith.constant 0 : index
    %get3A_67 = arith.constant 0 : index
    %get3A_68 = vector.load %arg9[%get3A_66, %get3A_67] : memref<1x64xf32, #tpu.memory_space<vmem>>, vector<1x64xf32>
    %add3A_69 = vector.broadcast %get3A_68 : vector<1x64xf32> to vector<400x64xf32>
    %add3A_70 = arith.addf %dot_general3A_65, %add3A_69 : vector<400x64xf32>
    %swap3A_71 = arith.constant 0 : index
    %swap3A_72 = arith.constant 0 : index
    %swap3A_73 = vector.load %arg12[%swap3A_71, %swap3A_72] : memref<400x64xf32, #tpu.memory_space<vmem>>, vector<400x64xf32>
    tpu.vector_store %arg12[%swap3A_71, %swap3A_72], %add3A_70 {strides = array<i32>} : memref<400x64xf32, #tpu.memory_space<vmem>>, vector<400x64xf32>,
    return
  }
  func.func @transform_0(%arg0: i32) -> (i32, i32) {
    %c0_i32 = arith.constant 0 : i32
    %c0_i32_0 = arith.constant 0 : i32
    return %arg0, %c0_i32 : i32, i32
  }
  func.func @transform_1(%arg0: i32) -> (i32, i32) {
    %c0_i32 = arith.constant 0 : i32
    %c0_i32_0 = arith.constant 0 : i32
    %c0_i32_1 = arith.constant 0 : i32
    return %c0_i32, %c0_i32_0 : i32, i32
  }
  func.func @transform_2(%arg0: i32) -> (i32, i32) {
    %c0_i32 = arith.constant 0 : i32
    %c0_i32_0 = arith.constant 0 : i32
    %c0_i32_1 = arith.constant 0 : i32
    return %c0_i32, %c0_i32_0 : i32, i32
  }
  func.func @transform_3(%arg0: i32) -> (i32, i32) {
    %c0_i32 = arith.constant 0 : i32
    %c0_i32_0 = arith.constant 0 : i32
    %c0_i32_1 = arith.constant 0 : i32
    return %c0_i32, %c0_i32_0 : i32, i32
  }
  func.func @transform_4(%arg0: i32) -> (i32, i32) {
    %c0_i32 = arith.constant 0 : i32
    %c0_i32_0 = arith.constant 0 : i32
    %c0_i32_1 = arith.constant 0 : i32
    return %c0_i32, %c0_i32_0 : i32, i32
  }
  func.func @transform_5(%arg0: i32) -> (i32, i32) {
    %c0_i32 = arith.constant 0 : i32
    %c0_i32_0 = arith.constant 0 : i32
    %c0_i32_1 = arith.constant 0 : i32
    return %c0_i32, %c0_i32_0 : i32, i32
  }
  func.func @transform_6(%arg0: i32) -> (i32, i32) {
    %c0_i32 = arith.constant 0 : i32
    %c0_i32_0 = arith.constant 0 : i32
    %c0_i32_1 = arith.constant 0 : i32
    return %c0_i32, %c0_i32_0 : i32, i32
  }
  func.func @transform_7(%arg0: i32) -> (i32, i32) {
    %c0_i32 = arith.constant 0 : i32
    %c0_i32_0 = arith.constant 0 : i32
    %c0_i32_1 = arith.constant 0 : i32
    return %c0_i32, %c0_i32_0 : i32, i32
  }
  func.func @transform_8(%arg0: i32) -> (i32, i32) {
    %c0_i32 = arith.constant 0 : i32
    %c0_i32_0 = arith.constant 0 : i32
    %c0_i32_1 = arith.constant 0 : i32
    return %c0_i32, %c0_i32_0 : i32, i32
  }
  func.func @transform_9(%arg0: i32) -> (i32, i32) {
    %c0_i32 = arith.constant 0 : i32
    %c0_i32_0 = arith.constant 0 : i32
    return %arg0, %c0_i32 : i32, i32
  }
  func.func @transform_10(%arg0: i32) -> (i32, i32) {
    %c0_i32 = arith.constant 0 : i32
    %c0_i32_0 = arith.constant 0 : i32
    return %arg0, %c0_i32 : i32, i32
  }
  func.func @transform_11(%arg0: i32) -> (i32, i32) {
    %c0_i32 = arith.constant 0 : i32
    %c0_i32_0 = arith.constant 0 : i32
    return %arg0, %c0_i32 : i32, i32
  }
}

module attributes {stable_mosaic.version = 14 : i64} {
  func.func @body(%arg0: i32, %arg1: memref<400x64xf32, #tpu.memory_space<vmem>>, %arg2: memref<400x64xf32, #tpu.memory_space<vmem>>, %arg3: memref<819200xf32, #tpu.memory_space<vmem>>, %arg4: memref<400x16x82xf32, #tpu.memory_space<vmem>>, %arg5: memref<82x128xf32, #tpu.memory_space<vmem>>, %arg6: memref<1x128xf32, #tpu.memory_space<vmem>>, %arg7: memref<128x256xf32, #tpu.memory_space<vmem>>, %arg8: memref<1x256xf32, #tpu.memory_space<vmem>>, %arg9: memref<1x64xf32, #tpu.memory_space<vmem>>, %arg10: memref<1x64xf32, #tpu.memory_space<vmem>>, %arg11: memref<64x64xf32, #tpu.memory_space<vmem>>, %arg12: memref<1x64xf32, #tpu.memory_space<vmem>>, %arg13: memref<64x64xf32, #tpu.memory_space<vmem>>, %arg14: memref<1x64xf32, #tpu.memory_space<vmem>>, %arg15: memref<400x64xf32, #tpu.memory_space<vmem>>, %arg16: memref<400x64xf32, #tpu.memory_space<vmem>>, %arg17: memref<400x64xf32, #tpu.memory_space<vmem>>) attributes {dimension_semantics = [#tpu.dimension_semantics<arbitrary>], iteration_bounds = array<i64: 25>, scalar_prefetch = 0 : i64, scratch_operands = 0 : i64, tpu.core_type = #tpu.core_type<tc>, window_params = [{transform_indices = @transform_0, window_bounds = array<i64: 400, 64>}, {transform_indices = @transform_1, window_bounds = array<i64: 400, 64>}, {transform_indices = @transform_2, window_bounds = array<i64: 819200>}, {transform_indices = @transform_3, window_bounds = array<i64: 400, 16, 82>}, {pipeline_mode = #tpu.pipeline_mode<synchronous>, transform_indices = @transform_4, window_bounds = array<i64: 82, 128>}, {pipeline_mode = #tpu.pipeline_mode<synchronous>, transform_indices = @transform_5, window_bounds = array<i64: 1, 128>}, {pipeline_mode = #tpu.pipeline_mode<synchronous>, transform_indices = @transform_6, window_bounds = array<i64: 128, 256>}, {pipeline_mode = #tpu.pipeline_mode<synchronous>, transform_indices = @transform_7, window_bounds = array<i64: 1, 256>}, {pipeline_mode = #tpu.pipeline_mode<synchronous>, transform_indices = @transform_8, window_bounds = array<i64: 1, 64>}, {pipeline_mode = #tpu.pipeline_mode<synchronous>, transform_indices = @transform_9, window_bounds = array<i64: 1, 64>}, {pipeline_mode = #tpu.pipeline_mode<synchronous>, transform_indices = @transform_10, window_bounds = array<i64: 64, 64>}, {pipeline_mode = #tpu.pipeline_mode<synchronous>, transform_indices = @transform_11, window_bounds = array<i64: 1, 64>}, {pipeline_mode = #tpu.pipeline_mode<synchronous>, transform_indices = @transform_12, window_bounds = array<i64: 64, 64>}, {pipeline_mode = #tpu.pipeline_mode<synchronous>, transform_indices = @transform_13, window_bounds = array<i64: 1, 64>}, {transform_indices = @transform_14, window_bounds = array<i64: 400, 64>}, {transform_indices = @transform_15, window_bounds = array<i64: 400, 64>}, {transform_indices = @transform_16, window_bounds = array<i64: 400, 64>}]} {
    %get3A = arith.constant 0 : index
    %get3A_0 = vector.load %arg3[%get3A] : memref<819200xf32, #tpu.memory_space<vmem>>, vector<819200xf32>
    %reshape3A = vector.shape_cast %get3A_0 : vector<819200xf32> to vector<6400x128xf32>
    %get3A_1 = arith.constant 0 : index
    %get3A_2 = arith.constant 0 : index
    %get3A_3 = vector.load %arg2[%get3A_1, %get3A_2] : memref<400x64xf32, #tpu.memory_space<vmem>>, vector<400x64xf32>
    %get3A_4 = arith.constant 0 : index
    %get3A_5 = arith.constant 0 : index
    %get3A_6 = arith.constant 0 : index
    %get3A_7 = vector.load %arg4[%get3A_4, %get3A_5, %get3A_6] : memref<400x16x82xf32, #tpu.memory_space<vmem>>, vector<400x16x82xf32>
    %get3A_8 = arith.constant 0 : index
    %get3A_9 = arith.constant 0 : index
    %get3A_10 = vector.load %arg5[%get3A_8, %get3A_9] : memref<82x128xf32, #tpu.memory_space<vmem>>, vector<82x128xf32>
    %get3A_11 = arith.constant 0 : index
    %get3A_12 = arith.constant 0 : index
    %get3A_13 = vector.load %arg6[%get3A_11, %get3A_12] : memref<1x128xf32, #tpu.memory_space<vmem>>, vector<1x128xf32>
    %get3A_14 = arith.constant 0 : index
    %get3A_15 = arith.constant 0 : index
    %get3A_16 = vector.load %arg7[%get3A_14, %get3A_15] : memref<128x256xf32, #tpu.memory_space<vmem>>, vector<128x256xf32>
    %get3A_17 = arith.constant 0 : index
    %get3A_18 = arith.constant 0 : index
    %get3A_19 = vector.load %arg8[%get3A_17, %get3A_18] : memref<1x256xf32, #tpu.memory_space<vmem>>, vector<1x256xf32>
    %reshape3A_20 = vector.shape_cast %get3A_7 : vector<400x16x82xf32> to vector<6400x82xf32>
    %dot_general3A = arith.constant dense<0.000000e+00> : vector<6400x128xf32>
    %dot_general3A_21 = tpu.matmul %reshape3A_20, %get3A_10, %dot_general3A {dimension_numbers = #tpu.dot_dimension_numbers<[1], [0], [0], [1], [0, 0, 1, 1], [], []>, transpose_lhs_hint = false} : vector<6400x82xf32>, vector<82x128xf32>, vector<6400x128xf32> -> vector<6400x128xf32>
    %add3A = vector.broadcast %get3A_13 : vector<1x128xf32> to vector<6400x128xf32>
    %add3A_22 = arith.addf %dot_general3A_21, %add3A : vector<6400x128xf32>
    %concatenate3A = tpu.concatenate %get3A_3, %get3A_3 in 1 : vector<400x64xf32>, vector<400x64xf32> -> vector<400x128xf32>
    %broadcast_in_dim3A = vector.shape_cast %concatenate3A : vector<400x128xf32> to vector<400x1x128xf32>
    %broadcast_in_dim3A_23 = vector.shape_cast %broadcast_in_dim3A : vector<400x1x128xf32> to vector<400x1x128xf32>
    %broadcast_in_dim3A_24 = vector.broadcast %broadcast_in_dim3A_23 : vector<400x1x128xf32> to vector<400x16x128xf32>
    %reshape3A_25 = vector.shape_cast %broadcast_in_dim3A_24 : vector<400x16x128xf32> to vector<6400x128xf32>
    %mul3A = arith.mulf %reshape3A_25, %reshape3A : vector<6400x128xf32>
    %mul3A_26 = arith.mulf %mul3A, %add3A_22 : vector<6400x128xf32>
    %dot_general3A_27 = arith.constant dense<0.000000e+00> : vector<6400x256xf32>
    %dot_general3A_28 = tpu.matmul %mul3A_26, %get3A_16, %dot_general3A_27 {dimension_numbers = #tpu.dot_dimension_numbers<[1], [0], [0], [1], [0, 0, 1, 1], [], []>, transpose_lhs_hint = false} : vector<6400x128xf32>, vector<128x256xf32>, vector<6400x256xf32> -> vector<6400x256xf32>
    %add3A_29 = vector.broadcast %get3A_19 : vector<1x256xf32> to vector<6400x256xf32>
    %add3A_30 = arith.addf %dot_general3A_28, %add3A_29 : vector<6400x256xf32>
    %slice3A = vector.extract_strided_slice %add3A_30 {offsets = [0, 0], sizes = [6400, 64], strides = [1, 1]} : vector<6400x256xf32> to vector<6400x64xf32>
    %slice3A_31 = vector.extract_strided_slice %add3A_30 {offsets = [0, 128], sizes = [6400, 64], strides = [1, 1]} : vector<6400x256xf32> to vector<6400x64xf32>
    %concatenate3A_32 = tpu.concatenate %slice3A, %slice3A_31 in 1 : vector<6400x64xf32>, vector<6400x64xf32> -> vector<6400x128xf32>
    %slice3A_33 = vector.extract_strided_slice %add3A_30 {offsets = [0, 64], sizes = [6400, 64], strides = [1, 1]} : vector<6400x256xf32> to vector<6400x64xf32>
    %slice3A_34 = vector.extract_strided_slice %add3A_30 {offsets = [0, 192], sizes = [6400, 64], strides = [1, 1]} : vector<6400x256xf32> to vector<6400x64xf32>
    %concatenate3A_35 = tpu.concatenate %slice3A_33, %slice3A_34 in 1 : vector<6400x64xf32>, vector<6400x64xf32> -> vector<6400x128xf32>
    %mul3A_36 = arith.constant 5.000000e-01 : f32
    %mul3A_37 = vector.broadcast %mul3A_36 : f32 to vector<6400x128xf32>
    %mul3A_38 = arith.mulf %mul3A_37, %concatenate3A_32 : vector<6400x128xf32>
    %tanh3A = math.tanh %mul3A_38 : vector<6400x128xf32>
    %mul3A_39 = arith.constant 5.000000e-01 : f32
    %mul3A_40 = vector.broadcast %mul3A_39 : f32 to vector<6400x128xf32>
    %mul3A_41 = arith.mulf %mul3A_40, %tanh3A : vector<6400x128xf32>
    %add3A_42 = arith.constant 5.000000e-01 : f32
    %add3A_43 = vector.broadcast %add3A_42 : f32 to vector<6400x128xf32>
    %add3A_44 = arith.addf %mul3A_41, %add3A_43 : vector<6400x128xf32>
    %gt3A = arith.constant 2.000000e+01 : f32
    %gt3A_45 = vector.broadcast %gt3A : f32 to vector<6400x128xf32>
    %gt3A_46 = arith.cmpf ogt, %concatenate3A_35, %gt3A_45 : vector<6400x128xf32>
    %exp3A = math.exp %concatenate3A_35 : vector<6400x128xf32>
    %add3A_47 = arith.constant 1.000000e+00 : f32
    %add3A_48 = vector.broadcast %add3A_47 : f32 to vector<6400x128xf32>
    %add3A_49 = arith.addf %add3A_48, %exp3A : vector<6400x128xf32>
    %log3A = math.log %add3A_49 : vector<6400x128xf32>
    %select_n3A = arith.select %gt3A_46, %concatenate3A_35, %log3A : vector<6400x128xi1>, vector<6400x128xf32>
    %mul3A_50 = arith.mulf %add3A_44, %select_n3A : vector<6400x128xf32>
    %reshape3A_51 = vector.shape_cast %mul3A_50 : vector<6400x128xf32> to vector<400x16x128xf32>
    %reduce_sum3A = arith.constant dense<0.000000e+00> : vector<400x128xf32>
    %reduce_sum3A_52 = vector.multi_reduction <add>, %reshape3A_51, %reduce_sum3A [1] : vector<400x16x128xf32> to vector<400x128xf32>
    %slice3A_53 = vector.extract_strided_slice %reduce_sum3A_52 {offsets = [0, 0], sizes = [400, 64], strides = [1, 1]} : vector<400x128xf32> to vector<400x64xf32>
    %slice3A_54 = vector.extract_strided_slice %reduce_sum3A_52 {offsets = [0, 64], sizes = [400, 64], strides = [1, 1]} : vector<400x128xf32> to vector<400x64xf32>
    %add3A_55 = arith.addf %slice3A_53, %slice3A_54 : vector<400x64xf32>
    %get3A_56 = arith.constant 0 : index
    %get3A_57 = arith.constant 0 : index
    %get3A_58 = vector.load %arg1[%get3A_56, %get3A_57] : memref<400x64xf32, #tpu.memory_space<vmem>>, vector<400x64xf32>
    %add3A_59 = arith.addf %get3A_58, %add3A_55 : vector<400x64xf32>
    %get3A_60 = arith.constant 0 : index
    %get3A_61 = arith.constant 0 : index
    %get3A_62 = vector.load %arg9[%get3A_60, %get3A_61] : memref<1x64xf32, #tpu.memory_space<vmem>>, vector<1x64xf32>
    %get3A_63 = arith.constant 0 : index
    %get3A_64 = arith.constant 0 : index
    %get3A_65 = vector.load %arg10[%get3A_63, %get3A_64] : memref<1x64xf32, #tpu.memory_space<vmem>>, vector<1x64xf32>
    %reduce_sum3A_66 = arith.constant dense<0.000000e+00> : vector<400xf32>
    %reduce_sum3A_67 = vector.multi_reduction <add>, %add3A_59, %reduce_sum3A_66 [1] : vector<400x64xf32> to vector<400xf32>
    %broadcast_in_dim3A_68 = vector.shape_cast %reduce_sum3A_67 : vector<400xf32> to vector<400x1xf32>
    %div3A = arith.constant 6.400000e+01 : f32
    %div3A_69 = vector.broadcast %div3A : f32 to vector<400x1xf32>
    %div3A_70 = arith.divf %broadcast_in_dim3A_68, %div3A_69 : vector<400x1xf32>
    %jit3A = arith.constant 0 : i32
    %reduce_sum3A_71 = arith.constant dense<0.000000e+00> : vector<400xf32>
    %reduce_sum3A_72 = vector.multi_reduction <add>, %add3A_59, %reduce_sum3A_71 [1] : vector<400x64xf32> to vector<400xf32>
    %broadcast_in_dim3A_73 = vector.shape_cast %reduce_sum3A_72 : vector<400xf32> to vector<400x1xf32>
    %div3A_74 = arith.constant 6.400000e+01 : f32
    %div3A_75 = vector.broadcast %div3A_74 : f32 to vector<400x1xf32>
    %div3A_76 = arith.divf %broadcast_in_dim3A_73, %div3A_75 : vector<400x1xf32>
    %sub3A = vector.broadcast %div3A_76 : vector<400x1xf32> to vector<400x64xf32>
    %sub3A_77 = arith.subf %add3A_59, %sub3A : vector<400x64xf32>
    %square3A = arith.mulf %sub3A_77, %sub3A_77 : vector<400x64xf32>
    %convert_element_type3A = arith.sitofp %jit3A : i32 to f32
    %sub3A_78 = arith.constant 6.400000e+01 : f32
    %sub3A_79 = arith.subf %sub3A_78, %convert_element_type3A : f32
    %reduce_sum3A_80 = arith.constant dense<0.000000e+00> : vector<400xf32>
    %reduce_sum3A_81 = vector.multi_reduction <add>, %square3A, %reduce_sum3A_80 [1] : vector<400x64xf32> to vector<400xf32>
    %broadcast_in_dim3A_82 = vector.shape_cast %reduce_sum3A_81 : vector<400xf32> to vector<400x1xf32>
    %div3A_83 = vector.broadcast %sub3A_79 : f32 to vector<400x1xf32>
    %div3A_84 = arith.divf %broadcast_in_dim3A_82, %div3A_83 : vector<400x1xf32>
    %gt3A_85 = arith.constant 0.000000e+00 : f32
    %gt3A_86 = arith.cmpf ogt, %sub3A_79, %gt3A_85 : f32
    %jit3A_87 = arith.constant 0x7FC00000 : f32
    %broadcast_in_dim3A_88 = vector.broadcast %jit3A_87 : f32 to vector<400x1xf32>
    %select_n3A_89 = arith.select %gt3A_86, %div3A_84, %broadcast_in_dim3A_88 : vector<400x1xf32>
    %sub3A_90 = vector.broadcast %div3A_70 : vector<400x1xf32> to vector<400x64xf32>
    %sub3A_91 = arith.subf %add3A_59, %sub3A_90 : vector<400x64xf32>
    %add3A_92 = arith.constant 9.99999997E-7 : f32
    %add3A_93 = vector.broadcast %add3A_92 : f32 to vector<400x1xf32>
    %add3A_94 = arith.addf %select_n3A_89, %add3A_93 : vector<400x1xf32>
    %sqrt3A = math.sqrt %add3A_94 : vector<400x1xf32>
    %div3A_95 = vector.broadcast %sqrt3A : vector<400x1xf32> to vector<400x64xf32>
    %div3A_96 = arith.divf %sub3A_91, %div3A_95 : vector<400x64xf32>
    %mul3A_97 = vector.broadcast %get3A_62 : vector<1x64xf32> to vector<400x64xf32>
    %mul3A_98 = arith.mulf %div3A_96, %mul3A_97 : vector<400x64xf32>
    %add3A_99 = vector.broadcast %get3A_65 : vector<1x64xf32> to vector<400x64xf32>
    %add3A_100 = arith.addf %mul3A_98, %add3A_99 : vector<400x64xf32>
    %swap3A = arith.constant 0 : index
    %swap3A_101 = arith.constant 0 : index
    %swap3A_102 = vector.load %arg15[%swap3A, %swap3A_101] : memref<400x64xf32, #tpu.memory_space<vmem>>, vector<400x64xf32>
    tpu.vector_store %arg15[%swap3A, %swap3A_101], %add3A_59 {strides = array<i32>} : memref<400x64xf32, #tpu.memory_space<vmem>>, vector<400x64xf32>,
    %get3A_103 = arith.constant 0 : index
    %get3A_104 = arith.constant 0 : index
    %get3A_105 = vector.load %arg11[%get3A_103, %get3A_104] : memref<64x64xf32, #tpu.memory_space<vmem>>, vector<64x64xf32>
    %dot_general3A_106 = arith.constant dense<0.000000e+00> : vector<400x64xf32>
    %dot_general3A_107 = tpu.matmul %add3A_100, %get3A_105, %dot_general3A_106 {dimension_numbers = #tpu.dot_dimension_numbers<[1], [0], [0], [1], [0, 0, 1, 1], [], []>, transpose_lhs_hint = false} : vector<400x64xf32>, vector<64x64xf32>, vector<400x64xf32> -> vector<400x64xf32>
    %get3A_108 = arith.constant 0 : index
    %get3A_109 = arith.constant 0 : index
    %get3A_110 = vector.load %arg12[%get3A_108, %get3A_109] : memref<1x64xf32, #tpu.memory_space<vmem>>, vector<1x64xf32>
    %add3A_111 = vector.broadcast %get3A_110 : vector<1x64xf32> to vector<400x64xf32>
    %add3A_112 = arith.addf %dot_general3A_107, %add3A_111 : vector<400x64xf32>
    %swap3A_113 = arith.constant 0 : index
    %swap3A_114 = arith.constant 0 : index
    %swap3A_115 = vector.load %arg16[%swap3A_113, %swap3A_114] : memref<400x64xf32, #tpu.memory_space<vmem>>, vector<400x64xf32>
    tpu.vector_store %arg16[%swap3A_113, %swap3A_114], %add3A_112 {strides = array<i32>} : memref<400x64xf32, #tpu.memory_space<vmem>>, vector<400x64xf32>,
    %get3A_116 = arith.constant 0 : index
    %get3A_117 = arith.constant 0 : index
    %get3A_118 = vector.load %arg13[%get3A_116, %get3A_117] : memref<64x64xf32, #tpu.memory_space<vmem>>, vector<64x64xf32>
    %dot_general3A_119 = arith.constant dense<0.000000e+00> : vector<400x64xf32>
    %dot_general3A_120 = tpu.matmul %add3A_100, %get3A_118, %dot_general3A_119 {dimension_numbers = #tpu.dot_dimension_numbers<[1], [0], [0], [1], [0, 0, 1, 1], [], []>, transpose_lhs_hint = false} : vector<400x64xf32>, vector<64x64xf32>, vector<400x64xf32> -> vector<400x64xf32>
    %get3A_121 = arith.constant 0 : index
    %get3A_122 = arith.constant 0 : index
    %get3A_123 = vector.load %arg14[%get3A_121, %get3A_122] : memref<1x64xf32, #tpu.memory_space<vmem>>, vector<1x64xf32>
    %add3A_124 = vector.broadcast %get3A_123 : vector<1x64xf32> to vector<400x64xf32>
    %add3A_125 = arith.addf %dot_general3A_120, %add3A_124 : vector<400x64xf32>
    %swap3A_126 = arith.constant 0 : index
    %swap3A_127 = arith.constant 0 : index
    %swap3A_128 = vector.load %arg17[%swap3A_126, %swap3A_127] : memref<400x64xf32, #tpu.memory_space<vmem>>, vector<400x64xf32>
    tpu.vector_store %arg17[%swap3A_126, %swap3A_127], %add3A_125 {strides = array<i32>} : memref<400x64xf32, #tpu.memory_space<vmem>>, vector<400x64xf32>,
    return
  }
  func.func @transform_0(%arg0: i32) -> (i32, i32) {
    %c0_i32 = arith.constant 0 : i32
    %c0_i32_0 = arith.constant 0 : i32
    return %arg0, %c0_i32 : i32, i32
  }
  func.func @transform_1(%arg0: i32) -> (i32, i32) {
    %c0_i32 = arith.constant 0 : i32
    %c0_i32_0 = arith.constant 0 : i32
    return %arg0, %c0_i32 : i32, i32
  }
  func.func @transform_2(%arg0: i32) -> i32 {
    %c0_i32 = arith.constant 0 : i32
    return %arg0 : i32
  }
  func.func @transform_3(%arg0: i32) -> (i32, i32, i32) {
    %c0_i32 = arith.constant 0 : i32
    %c0_i32_0 = arith.constant 0 : i32
    %c0_i32_1 = arith.constant 0 : i32
    return %arg0, %c0_i32, %c0_i32_0 : i32, i32, i32
  }
  func.func @transform_4(%arg0: i32) -> (i32, i32) {
    %c0_i32 = arith.constant 0 : i32
    %c0_i32_0 = arith.constant 0 : i32
    %c0_i32_1 = arith.constant 0 : i32
    return %c0_i32, %c0_i32_0 : i32, i32
  }
  func.func @transform_5(%arg0: i32) -> (i32, i32) {
    %c0_i32 = arith.constant 0 : i32
    %c0_i32_0 = arith.constant 0 : i32
    %c0_i32_1 = arith.constant 0 : i32
    return %c0_i32, %c0_i32_0 : i32, i32
  }
  func.func @transform_6(%arg0: i32) -> (i32, i32) {
    %c0_i32 = arith.constant 0 : i32
    %c0_i32_0 = arith.constant 0 : i32
    %c0_i32_1 = arith.constant 0 : i32
    return %c0_i32, %c0_i32_0 : i32, i32
  }
  func.func @transform_7(%arg0: i32) -> (i32, i32) {
    %c0_i32 = arith.constant 0 : i32
    %c0_i32_0 = arith.constant 0 : i32
    %c0_i32_1 = arith.constant 0 : i32
    return %c0_i32, %c0_i32_0 : i32, i32
  }
  func.func @transform_8(%arg0: i32) -> (i32, i32) {
    %c0_i32 = arith.constant 0 : i32
    %c0_i32_0 = arith.constant 0 : i32
    %c0_i32_1 = arith.constant 0 : i32
    return %c0_i32, %c0_i32_0 : i32, i32
  }
  func.func @transform_9(%arg0: i32) -> (i32, i32) {
    %c0_i32 = arith.constant 0 : i32
    %c0_i32_0 = arith.constant 0 : i32
    %c0_i32_1 = arith.constant 0 : i32
    return %c0_i32, %c0_i32_0 : i32, i32
  }
  func.func @transform_10(%arg0: i32) -> (i32, i32) {
    %c0_i32 = arith.constant 0 : i32
    %c0_i32_0 = arith.constant 0 : i32
    %c0_i32_1 = arith.constant 0 : i32
    return %c0_i32, %c0_i32_0 : i32, i32
  }
  func.func @transform_11(%arg0: i32) -> (i32, i32) {
    %c0_i32 = arith.constant 0 : i32
    %c0_i32_0 = arith.constant 0 : i32
    %c0_i32_1 = arith.constant 0 : i32
    return %c0_i32, %c0_i32_0 : i32, i32
  }
  func.func @transform_12(%arg0: i32) -> (i32, i32) {
    %c0_i32 = arith.constant 0 : i32
    %c0_i32_0 = arith.constant 0 : i32
    %c0_i32_1 = arith.constant 0 : i32
    return %c0_i32, %c0_i32_0 : i32, i32
  }
  func.func @transform_13(%arg0: i32) -> (i32, i32) {
    %c0_i32 = arith.constant 0 : i32
    %c0_i32_0 = arith.constant 0 : i32
    %c0_i32_1 = arith.constant 0 : i32
    return %c0_i32, %c0_i32_0 : i32, i32
  }
  func.func @transform_14(%arg0: i32) -> (i32, i32) {
    %c0_i32 = arith.constant 0 : i32
    %c0_i32_0 = arith.constant 0 : i32
    return %arg0, %c0_i32 : i32, i32
  }
  func.func @transform_15(%arg0: i32) -> (i32, i32) {
    %c0_i32 = arith.constant 0 : i32
    %c0_i32_0 = arith.constant 0 : i32
    return %arg0, %c0_i32 : i32, i32
  }
  func.func @transform_16(%arg0: i32) -> (i32, i32) {
    %c0_i32 = arith.constant 0 : i32
    %c0_i32_0 = arith.constant 0 : i32
    return %arg0, %c0_i32 : i32, i32
  }
}

module attributes {stable_mosaic.version = 14 : i64} {
  func.func @body(%arg0: i32, %arg1: memref<400x64xf32, #tpu.memory_space<vmem>>, %arg2: memref<400x64xf32, #tpu.memory_space<vmem>>, %arg3: memref<819200xf32, #tpu.memory_space<vmem>>, %arg4: memref<400x16x82xf32, #tpu.memory_space<vmem>>, %arg5: memref<82x128xf32, #tpu.memory_space<vmem>>, %arg6: memref<1x128xf32, #tpu.memory_space<vmem>>, %arg7: memref<128x256xf32, #tpu.memory_space<vmem>>, %arg8: memref<1x256xf32, #tpu.memory_space<vmem>>, %arg9: memref<64x128xf32, #tpu.memory_space<vmem>>, %arg10: memref<1x128xf32, #tpu.memory_space<vmem>>, %arg11: memref<128x64xf32, #tpu.memory_space<vmem>>, %arg12: memref<1x64xf32, #tpu.memory_space<vmem>>, %arg13: memref<1x64xf32, #tpu.memory_space<vmem>>, %arg14: memref<1x1xf32, #tpu.memory_space<vmem>>, %arg15: memref<1x1xf32, #tpu.memory_space<vmem>>) attributes {dimension_semantics = [#tpu.dimension_semantics<arbitrary>], iteration_bounds = array<i64: 25>, scalar_prefetch = 0 : i64, scratch_operands = 0 : i64, tpu.core_type = #tpu.core_type<tc>, window_params = [{transform_indices = @transform_0, window_bounds = array<i64: 400, 64>}, {transform_indices = @transform_1, window_bounds = array<i64: 400, 64>}, {transform_indices = @transform_2, window_bounds = array<i64: 819200>}, {transform_indices = @transform_3, window_bounds = array<i64: 400, 16, 82>}, {pipeline_mode = #tpu.pipeline_mode<synchronous>, transform_indices = @transform_4, window_bounds = array<i64: 82, 128>}, {pipeline_mode = #tpu.pipeline_mode<synchronous>, transform_indices = @transform_5, window_bounds = array<i64: 1, 128>}, {pipeline_mode = #tpu.pipeline_mode<synchronous>, transform_indices = @transform_6, window_bounds = array<i64: 128, 256>}, {pipeline_mode = #tpu.pipeline_mode<synchronous>, transform_indices = @transform_7, window_bounds = array<i64: 1, 256>}, {pipeline_mode = #tpu.pipeline_mode<synchronous>, transform_indices = @transform_8, window_bounds = array<i64: 64, 128>}, {pipeline_mode = #tpu.pipeline_mode<synchronous>, transform_indices = @transform_9, window_bounds = array<i64: 1, 128>}, {pipeline_mode = #tpu.pipeline_mode<synchronous>, transform_indices = @transform_10, window_bounds = array<i64: 128, 64>}, {pipeline_mode = #tpu.pipeline_mode<synchronous>, transform_indices = @transform_11, window_bounds = array<i64: 1, 64>}, {pipeline_mode = #tpu.pipeline_mode<synchronous>, transform_indices = @transform_12, window_bounds = array<i64: 1, 64>}, {pipeline_mode = #tpu.pipeline_mode<synchronous>, transform_indices = @transform_13, window_bounds = array<i64: 1, 1>}, {pipeline_mode = #tpu.pipeline_mode<synchronous>, transform_indices = @transform_14, window_bounds = array<i64: 1, 1>}]} {
    %get3A = arith.constant 0 : index
    %get3A_0 = vector.load %arg3[%get3A] : memref<819200xf32, #tpu.memory_space<vmem>>, vector<819200xf32>
    %reshape3A = vector.shape_cast %get3A_0 : vector<819200xf32> to vector<6400x128xf32>
    %get3A_1 = arith.constant 0 : index
    %get3A_2 = arith.constant 0 : index
    %get3A_3 = vector.load %arg2[%get3A_1, %get3A_2] : memref<400x64xf32, #tpu.memory_space<vmem>>, vector<400x64xf32>
    %get3A_4 = arith.constant 0 : index
    %get3A_5 = arith.constant 0 : index
    %get3A_6 = arith.constant 0 : index
    %get3A_7 = vector.load %arg4[%get3A_4, %get3A_5, %get3A_6] : memref<400x16x82xf32, #tpu.memory_space<vmem>>, vector<400x16x82xf32>
    %get3A_8 = arith.constant 0 : index
    %get3A_9 = arith.constant 0 : index
    %get3A_10 = vector.load %arg5[%get3A_8, %get3A_9] : memref<82x128xf32, #tpu.memory_space<vmem>>, vector<82x128xf32>
    %get3A_11 = arith.constant 0 : index
    %get3A_12 = arith.constant 0 : index
    %get3A_13 = vector.load %arg6[%get3A_11, %get3A_12] : memref<1x128xf32, #tpu.memory_space<vmem>>, vector<1x128xf32>
    %get3A_14 = arith.constant 0 : index
    %get3A_15 = arith.constant 0 : index
    %get3A_16 = vector.load %arg7[%get3A_14, %get3A_15] : memref<128x256xf32, #tpu.memory_space<vmem>>, vector<128x256xf32>
    %get3A_17 = arith.constant 0 : index
    %get3A_18 = arith.constant 0 : index
    %get3A_19 = vector.load %arg8[%get3A_17, %get3A_18] : memref<1x256xf32, #tpu.memory_space<vmem>>, vector<1x256xf32>
    %reshape3A_20 = vector.shape_cast %get3A_7 : vector<400x16x82xf32> to vector<6400x82xf32>
    %dot_general3A = arith.constant dense<0.000000e+00> : vector<6400x128xf32>
    %dot_general3A_21 = tpu.matmul %reshape3A_20, %get3A_10, %dot_general3A {dimension_numbers = #tpu.dot_dimension_numbers<[1], [0], [0], [1], [0, 0, 1, 1], [], []>, transpose_lhs_hint = false} : vector<6400x82xf32>, vector<82x128xf32>, vector<6400x128xf32> -> vector<6400x128xf32>
    %add3A = vector.broadcast %get3A_13 : vector<1x128xf32> to vector<6400x128xf32>
    %add3A_22 = arith.addf %dot_general3A_21, %add3A : vector<6400x128xf32>
    %concatenate3A = tpu.concatenate %get3A_3, %get3A_3 in 1 : vector<400x64xf32>, vector<400x64xf32> -> vector<400x128xf32>
    %broadcast_in_dim3A = vector.shape_cast %concatenate3A : vector<400x128xf32> to vector<400x1x128xf32>
    %broadcast_in_dim3A_23 = vector.shape_cast %broadcast_in_dim3A : vector<400x1x128xf32> to vector<400x1x128xf32>
    %broadcast_in_dim3A_24 = vector.broadcast %broadcast_in_dim3A_23 : vector<400x1x128xf32> to vector<400x16x128xf32>
    %reshape3A_25 = vector.shape_cast %broadcast_in_dim3A_24 : vector<400x16x128xf32> to vector<6400x128xf32>
    %mul3A = arith.mulf %reshape3A_25, %reshape3A : vector<6400x128xf32>
    %mul3A_26 = arith.mulf %mul3A, %add3A_22 : vector<6400x128xf32>
    %dot_general3A_27 = arith.constant dense<0.000000e+00> : vector<6400x256xf32>
    %dot_general3A_28 = tpu.matmul %mul3A_26, %get3A_16, %dot_general3A_27 {dimension_numbers = #tpu.dot_dimension_numbers<[1], [0], [0], [1], [0, 0, 1, 1], [], []>, transpose_lhs_hint = false} : vector<6400x128xf32>, vector<128x256xf32>, vector<6400x256xf32> -> vector<6400x256xf32>
    %add3A_29 = vector.broadcast %get3A_19 : vector<1x256xf32> to vector<6400x256xf32>
    %add3A_30 = arith.addf %dot_general3A_28, %add3A_29 : vector<6400x256xf32>
    %slice3A = vector.extract_strided_slice %add3A_30 {offsets = [0, 0], sizes = [6400, 64], strides = [1, 1]} : vector<6400x256xf32> to vector<6400x64xf32>
    %slice3A_31 = vector.extract_strided_slice %add3A_30 {offsets = [0, 128], sizes = [6400, 64], strides = [1, 1]} : vector<6400x256xf32> to vector<6400x64xf32>
    %concatenate3A_32 = tpu.concatenate %slice3A, %slice3A_31 in 1 : vector<6400x64xf32>, vector<6400x64xf32> -> vector<6400x128xf32>
    %slice3A_33 = vector.extract_strided_slice %add3A_30 {offsets = [0, 64], sizes = [6400, 64], strides = [1, 1]} : vector<6400x256xf32> to vector<6400x64xf32>
    %slice3A_34 = vector.extract_strided_slice %add3A_30 {offsets = [0, 192], sizes = [6400, 64], strides = [1, 1]} : vector<6400x256xf32> to vector<6400x64xf32>
    %concatenate3A_35 = tpu.concatenate %slice3A_33, %slice3A_34 in 1 : vector<6400x64xf32>, vector<6400x64xf32> -> vector<6400x128xf32>
    %mul3A_36 = arith.constant 5.000000e-01 : f32
    %mul3A_37 = vector.broadcast %mul3A_36 : f32 to vector<6400x128xf32>
    %mul3A_38 = arith.mulf %mul3A_37, %concatenate3A_32 : vector<6400x128xf32>
    %tanh3A = math.tanh %mul3A_38 : vector<6400x128xf32>
    %mul3A_39 = arith.constant 5.000000e-01 : f32
    %mul3A_40 = vector.broadcast %mul3A_39 : f32 to vector<6400x128xf32>
    %mul3A_41 = arith.mulf %mul3A_40, %tanh3A : vector<6400x128xf32>
    %add3A_42 = arith.constant 5.000000e-01 : f32
    %add3A_43 = vector.broadcast %add3A_42 : f32 to vector<6400x128xf32>
    %add3A_44 = arith.addf %mul3A_41, %add3A_43 : vector<6400x128xf32>
    %gt3A = arith.constant 2.000000e+01 : f32
    %gt3A_45 = vector.broadcast %gt3A : f32 to vector<6400x128xf32>
    %gt3A_46 = arith.cmpf ogt, %concatenate3A_35, %gt3A_45 : vector<6400x128xf32>
    %exp3A = math.exp %concatenate3A_35 : vector<6400x128xf32>
    %add3A_47 = arith.constant 1.000000e+00 : f32
    %add3A_48 = vector.broadcast %add3A_47 : f32 to vector<6400x128xf32>
    %add3A_49 = arith.addf %add3A_48, %exp3A : vector<6400x128xf32>
    %log3A = math.log %add3A_49 : vector<6400x128xf32>
    %select_n3A = arith.select %gt3A_46, %concatenate3A_35, %log3A : vector<6400x128xi1>, vector<6400x128xf32>
    %mul3A_50 = arith.mulf %add3A_44, %select_n3A : vector<6400x128xf32>
    %reshape3A_51 = vector.shape_cast %mul3A_50 : vector<6400x128xf32> to vector<400x16x128xf32>
    %reduce_sum3A = arith.constant dense<0.000000e+00> : vector<400x128xf32>
    %reduce_sum3A_52 = vector.multi_reduction <add>, %reshape3A_51, %reduce_sum3A [1] : vector<400x16x128xf32> to vector<400x128xf32>
    %slice3A_53 = vector.extract_strided_slice %reduce_sum3A_52 {offsets = [0, 0], sizes = [400, 64], strides = [1, 1]} : vector<400x128xf32> to vector<400x64xf32>
    %slice3A_54 = vector.extract_strided_slice %reduce_sum3A_52 {offsets = [0, 64], sizes = [400, 64], strides = [1, 1]} : vector<400x128xf32> to vector<400x64xf32>
    %add3A_55 = arith.addf %slice3A_53, %slice3A_54 : vector<400x64xf32>
    %get3A_56 = arith.constant 0 : index
    %get3A_57 = arith.constant 0 : index
    %get3A_58 = vector.load %arg1[%get3A_56, %get3A_57] : memref<400x64xf32, #tpu.memory_space<vmem>>, vector<400x64xf32>
    %add3A_59 = arith.addf %get3A_58, %add3A_55 : vector<400x64xf32>
    %get3A_60 = arith.constant 0 : index
    %get3A_61 = arith.constant 0 : index
    %get3A_62 = vector.load %arg9[%get3A_60, %get3A_61] : memref<64x128xf32, #tpu.memory_space<vmem>>, vector<64x128xf32>
    %dot_general3A_63 = arith.constant dense<0.000000e+00> : vector<400x128xf32>
    %dot_general3A_64 = tpu.matmul %add3A_59, %get3A_62, %dot_general3A_63 {dimension_numbers = #tpu.dot_dimension_numbers<[1], [0], [0], [1], [0, 0, 1, 1], [], []>, transpose_lhs_hint = false} : vector<400x64xf32>, vector<64x128xf32>, vector<400x128xf32> -> vector<400x128xf32>
    %get3A_65 = arith.constant 0 : index
    %get3A_66 = arith.constant 0 : index
    %get3A_67 = vector.load %arg10[%get3A_65, %get3A_66] : memref<1x128xf32, #tpu.memory_space<vmem>>, vector<1x128xf32>
    %add3A_68 = vector.broadcast %get3A_67 : vector<1x128xf32> to vector<400x128xf32>
    %add3A_69 = arith.addf %dot_general3A_64, %add3A_68 : vector<400x128xf32>
    %gt3A_70 = arith.constant 2.000000e+01 : f32
    %gt3A_71 = vector.broadcast %gt3A_70 : f32 to vector<400x128xf32>
    %gt3A_72 = arith.cmpf ogt, %add3A_69, %gt3A_71 : vector<400x128xf32>
    %exp3A_73 = math.exp %add3A_69 : vector<400x128xf32>
    %add3A_74 = arith.constant 1.000000e+00 : f32
    %add3A_75 = vector.broadcast %add3A_74 : f32 to vector<400x128xf32>
    %add3A_76 = arith.addf %add3A_75, %exp3A_73 : vector<400x128xf32>
    %log3A_77 = math.log %add3A_76 : vector<400x128xf32>
    %select_n3A_78 = arith.select %gt3A_72, %add3A_69, %log3A_77 : vector<400x128xi1>, vector<400x128xf32>
    %get3A_79 = arith.constant 0 : index
    %get3A_80 = arith.constant 0 : index
    %get3A_81 = vector.load %arg11[%get3A_79, %get3A_80] : memref<128x64xf32, #tpu.memory_space<vmem>>, vector<128x64xf32>
    %dot_general3A_82 = arith.constant dense<0.000000e+00> : vector<400x64xf32>
    %dot_general3A_83 = tpu.matmul %select_n3A_78, %get3A_81, %dot_general3A_82 {dimension_numbers = #tpu.dot_dimension_numbers<[1], [0], [0], [1], [0, 0, 1, 1], [], []>, transpose_lhs_hint = false} : vector<400x128xf32>, vector<128x64xf32>, vector<400x64xf32> -> vector<400x64xf32>
    %get3A_84 = arith.constant 0 : index
    %get3A_85 = arith.constant 0 : index
    %get3A_86 = vector.load %arg12[%get3A_84, %get3A_85] : memref<1x64xf32, #tpu.memory_space<vmem>>, vector<1x64xf32>
    %add3A_87 = vector.broadcast %get3A_86 : vector<1x64xf32> to vector<400x64xf32>
    %add3A_88 = arith.addf %dot_general3A_83, %add3A_87 : vector<400x64xf32>
    %gt3A_89 = arith.constant 2.000000e+01 : f32
    %gt3A_90 = vector.broadcast %gt3A_89 : f32 to vector<400x64xf32>
    %gt3A_91 = arith.cmpf ogt, %add3A_88, %gt3A_90 : vector<400x64xf32>
    %exp3A_92 = math.exp %add3A_88 : vector<400x64xf32>
    %add3A_93 = arith.constant 1.000000e+00 : f32
    %add3A_94 = vector.broadcast %add3A_93 : f32 to vector<400x64xf32>
    %add3A_95 = arith.addf %add3A_94, %exp3A_92 : vector<400x64xf32>
    %log3A_96 = math.log %add3A_95 : vector<400x64xf32>
    %select_n3A_97 = arith.select %gt3A_91, %add3A_88, %log3A_96 : vector<400x64xi1>, vector<400x64xf32>
    %get3A_98 = arith.constant 0 : index
    %get3A_99 = arith.constant 0 : index
    %get3A_100 = vector.load %arg13[%get3A_98, %get3A_99] : memref<1x64xf32, #tpu.memory_space<vmem>>, vector<1x64xf32>
    %mul3A_101 = vector.broadcast %get3A_100 : vector<1x64xf32> to vector<400x64xf32>
    %mul3A_102 = arith.mulf %select_n3A_97, %mul3A_101 : vector<400x64xf32>
    %reduce_sum3A_103 = vector.shape_cast %mul3A_102 : vector<400x64xf32> to vector<1x400x64xf32>
    %reduce_sum3A_104 = arith.constant dense<0.000000e+00> : vector<1xf32>
    %reduce_sum3A_105 = vector.multi_reduction <add>, %reduce_sum3A_103, %reduce_sum3A_104 [1, 2] : vector<1x400x64xf32> to vector<1xf32>
    %reduce_sum3A_106 = vector.shape_cast %reduce_sum3A_105 : vector<1xf32> to vector<1x1x1xf32>
    %reduce_sum3A_107 = vector.extract %reduce_sum3A_106[0, 0, 0] : f32 from vector<1x1x1xf32>
    %get3A_108 = arith.constant 0 : index
    %get3A_109 = arith.constant 0 : index
    %get3A_110 = vector.load %arg14[%get3A_108, %get3A_109] : memref<1x1xf32, #tpu.memory_space<vmem>>, vector<1x1xf32>
    %get3A_111 = vector.extract %get3A_110[0, 0] : f32 from vector<1x1xf32>
    %mul3A_112 = arith.constant 4.000000e+02 : f32
    %mul3A_113 = arith.mulf %mul3A_112, %get3A_111 : f32
    %add3A_114 = arith.addf %reduce_sum3A_107, %mul3A_113 : f32
    %reshape3A_115 = vector.broadcast %add3A_114 : f32 to vector<1x1xf32>
    %eq3A = arith.constant 0 : i32
    %eq3A_116 = arith.cmpi eq, %arg0, %eq3A : i32
    %convert_element_type3A = arith.extui %eq3A_116 : i1 to i32
    %cond3A = arith.constant 0 : i32
    %cond3A_117 = arith.cmpi ne, %convert_element_type3A, %cond3A : i32
    scf.if %cond3A_117 {
      %broadcast_in_dim3A_124 = arith.constant 0.000000e+00 : f32
      %broadcast_in_dim3A_125 = vector.broadcast %broadcast_in_dim3A_124 : f32 to vector<1x1xf32>
      %swap3A_126 = arith.constant 0 : index
      %swap3A_127 = arith.constant 0 : index
      %swap3A_128 = vector.load %arg15[%swap3A_126, %swap3A_127] : memref<1x1xf32, #tpu.memory_space<vmem>>, vector<1x1xf32>
      tpu.vector_store %arg15[%swap3A_126, %swap3A_127], %broadcast_in_dim3A_125 {strides = array<i32>} : memref<1x1xf32, #tpu.memory_space<vmem>>, vector<1x1xf32>,
    } else {
    }
    %get3A_118 = arith.constant 0 : index
    %get3A_119 = arith.constant 0 : index
    %get3A_120 = vector.load %arg15[%get3A_118, %get3A_119] : memref<1x1xf32, #tpu.memory_space<vmem>>, vector<1x1xf32>
    %add3A_121 = arith.addf %get3A_120, %reshape3A_115 : vector<1x1xf32>
    %swap3A = arith.constant 0 : index
    %swap3A_122 = arith.constant 0 : index
    %swap3A_123 = vector.load %arg15[%swap3A, %swap3A_122] : memref<1x1xf32, #tpu.memory_space<vmem>>, vector<1x1xf32>
    tpu.vector_store %arg15[%swap3A, %swap3A_122], %add3A_121 {strides = array<i32>} : memref<1x1xf32, #tpu.memory_space<vmem>>, vector<1x1xf32>,
    return
  }
  func.func @transform_0(%arg0: i32) -> (i32, i32) {
    %c0_i32 = arith.constant 0 : i32
    %c0_i32_0 = arith.constant 0 : i32
    return %arg0, %c0_i32 : i32, i32
  }
  func.func @transform_1(%arg0: i32) -> (i32, i32) {
    %c0_i32 = arith.constant 0 : i32
    %c0_i32_0 = arith.constant 0 : i32
    return %arg0, %c0_i32 : i32, i32
  }
  func.func @transform_2(%arg0: i32) -> i32 {
    %c0_i32 = arith.constant 0 : i32
    return %arg0 : i32
  }
  func.func @transform_3(%arg0: i32) -> (i32, i32, i32) {
    %c0_i32 = arith.constant 0 : i32
    %c0_i32_0 = arith.constant 0 : i32
    %c0_i32_1 = arith.constant 0 : i32
    return %arg0, %c0_i32, %c0_i32_0 : i32, i32, i32
  }
  func.func @transform_4(%arg0: i32) -> (i32, i32) {
    %c0_i32 = arith.constant 0 : i32
    %c0_i32_0 = arith.constant 0 : i32
    %c0_i32_1 = arith.constant 0 : i32
    return %c0_i32, %c0_i32_0 : i32, i32
  }
  func.func @transform_5(%arg0: i32) -> (i32, i32) {
    %c0_i32 = arith.constant 0 : i32
    %c0_i32_0 = arith.constant 0 : i32
    %c0_i32_1 = arith.constant 0 : i32
    return %c0_i32, %c0_i32_0 : i32, i32
  }
  func.func @transform_6(%arg0: i32) -> (i32, i32) {
    %c0_i32 = arith.constant 0 : i32
    %c0_i32_0 = arith.constant 0 : i32
    %c0_i32_1 = arith.constant 0 : i32
    return %c0_i32, %c0_i32_0 : i32, i32
  }
  func.func @transform_7(%arg0: i32) -> (i32, i32) {
    %c0_i32 = arith.constant 0 : i32
    %c0_i32_0 = arith.constant 0 : i32
    %c0_i32_1 = arith.constant 0 : i32
    return %c0_i32, %c0_i32_0 : i32, i32
  }
  func.func @transform_8(%arg0: i32) -> (i32, i32) {
    %c0_i32 = arith.constant 0 : i32
    %c0_i32_0 = arith.constant 0 : i32
    %c0_i32_1 = arith.constant 0 : i32
    return %c0_i32, %c0_i32_0 : i32, i32
  }
  func.func @transform_9(%arg0: i32) -> (i32, i32) {
    %c0_i32 = arith.constant 0 : i32
    %c0_i32_0 = arith.constant 0 : i32
    %c0_i32_1 = arith.constant 0 : i32
    return %c0_i32, %c0_i32_0 : i32, i32
  }
  func.func @transform_10(%arg0: i32) -> (i32, i32) {
    %c0_i32 = arith.constant 0 : i32
    %c0_i32_0 = arith.constant 0 : i32
    %c0_i32_1 = arith.constant 0 : i32
    return %c0_i32, %c0_i32_0 : i32, i32
  }
  func.func @transform_11(%arg0: i32) -> (i32, i32) {
    %c0_i32 = arith.constant 0 : i32
    %c0_i32_0 = arith.constant 0 : i32
    %c0_i32_1 = arith.constant 0 : i32
    return %c0_i32, %c0_i32_0 : i32, i32
  }
  func.func @transform_12(%arg0: i32) -> (i32, i32) {
    %c0_i32 = arith.constant 0 : i32
    %c0_i32_0 = arith.constant 0 : i32
    %c0_i32_1 = arith.constant 0 : i32
    return %c0_i32, %c0_i32_0 : i32, i32
  }
  func.func @transform_13(%arg0: i32) -> (i32, i32) {
    %c0_i32 = arith.constant 0 : i32
    %c0_i32_0 = arith.constant 0 : i32
    %c0_i32_1 = arith.constant 0 : i32
    return %c0_i32, %c0_i32_0 : i32, i32
  }
  func.func @transform_14(%arg0: i32) -> (i32, i32) {
    %c0_i32 = arith.constant 0 : i32
    %c0_i32_0 = arith.constant 0 : i32
    %c0_i32_1 = arith.constant 0 : i32
    return %c0_i32, %c0_i32_0 : i32, i32
  }
}

</mosaic_0001>

<sc_bundles>
// kernel: kernel.12.cloned.1.call-start
scs
__scs_entry_jumppad:
0x0: {  	(pc) =	sbr.rel $0x88, $3  }
0x1: {  	(tag) =	ssettag $0x0;
	lr =	simm.s32 $0x1  }
0x2: {  	[smem:$0x3F72] =	sst lr;
	_ =	strace $0xD0000000  }
0x3: {  	_ = 	snop  }
0x4: {  	_ = 	snop  }
0x5: {  	_ = 	snop  }
0x6: {  	_ = 	snop  }
0x7: {  	_ = 	snop  }
__scs_overlays_trampoline_lowered:
0x8: {  	[smem:$0x3F81] =	sst s0  }
0x9: {  	[smem:$0x3F82] =	sst s1  }
0xa: {  	[smem:$0x3F83] =	sst s2  }
0xb: {  	[smem:$0x3F84] =	sst s3  }
0xc: {  	[smem:$0x3F85] =	sst s4  }
0xd: {  	[smem:$0x3F86] =	sst s5  }
0xe: {  	[smem:$0x3F87] =	sst s6  }
0xf: {  	[smem:$0x3F88] =	sst s7  }
0x10: {  	[smem:$0x3F89] =	sst s8  }
0x11: {  	[smem:$0x3F8A] =	sst s9;
	s0 =	simm.s32 @!p0 $0x0  }
0x12: {  	s1 =	sld [smem:$0x3F70];
	s0 =	simm.s32 @p0 $0x1  }
0x13: {  	[smem:$0x3F8B] =	sst s0;
	s0 =	simm.s32 @!p1 $0x0  }
0x14: {  	s2 =	sld [smem:$0x3F6F];
	s0 =	simm.s32 @p1 $0x1  }
0x15: {  	[smem:$0x3F8C] =	sst s0;
	s0 =	simm.s32 @!p2 $0x0  }
0x16: {  	s3 =	sld [smem:$0x3FDB];
	s0 =	simm.s32 @p2 $0x1  }
0x17: {  	s4 =	simm.s32 $0x1BF5;
	[smem:$0x3F8E] =	sst s0  }
0x18: {  	s0 =	sld [smem:$0x3F71];
	_ =	swait.ge [sflag:s4], $0x0  }
0x19: {  	s7 =	sld [smem:$0x3F72]  }
0x1a: {  	s8 =	sadd.s32 $0xFFFFE003, lr  }
0x1b: {  	s9 =	sadd.s32 $0xFFFFFEF7, lr;
	s5 =	simm.s32 $0xFFFFFFFF;
	p2 =	slt.u32 s8, $0xFFFFF086  }
0x1c: {  	p1 =	slt.u32 s9, $0xF7A;
	s5 =	simm.s32 @!p2 $0x0  }
0x1d: {  	s5 =	simm.s32 @p1 $0x1;
	p0 =	seq.s32 s7, s2  }
0x1e: {  	s7 =	smul.u32 @!p0 $0xF7A, s2;
	p2 =	seq.s32 @!p0 s5, $0x0  }
0x1f: {  	s9 =	smul.u32 $0xF7A, s1;
	s8 =	simm.s32 @!p0 $0x1BF5;
	p2 =	por !p2, p0  }
0x20: {  	[sflag:s8] =	ssyncset.s32 @!p0 $0xFFFFF086;
	s6 =	sadd.s32 @!p0 s3, s7;
	s7 =	simm.s32 @!p0 $0x108  }
0x21: {  	s3 =	sadd.s32 s3, s9;
	s6 =	sadd.s32 @!p0 $0x88, s6;
	s7 =	simm.s32 @p2 $0x1082  }
0x22: {  	[simem:s7], [sflag:s8] =	dma.local @!p0 [hbm:s6], $0xF7A  }
0x23: {  	s9 =	sor.u32 $0xD0000000, s2;
	s6 =	simm.s32 $0x108;
	_ =	swait.ge @!p0 [sflag:s8], $0x0  }
0x24: {  	s3 =	sadd.s32 $0x88, s3;
	s6 =	simm.s32 @!p1 $0x1082;
	[sflag:s4] =	ssyncset.s32 $0xFFFFF086  }
0x25: {  	[simem:s6], [sflag:s4] =	dma.local [hbm:s3], $0xF7A  }
0x26: {  	[smem:$0x3F72] =	sst s1;
	(tag) =	ssettag s2;
	_ =	strace s9  }
0x27: {  	s1 =	sld [smem:$0x3F82]  }
0x28: {  	s2 =	sld [smem:$0x3F83]  }
0x29: {  	s4 =	sld [smem:$0x3F85]  }
0x2a: {  	p0 =	seq.s32 s5, $0x0;
	s5 =	sld [smem:$0x3F86]  }
0x2b: {  	s6 =	sld [smem:$0x3F87]  }
0x2c: {  	s7 =	sld [smem:$0x3F88]  }
0x2d: {  	s3 =	simm.s32 $0x108;
	s8 =	sld [smem:$0x3F89]  }
0x2e: {  	s3 =	simm.s32 @!p0 $0x1082;
	s9 =	sld [smem:$0x3F8A]  }
0x2f: {  	lr =	sadd.s32 s0, s3;
	s0 =	sld [smem:$0x3F81]  }
0x30: {  	s3 =	sld [smem:$0x3F84]  }
0x31: {  	[smem:$0x3F8D] =	sst s10  }
0x32: {  	s10 =	sld [smem:$0x3F8B];
	_ =	sdelay $0x3  }
0x33: {  	p0 =	seq.s32 s10, $0x1;
	s10 =	sld [smem:$0x3F8D];
	_ =	sdelay $0x3  }
0x34: {  	[smem:$0x3F8D] =	sst s10  }
0x35: {  	s10 =	sld [smem:$0x3F8C];
	_ =	sdelay $0x3  }
0x36: {  	p1 =	seq.s32 s10, $0x1;
	s10 =	sld [smem:$0x3F8D];
	_ =	sdelay $0x3  }
0x37: {  	[smem:$0x3F8D] =	sst s10  }
0x38: {  	s10 =	sld [smem:$0x3F8E]  }
0x39: {  	_ = 	snop;
	(pc) =	sbr.ind lr, $3  }
0x3a: {  	_ = 	snop  }
0x3b: {  	_ = 	snop  }
0x3c: {  	p2 =	seq.s32 s10, $0x1;
	s10 =	sld [smem:$0x3F8D]  }
0x3d: {  	_ =	shalt  }
0x3e: {  	_ =	shalt  }
0x3f: {  	_ =	shalt  }
0x40: {  	_ =	shalt  }
0x41: {  	_ =	shalt  }
0x42: {  	_ =	shalt  }
0x43: {  	_ =	shalt  }
0x44: {  	_ =	shalt  }
0x45: {  	_ =	shalt  }
0x46: {  	_ =	shalt  }
0x47: {  	_ =	shalt  }
0x48: {  	_ =	shalt  }
0x49: {  	_ =	shalt  }
0x4a: {  	_ =	shalt  }
0x4b: {  	_ =	shalt  }
0x4c: {  	_ =	shalt  }
0x4d: {  	_ =	shalt  }
0x4e: {  	_ =	shalt  }
0x4f: {  	_ =	shalt  }
0x50: {  	_ =	shalt  }
0x51: {  	_ =	shalt  }
0x52: {  	_ =	shalt  }
0x53: {  	_ =	shalt  }
0x54: {  	_ =	shalt  }
0x55: {  	_ =	shalt  }
0x56: {  	_ =	shalt  }
0x57: {  	_ =	shalt  }
0x58: {  	_ =	shalt  }
0x59: {  	_ =	shalt  }
0x5a: {  	_ =	shalt  }
0x5b: {  	_ =	shalt  }
0x5c: {  	_ =	shalt  }
0x5d: {  	_ =	shalt  }
0x5e: {  	_ =	shalt  }
0x5f: {  	_ =	shalt  }
0x60: {  	_ =	shalt  }
0x61: {  	_ =	shalt  }
0x62: {  	_ =	shalt  }
0x63: {  	_ =	shalt  }
0x64: {  	_ =	shalt  }
0x65: {  	_ =	shalt  }
0x66: {  	_ =	shalt  }
0x67: {  	_ =	shalt  }
0x68: {  	_ =	shalt  }
0x69: {  	_ =	shalt  }
0x6a: {  	_ =	shalt  }
0x6b: {  	_ =	shalt  }
0x6c: {  	_ =	shalt  }
0x6d: {  	_ =	shalt  }
0x6e: {  	_ =	shalt  }
0x6f: {  	_ =	shalt  }
0x70: {  	_ =	shalt  }
0x71: {  	_ =	shalt  }
0x72: {  	_ =	shalt  }
0x73: {  	_ =	shalt  }
0x74: {  	_ =	shalt  }
0x75: {  	_ =	shalt  }
0x76: {  	_ =	shalt  }
0x77: {  	_ =	shalt  }
0x78: {  	_ =	shalt  }
0x79: {  	_ =	shalt  }
0x7a: {  	_ =	shalt  }
0x7b: {  	_ =	shalt  }
0x7c: {  	_ =	shalt  }
0x7d: {  	_ =	shalt  }
0x7e: {  	_ =	shalt  }
0x7f: {  	_ =	shalt  }
0x80: {  	_ =	shalt  }
0x81: {  	_ =	shalt  }
0x82: {  	_ =	shalt  }
0x83: {  	_ =	shalt  }
0x84: {  	_ =	shalt  }
0x85: {  	_ =	shalt  }
0x86: {  	_ =	shalt  }
0x87: {  	_ =	shalt  }
.Lfunc_end0:
.L_simem_size_0:
called_computation.1_lowered:
.L_overlay_start_0:
0x88: {  	s2 =	sld [smem:$0x3FD9]  }
0x89: {  	s3 =	sld [smem:$0x3FFE];
	_ =	sdelay $0x1  }
0x8a: {  	s1 =	srdreg.scid  }
0x8b: {  	s0 =	sand.u32 $0x1, s1  }
0x8c: {  	s16 =	sshll.u32 s0, $0xA;
	s2 =	sadd.s32 s3, s2  }
0x8d: {  	s2 =	sadd.s32 s2, s16  }
0x8e: {  	[smem:$0x3F99] =	sst s2  }
0x8f: {  	_ = 	snop  }
0x90: {  	(tm) =	ssettm $0x1  }
0x91: {  	s17 =	sld [smem:$0x3FFB];
	_ =	sdelay $0x3  }
0x92: {  	_ =	strace s17  }
0x93: {  	s2 =	sld [smem:$0x3FFC];
	_ =	sdelay $0x3  }
0x94: {  	_ =	strace s2  }
0x95: {  	s2 =	sld [smem:$0x3FFD];
	_ =	sdelay $0x3  }
0x96: {  	_ =	strace s2  }
0x97: {  	_ =	strace $0x8FFFFFFF  }
0x98: {  	s18 =	sld [smem:$0x3FDB];
	_ =	sdelay $0x1  }
0x99: {  	s19 =	simm.s32 $_scs_section_size  }
0x9a: {  	s4 =	simm.s32 $_size__tile_overlayer_lowered;
	s5 =	simm.s32 $_tile_overlayer_lowered  }
0x9b: {  	s22 =	simm.s32 $0x1BFF;
	s21 =	sshll.u32 s5, $0x1;
	s2 =	sadd.s32 s19, s18  }
0x9c: {  	s6 =	simm.s32 $0x0;
	s20 =	sshll.u32 s4, $0x1;
	s4 =	sadd.s32 s21, s2  }
0x9d: {  	[timem:s6], [sflag:s22] =	dma.local [hbm:s4], s20  }
0x9e: {  	_ =	swait.ge [sflag:s22], s20  }
0x9f: {  	s3 =	ssub.s32 $0x0, s20;
	[sflag:s22] =	ssyncset.done $0x0  }
0xa0: {  	[sflag:s22] =	ssyncadd.s32 s3;
	_ =	sdelay $0x1  }
0xa1: {  	s23 =	simm.s32 $0x1B8B  }
0xa2: {  	_ =	swait.ge [sflag:s23], $0x1  }
0xa3: {  	[sflag:s23] =	ssyncset.done $0x0  }
0xa4: {  	s25 =	simm.s32 $0x1B8E;
	s24 =	sld [smem:$0x3FFE];
	[sflag:s23] =	ssyncadd.s32 $0xFFFFFFFF  }
0xa5: {  	s26 =	simm.s32 $execute0_lowered;
	[smem:$0x3FD2] =	sst s25  }
0xa6: {  	s4 =	sshll.u32 s26, $0x1;
	_ =	strace $0x80000049;
	[dreg:$0x1] =	wrdreg $0xFFFFFFFF  }
0xa7: {  	s28 =	simm.s32 $_size_execute0_lowered;
	s2 =	sadd.s32 s2, s4;
	[dreg:$0x0] =	wrdreg $0x0  }
0xa8: {  	s4 =	sshll.u32 s28, $0x1;
	[dreg:$0x2] =	wrdreg s2  }
0xa9: {  	[dreg:$0x3] =	wrdreg s4  }
0xaa: {  	[dreg:$0x4] =	wrdreg $0xC0  }
0xab: {  	_ =	task [dreg:s6], $0x5FFFF  }
0xac: {  	[dreg:$0x1] =	wrdreg $0xFFFFFFFF  }
0xad: {  	[dreg:$0x0] =	wrdreg $0x60  }
0xae: {  	[dreg:$0x2] =	wrdreg s24  }
0xaf: {  	[dreg:$0x3] =	wrdreg $0x128000  }
0xb0: {  	[dreg:$0x4] =	wrdreg $0x9  }
0xb1: {  	_ =	task.clear_ibuf [dreg:s6], $0x5FFFF;
	_ =	strace $0x90000049  }
0xb2: {  	s29 =	simm.s32 $0x9;
	_ =	strace $0x8000004B  }
0xb3: {  	_ =	swait.ge [sflag:s29], $0x1  }
0xb4: {  	[sflag:s29] =	ssyncadd.s32 $0xFFFFFFFF  }
0xb5: {  	_ =	strace $0x9000004B  }
0xb6: {  	_ =	sfence  }
0xb7: {  	s30 =	sld [smem:$0x0];
	_ =	sdelay $0x2  }
0xb8: {  	s31 =	sshll.u32 s1, $0xD;
	s1 =	sshrl.u32 s1, $0x2  }
0xb9: {  	s3 =	sand.u32 $0x4000, s31;
	s1 =	sadd.s32 s1, s30  }
0xba: {  	s0 =	sor.u32 s3, s0;
	s1 =	sshll.u32 s1, $0x11  }
0xbb: {  	s0 =	sor.u32 s1, s0  }
0xbc: {  	s0 =	sadd.s32 $0x8F2B, s0  }
0xbd: {  	[sflag:s0] =	ssyncadd.remote.s32 $0x1  }
0xbe: {  	_ =	sfence.sel $0xFFFF  }
0xbf: {  	[dreg:$0x0] =	wrdreg $0xFFFFFFFF;
	(pc) =	sbr.abs _section_cstart, $3  }
0xc0: {  	[dreg:$0x1] =	wrdreg $0xFFFFFFFF  }
0xc1: {  	_ =	task.clear_ibuf [dreg:s6], $0x2FFFF;
	_ =	strace $0x9FFFFFFF  }
0xc2: {  	(tm) =	ssettm $0x7FFFFFFF  }
0xc3: {  	_ =	shalt  }
tec
execute0_lowered:
.L_overlay_start_1:
0x0: {  	(tag) =	ssettag $0x1  }
0x1: {  	s0 =	rddreg [dreg:$0x0];
	s2 =	srdreg.scid  }
0x2: {  	s3 =	stileid.u32;
	s1 =	rddreg [dreg:$0x1];
	s13 =	simm.s32 $0x5  }
0x3: {  	s14 =	simm.s32 $0x80;
	s15 =	simm.s32 $0x2800;
	s16 =	simm.s32 $0x4800  }
0x4: {  	s18 =	simm.s32 $0x6800;
	s20 =	simm.s32 $0x8800;
	s21 =	simm.s32 $0x1  }
0x5: {  	s23 =	simm.s32 $0xA800;
	s28 =	simm.s32 $0xE800;
	s30 =	simm.s32 $0x10800  }
0x6: {  	s31 =	simm.s32 $0x2;
	s24 =	simm.s32 $0x0;
	s4 =	sand.u32 $0x1, s2  }
0x7: {  	s5 =	sshll.u32 s3, $0x1;
	s2 =	simm.s32 $0x0;
	s7 =	sadd.s32 $0x2F200, s0  }
0x8: {  	s8 =	smul.u32 $0x140000, s3;
	p0 =	sne.s32 s3, $0x0;
	s5 =	sor.u32 s4, s5  }
0x9: {  	[smem:$0x7FF] =	sst s2;
	s25 =	ssub.s32 $0x2, s4;
	s10 =	smul.u32 $0xA0000, s4  }
0xa: {  	s12 =	sshrl.u32 @!p0 s1, $0x3;
	s6 =	smul.u32 $0x500, s5;
	_ =	strace $0x8000004A  }
0xb: {  	[dreg:$0x3] =	wrdreg s7;
	s5 =	smul.u32 $0xA0000, s5;
	s9 =	sshrl.u32 s25, $0x1  }
0xc: {  	s7 =	ssub.s32 s25, s9;
	s29 =	sadd.s32 s10, s8;
	s25 =	simm.s32 $0xC800  }
0xd: {  	s6 =	sadd.s32 s6, s0;
	s0 =	sadd.s32 $0x73E00, s0;
	s5 =	sshrl.u32 s5, $0x3  }
0xe: {  	s10 =	sor.u32 $0x10000, s29;
	s11 =	sor.u32 $0x18000, s29;
	s26 =	sadd.s32 $0x69E00, s6  }
0xf: {  	s5 =	sadd.s32 s0, s5;
	s6 =	smax.u32 s7, $0x1;
	s10 =	sshrl.u32 s10, $0x3  }
0x10: {  	s11 =	sshrl.u32 s11, $0x3;
	[dreg:$0x4] =	wrdreg s26;
	s7 =	sadd.s32 $0x1000, s5  }
0x11: {  	s8 =	sadd.s32 $0x12000, s5;
	s9 =	sadd.s32 $0x13000, s5;
	s10 =	sadd.s32 s10, s0  }
0x12: {  	s22 =	sadd.s32 s11, s0;
	s0 =	simm.s32 $0x3;
	s26 =	simm.s32 $0x4  }
.LBB2_1:
0x13: {  	s3 =	simm.s32 @!p0 $0x1C05;
	s4 =	rddreg [dreg:$0x3]  }
0x14: {  	[spmem:s12], [sflag:s3] =	dma.local @!p0 [hbm:s4], $0x13880  }
0x15: {  	s3 =	simm.s32 @!p0 $0x5  }
0x16: {  	_ =	swait.ge @!p0 [sflag:s3], $0x13880  }
0x17: {  	[sflag:s3] =	ssyncset.done @!p0 $0x0  }
0x18: {  	s11 =	rddreg [dreg:$0x4];
	[sflag:s3] =	ssyncadd.s32 @!p0 $0xFFFEC780  }
0x19: {  	[tilespmem:s2], [sflag:$0x5] =	stream.linear.gather [hbm4b:s11+s2], $0x2800, $0x38;
	[tilespmem:$0x1C440] =	vst v63  }
0x1a: {  	_ =	swait.ge [sflag:s13], $0x2800  }
0x1b: {  	[sflag:s13] =	ssyncset.done $0x0  }
0x1c: {  	[sflag:s13] =	ssyncadd.s32 $0xFFFFD800  }
0x1d: {  	[bflag:$0x0] =	sbarrier.arrive $0xFFFF  }
0x1e: {  	[tilespmem:s15], [sflag:$0x1] =	stream.indirect.gather [spmem:s1], $0x40, s2, s14, $0xb8;
	[tilespmem:$0x1C440] =	vst v63  }
0x1f: {  	_ = 	snop  }
0x20: {  	[tilespmem:s16], [sflag:$0x1] =	stream.indirect.gather [spmem:s1], $0x40, s14, s14, $0xb8;
	[tilespmem:$0x1C440] =	vst v63  }
0x21: {  	s17 =	simm.s32 $0x100  }
0x22: {  	[tilespmem:s18], [sflag:$0x1] =	stream.indirect.gather [spmem:s1], $0x40, s17, s14, $0xb8;
	[tilespmem:$0x1C440] =	vst v63  }
0x23: {  	s19 =	simm.s32 $0x180  }
0x24: {  	[tilespmem:s20], [sflag:$0x1] =	stream.indirect.gather [spmem:s1], $0x40, s19, s14, $0xb8;
	[tilespmem:$0x1C440] =	vst v63  }
0x25: {  	_ =	swait.ge [sflag:s21], $0x2000  }
0x26: {  	[sflag:s21] =	ssyncset.done $0x0  }
0x27: {  	[sflag:s21] =	ssyncadd.s32 $0xFFFFE000  }
0x28: {  	_ =	swait.ge [sflag:s21], $0x2000  }
0x29: {  	[sflag:s21] =	ssyncset.done $0x0  }
0x2a: {  	[sflag:s21] =	ssyncadd.s32 $0xFFFFE000  }
0x2b: {  	_ =	swait.ge [sflag:s21], $0x2000  }
0x2c: {  	[sflag:s21] =	ssyncset.done $0x0  }
0x2d: {  	[sflag:s21] =	ssyncadd.s32 $0xFFFFE000  }
0x2e: {  	_ =	swait.ge [sflag:s21], $0x2000  }
0x2f: {  	[sflag:s21] =	ssyncset.done $0x0  }
0x30: {  	s4 =	simm.s32 $0x200;
	[sflag:s21] =	ssyncadd.s32 $0xFFFFE000  }
0x31: {  	[tilespmem:s23], [sflag:$0x2] =	stream.indirect.gather [spmem:s1], $0x40, s4, s14, $0xb8;
	[tilespmem:$0x1C440] =	vst v63  }
0x32: {  	s11 =	simm.s32 $0x280  }
0x33: {  	[tilespmem:s25], [sflag:$0x2] =	stream.indirect.gather [spmem:s1], $0x40, s11, s14, $0xb8;
	[tilespmem:$0x1C440] =	vst v63  }
0x34: {  	s17 =	simm.s32 $0x300  }
0x35: {  	[tilespmem:s28], [sflag:$0x2] =	stream.indirect.gather [spmem:s1], $0x40, s17, s14, $0xb8;
	[tilespmem:$0x1C440] =	vst v63  }
0x36: {  	s19 =	simm.s32 $0x380  }
0x37: {  	[tilespmem:s30], [sflag:$0x2] =	stream.indirect.gather [spmem:s1], $0x40, s19, s14, $0xb8;
	[tilespmem:$0x1C440] =	vst v63  }
0x38: {  	_ = 	snop  }
0x39: {  	[hbm4b:s5+s2] =	stream.linear.scatter [tilespmem:s15], [sflag:$0x3], $0x8000, $0x38;
	[tilespmem:$0x1C440] =	vst v63  }
0x3a: {  	_ =	swait.ge [sflag:s31], $0x2000  }
0x3b: {  	[sflag:s31] =	ssyncset.done $0x0  }
0x3c: {  	[sflag:s31] =	ssyncadd.s32 $0xFFFFE000  }
0x3d: {  	_ =	swait.ge [sflag:s31], $0x2000  }
0x3e: {  	[sflag:s31] =	ssyncset.done $0x0  }
0x3f: {  	[sflag:s31] =	ssyncadd.s32 $0xFFFFE000  }
0x40: {  	_ =	swait.ge [sflag:s31], $0x2000  }
0x41: {  	[sflag:s31] =	ssyncset.done $0x0  }
0x42: {  	[sflag:s31] =	ssyncadd.s32 $0xFFFFE000  }
0x43: {  	_ =	swait.ge [sflag:s31], $0x2000  }
0x44: {  	[sflag:s31] =	ssyncset.done $0x0  }
0x45: {  	[sflag:s31] =	ssyncadd.s32 $0xFFFFE000  }
0x46: {  	_ =	swait.ge [sflag:s0], $0x8000  }
0x47: {  	[sflag:s0] =	ssyncset.done $0x0  }
0x48: {  	s4 =	simm.s32 $0x400;
	[sflag:s0] =	ssyncadd.s32 $0xFFFF8000  }
0x49: {  	[tilespmem:s15], [sflag:$0x1] =	stream.indirect.gather [spmem:s1], $0x40, s4, s14, $0xb8;
	[tilespmem:$0x1C440] =	vst v63  }
0x4a: {  	s11 =	simm.s32 $0x480  }
0x4b: {  	[tilespmem:s16], [sflag:$0x1] =	stream.indirect.gather [spmem:s1], $0x40, s11, s14, $0xb8;
	[tilespmem:$0x1C440] =	vst v63  }
0x4c: {  	s17 =	simm.s32 $0x500  }
0x4d: {  	[tilespmem:s18], [sflag:$0x1] =	stream.indirect.gather [spmem:s1], $0x40, s17, s14, $0xb8;
	[tilespmem:$0x1C440] =	vst v63  }
0x4e: {  	s19 =	simm.s32 $0x580  }
0x4f: {  	[tilespmem:s20], [sflag:$0x1] =	stream.indirect.gather [spmem:s1], $0x40, s19, s14, $0xb8;
	[tilespmem:$0x1C440] =	vst v63  }
0x50: {  	_ = 	snop  }
0x51: {  	[hbm4b:s7+s2] =	stream.linear.scatter [tilespmem:s23], [sflag:$0x4], $0x8000, $0x38;
	[tilespmem:$0x1C440] =	vst v63  }
0x52: {  	_ =	swait.ge [sflag:s21], $0x2000  }
0x53: {  	[sflag:s21] =	ssyncset.done $0x0  }
0x54: {  	[sflag:s21] =	ssyncadd.s32 $0xFFFFE000  }
0x55: {  	_ =	swait.ge [sflag:s21], $0x2000  }
0x56: {  	[sflag:s21] =	ssyncset.done $0x0  }
0x57: {  	[sflag:s21] =	ssyncadd.s32 $0xFFFFE000  }
0x58: {  	_ =	swait.ge [sflag:s21], $0x2000  }
0x59: {  	[sflag:s21] =	ssyncset.done $0x0  }
0x5a: {  	[sflag:s21] =	ssyncadd.s32 $0xFFFFE000  }
0x5b: {  	_ =	swait.ge [sflag:s21], $0x2000  }
0x5c: {  	[sflag:s21] =	ssyncset.done $0x0  }
0x5d: {  	[sflag:s21] =	ssyncadd.s32 $0xFFFFE000  }
0x5e: {  	_ =	swait.ge [sflag:s26], $0x8000  }
0x5f: {  	[sflag:s26] =	ssyncset.done $0x0  }
0x60: {  	s4 =	simm.s32 $0x600;
	[sflag:s26] =	ssyncadd.s32 $0xFFFF8000  }
0x61: {  	[tilespmem:s23], [sflag:$0x2] =	stream.indirect.gather [spmem:s1], $0x40, s4, s14, $0xb8;
	[tilespmem:$0x1C440] =	vst v63  }
0x62: {  	s11 =	simm.s32 $0x680  }
0x63: {  	[tilespmem:s25], [sflag:$0x2] =	stream.indirect.gather [spmem:s1], $0x40, s11, s14, $0xb8;
	[tilespmem:$0x1C440] =	vst v63  }
0x64: {  	s17 =	simm.s32 $0x700  }
0x65: {  	[tilespmem:s28], [sflag:$0x2] =	stream.indirect.gather [spmem:s1], $0x40, s17, s14, $0xb8;
	[tilespmem:$0x1C440] =	vst v63  }
0x66: {  	s19 =	simm.s32 $0x780  }
0x67: {  	[tilespmem:s30], [sflag:$0x2] =	stream.indirect.gather [spmem:s1], $0x40, s19, s14, $0xb8;
	[tilespmem:$0x1C440] =	vst v63  }
0x68: {  	_ = 	snop  }
0x69: {  	[hbm4b:s10+s2] =	stream.linear.scatter [tilespmem:s15], [sflag:$0x3], $0x8000, $0x38;
	[tilespmem:$0x1C440] =	vst v63  }
0x6a: {  	_ =	swait.ge [sflag:s31], $0x2000  }
0x6b: {  	[sflag:s31] =	ssyncset.done $0x0  }
0x6c: {  	[sflag:s31] =	ssyncadd.s32 $0xFFFFE000  }
0x6d: {  	_ =	swait.ge [sflag:s31], $0x2000  }
0x6e: {  	[sflag:s31] =	ssyncset.done $0x0  }
0x6f: {  	[sflag:s31] =	ssyncadd.s32 $0xFFFFE000  }
0x70: {  	_ =	swait.ge [sflag:s31], $0x2000  }
0x71: {  	[sflag:s31] =	ssyncset.done $0x0  }
0x72: {  	[sflag:s31] =	ssyncadd.s32 $0xFFFFE000  }
0x73: {  	_ =	swait.ge [sflag:s31], $0x2000  }
0x74: {  	[sflag:s31] =	ssyncset.done $0x0  }
0x75: {  	[sflag:s31] =	ssyncadd.s32 $0xFFFFE000  }
0x76: {  	_ =	swait.ge [sflag:s0], $0x8000  }
0x77: {  	[sflag:s0] =	ssyncset.done $0x0  }
0x78: {  	s4 =	simm.s32 $0x800;
	[sflag:s0] =	ssyncadd.s32 $0xFFFF8000  }
0x79: {  	[tilespmem:s15], [sflag:$0x1] =	stream.indirect.gather [spmem:s1], $0x40, s4, s14, $0xb8;
	[tilespmem:$0x1C440] =	vst v63  }
0x7a: {  	s11 =	simm.s32 $0x880  }
0x7b: {  	[tilespmem:s16], [sflag:$0x1] =	stream.indirect.gather [spmem:s1], $0x40, s11, s14, $0xb8;
	[tilespmem:$0x1C440] =	vst v63  }
0x7c: {  	s17 =	simm.s32 $0x900  }
0x7d: {  	[tilespmem:s18], [sflag:$0x1] =	stream.indirect.gather [spmem:s1], $0x40, s17, s14, $0xb8;
	[tilespmem:$0x1C440] =	vst v63  }
0x7e: {  	s29 =	simm.s32 $0x1000;
	s19 =	simm.s32 $0x980  }
0x7f: {  	[tilespmem:s20], [sflag:$0x1] =	stream.indirect.gather [spmem:s1], $0x40, s19, s14, $0xb8;
	[tilespmem:$0x1C440] =	vst v63  }
0x80: {  	s11 =	smov.u32 s22;
	s17 =	sadd.s32 $0x2000, s10;
	s19 =	sadd.s32 $0x2000, s22  }
.LBB2_2:
0x81: {  	[hbm4b:s11+s2] =	stream.linear.scatter [tilespmem:s23], [sflag:$0x4], $0x8000, $0x38;
	[tilespmem:$0x1C440] =	vst v63  }
0x82: {  	s3 =	smov.u32 s29;
	s11 =	smov.u32 s19  }
0x83: {  	p1 =	sne.s32 s29, $0x7000;
	s29 =	sadd.s32 $0x1000, s29;
	_ =	swait.ge [sflag:s21], $0x2000  }
0x84: {  	[sflag:s21] =	ssyncset.done $0x0  }
0x85: {  	[sflag:s21] =	ssyncadd.s32 $0xFFFFE000  }
0x86: {  	_ =	swait.ge [sflag:s21], $0x2000  }
0x87: {  	[sflag:s21] =	ssyncset.done $0x0  }
0x88: {  	[sflag:s21] =	ssyncadd.s32 $0xFFFFE000  }
0x89: {  	_ =	swait.ge [sflag:s21], $0x2000  }
0x8a: {  	[sflag:s21] =	ssyncset.done $0x0  }
0x8b: {  	[sflag:s21] =	ssyncadd.s32 $0xFFFFE000  }
0x8c: {  	_ =	swait.ge [sflag:s21], $0x2000  }
0x8d: {  	[sflag:s21] =	ssyncset.done $0x0  }
0x8e: {  	[sflag:s21] =	ssyncadd.s32 $0xFFFFE000  }
0x8f: {  	_ =	swait.ge [sflag:s26], $0x8000  }
0x90: {  	s3 =	sshra.s32 s3, $0x2;
	[sflag:s26] =	ssyncset.done $0x0  }
0x91: {  	s4 =	sadd.s32 $0x600, s3;
	[sflag:s26] =	ssyncadd.s32 $0xFFFF8000  }
0x92: {  	[tilespmem:s23], [sflag:$0x2] =	stream.indirect.gather [spmem:s1], $0x40, s4, s14, $0xb8;
	[tilespmem:$0x1C440] =	vst v63  }
0x93: {  	s4 =	sadd.s32 $0x680, s3  }
0x94: {  	[tilespmem:s25], [sflag:$0x2] =	stream.indirect.gather [spmem:s1], $0x40, s4, s14, $0xb8;
	[tilespmem:$0x1C440] =	vst v63  }
0x95: {  	s4 =	sadd.s32 $0x700, s3  }
0x96: {  	[tilespmem:s28], [sflag:$0x2] =	stream.indirect.gather [spmem:s1], $0x40, s4, s14, $0xb8;
	[tilespmem:$0x1C440] =	vst v63  }
0x97: {  	s4 =	sadd.s32 $0x780, s3  }
0x98: {  	[tilespmem:s30], [sflag:$0x2] =	stream.indirect.gather [spmem:s1], $0x40, s4, s14, $0xb8;
	[tilespmem:$0x1C440] =	vst v63  }
0x99: {  	_ = 	snop  }
0x9a: {  	[hbm4b:s17+s2] =	stream.linear.scatter [tilespmem:s15], [sflag:$0x3], $0x8000, $0x38;
	[tilespmem:$0x1C440] =	vst v63  }
0x9b: {  	_ =	swait.ge [sflag:s31], $0x2000  }
0x9c: {  	[sflag:s31] =	ssyncset.done $0x0  }
0x9d: {  	[sflag:s31] =	ssyncadd.s32 $0xFFFFE000  }
0x9e: {  	_ =	swait.ge [sflag:s31], $0x2000  }
0x9f: {  	[sflag:s31] =	ssyncset.done $0x0  }
0xa0: {  	[sflag:s31] =	ssyncadd.s32 $0xFFFFE000  }
0xa1: {  	_ =	swait.ge [sflag:s31], $0x2000  }
0xa2: {  	[sflag:s31] =	ssyncset.done $0x0  }
0xa3: {  	[sflag:s31] =	ssyncadd.s32 $0xFFFFE000  }
0xa4: {  	_ =	swait.ge [sflag:s31], $0x2000  }
0xa5: {  	[sflag:s31] =	ssyncset.done $0x0  }
0xa6: {  	[sflag:s31] =	ssyncadd.s32 $0xFFFFE000  }
0xa7: {  	_ =	swait.ge [sflag:s0], $0x8000  }
0xa8: {  	[sflag:s0] =	ssyncset.done $0x0  }
0xa9: {  	s4 =	sadd.s32 $0x800, s3;
	[sflag:s0] =	ssyncadd.s32 $0xFFFF8000  }
0xaa: {  	[tilespmem:s15], [sflag:$0x1] =	stream.indirect.gather [spmem:s1], $0x40, s4, s14, $0xb8;
	[tilespmem:$0x1C440] =	vst v63  }
0xab: {  	s4 =	sadd.s32 $0x880, s3  }
0xac: {  	[tilespmem:s16], [sflag:$0x1] =	stream.indirect.gather [spmem:s1], $0x40, s4, s14, $0xb8;
	[tilespmem:$0x1C440] =	vst v63  }
.Ltmp0:
0xad: {  	s4 =	sadd.s32 $0x900, s3;
	(pc) =	sbr.rel @p1 .LBB2_2-.Ltmp0, $4  }
0xae: {  	[tilespmem:s18], [sflag:$0x1] =	stream.indirect.gather [spmem:s1], $0x40, s4, s14, $0xb8;
	[tilespmem:$0x1C440] =	vst v63  }
0xaf: {  	s3 =	sadd.s32 $0x980, s3  }
0xb0: {  	[tilespmem:s20], [sflag:$0x1] =	stream.indirect.gather [spmem:s1], $0x40, s3, s14, $0xb8;
	[tilespmem:$0x1C440] =	vst v63  }
0xb1: {  	s19 =	sadd.s32 $0x2000, s19;
	s17 =	sadd.s32 $0x2000, s17  }
0xb2: {  	[hbm4b:s11+s2] =	stream.linear.scatter [tilespmem:s23], [sflag:$0x4], $0x8000, $0x38;
	[tilespmem:$0x1C440] =	vst v63  }
0xb3: {  	_ =	swait.ge [sflag:s21], $0x2000  }
0xb4: {  	[sflag:s21] =	ssyncset.done $0x0  }
0xb5: {  	[sflag:s21] =	ssyncadd.s32 $0xFFFFE000  }
0xb6: {  	_ =	swait.ge [sflag:s21], $0x2000  }
0xb7: {  	[sflag:s21] =	ssyncset.done $0x0  }
0xb8: {  	[sflag:s21] =	ssyncadd.s32 $0xFFFFE000  }
0xb9: {  	_ =	swait.ge [sflag:s21], $0x2000  }
0xba: {  	[sflag:s21] =	ssyncset.done $0x0  }
0xbb: {  	[sflag:s21] =	ssyncadd.s32 $0xFFFFE000  }
0xbc: {  	_ =	swait.ge [sflag:s21], $0x2000  }
0xbd: {  	[sflag:s21] =	ssyncset.done $0x0  }
0xbe: {  	[sflag:s21] =	ssyncadd.s32 $0xFFFFE000  }
0xbf: {  	_ =	swait.ge [sflag:s26], $0x8000  }
0xc0: {  	[sflag:s26] =	ssyncset.done $0x0  }
0xc1: {  	s3 =	simm.s32 $0x2600;
	[sflag:s26] =	ssyncadd.s32 $0xFFFF8000  }
0xc2: {  	[tilespmem:s23], [sflag:$0x2] =	stream.indirect.gather [spmem:s1], $0x40, s3, s14, $0xb8;
	[tilespmem:$0x1C440] =	vst v63  }
0xc3: {  	s17 =	simm.s32 $0x2680  }
0xc4: {  	[tilespmem:s25], [sflag:$0x2] =	stream.indirect.gather [spmem:s1], $0x40, s17, s14, $0xb8;
	[tilespmem:$0x1C440] =	vst v63  }
0xc5: {  	s19 =	simm.s32 $0x2700  }
0xc6: {  	[tilespmem:s28], [sflag:$0x2] =	stream.indirect.gather [spmem:s1], $0x40, s19, s14, $0xb8;
	[tilespmem:$0x1C440] =	vst v63  }
0xc7: {  	s29 =	simm.s32 $0x2780  }
0xc8: {  	[tilespmem:s30], [sflag:$0x2] =	stream.indirect.gather [spmem:s1], $0x40, s29, s14, $0xb8;
	[tilespmem:$0x1C440] =	vst v63  }
0xc9: {  	_ = 	snop  }
0xca: {  	[hbm4b:s8+s2] =	stream.linear.scatter [tilespmem:s15], [sflag:$0x3], $0x8000, $0x38;
	[tilespmem:$0x1C440] =	vst v63  }
0xcb: {  	_ =	swait.ge [sflag:s31], $0x2000  }
0xcc: {  	[sflag:s31] =	ssyncset.done $0x0  }
0xcd: {  	[sflag:s31] =	ssyncadd.s32 $0xFFFFE000  }
0xce: {  	_ =	swait.ge [sflag:s31], $0x2000  }
0xcf: {  	[sflag:s31] =	ssyncset.done $0x0  }
0xd0: {  	[sflag:s31] =	ssyncadd.s32 $0xFFFFE000  }
0xd1: {  	_ =	swait.ge [sflag:s31], $0x2000  }
0xd2: {  	[sflag:s31] =	ssyncset.done $0x0  }
0xd3: {  	[sflag:s31] =	ssyncadd.s32 $0xFFFFE000  }
0xd4: {  	_ =	swait.ge [sflag:s31], $0x2000  }
0xd5: {  	[sflag:s31] =	ssyncset.done $0x0  }
0xd6: {  	s24 =	sadd.s32 $0x1, s24;
	[sflag:s31] =	ssyncadd.s32 $0xFFFFE000  }
0xd7: {  	[hbm4b:s9+s2] =	stream.linear.scatter [tilespmem:s23], [sflag:$0x4], $0x8000, $0x38;
	[tilespmem:$0x1C440] =	vst v63  }
0xd8: {  	p1 =	sne.s32 s24, s6;
	_ =	swait.ge [sflag:s0], $0x8000  }
.Ltmp1:
0xd9: {  	[sflag:s0] =	ssyncset.done $0x0;
	(pc) =	sbr.rel @p1 .LBB2_1-.Ltmp1, $4  }
0xda: {  	[sflag:s0] =	ssyncadd.s32 $0xFFFF8000  }
0xdb: {  	_ =	swait.ge [sflag:s26], $0x8000  }
0xdc: {  	[sflag:s26] =	ssyncset.done $0x0  }
0xdd: {  	[sflag:s26] =	ssyncadd.s32 $0xFFFF8000  }
0xde: {  	_ =	sfence.sel $0x180000  }
0xdf: {  	[bflag:$0x0] =	sbarrier.arrive $0xFFFF  }
0xe0: {  	_ =	strace $0x9000004A  }
0xe1: {  	[bflag:$0x2] =	sbarrier.arrive $0xFFFF  }
0xe2: {  	s0 =	rddreg [dreg:$0x2]  }
0xe3: {  	s0 =	sadd.s32 @!p0 $0x100000, s0  }
0xe4: {  	[sflag:s0] =	ssyncadd.tile.s32 @!p0 $0x1;
	_ =	shalt  }
.Lfunc_end2:
_tile_overlayer_lowered:
.L_overlay_start_2:
0xe5: {  	(tag) =	ssettag $0x2  }
0xe6: {  	s0 =	rddreg [dreg:$0x0];
	s2 =	stileid.u32  }
0xe7: {  	s1 =	rddreg [dreg:$0x1];
	p0 =	sne.s32 s2, $0x0  }
0xe8: {  	s3 =	rddreg [dreg:$0x2];
	[bflag:$0x3] =	sbarrier.arrive $0xFFFF;
	s2 =	simm.s32 @!p0 $0x1C05  }
0xe9: {  	[timem:s3], [sflag:s2] =	dma.local @!p0 [hbm:s0], s1  }
0xea: {  	s0 =	simm.s32 @!p0 $0x5  }
0xeb: {  	_ =	swait.ge @!p0 [sflag:s0], s1  }
0xec: {  	s1 =	ssub.s32 @!p0 $0x0, s1;
	[sflag:s0] =	ssyncset.done @!p0 $0x0  }
0xed: {  	[sflag:s0] =	ssyncadd.s32 @!p0 s1  }
0xee: {  	[bflag:$0x3] =	sbarrier.arrive $0xFFFF  }
0xef: {  	_ =	shalt  }

// kernel: kernel.15.cloned.1.call-start
scs
__scs_entry_jumppad:
0x0: {  	(pc) =	sbr.rel $0x88, $3  }
0x1: {  	(tag) =	ssettag $0x0;
	lr =	simm.s32 $0x1  }
0x2: {  	[smem:$0x3F72] =	sst lr;
	_ =	strace $0xD0000000  }
0x3: {  	_ = 	snop  }
0x4: {  	_ = 	snop  }
0x5: {  	_ = 	snop  }
0x6: {  	_ = 	snop  }
0x7: {  	_ = 	snop  }
__scs_overlays_trampoline_lowered:
0x8: {  	[smem:$0x3F81] =	sst s0  }
0x9: {  	[smem:$0x3F82] =	sst s1  }
0xa: {  	[smem:$0x3F83] =	sst s2  }
0xb: {  	[smem:$0x3F84] =	sst s3  }
0xc: {  	[smem:$0x3F85] =	sst s4  }
0xd: {  	[smem:$0x3F86] =	sst s5  }
0xe: {  	[smem:$0x3F87] =	sst s6  }
0xf: {  	[smem:$0x3F88] =	sst s7  }
0x10: {  	[smem:$0x3F89] =	sst s8  }
0x11: {  	[smem:$0x3F8A] =	sst s9;
	s0 =	simm.s32 @!p0 $0x0  }
0x12: {  	s1 =	sld [smem:$0x3F70];
	s0 =	simm.s32 @p0 $0x1  }
0x13: {  	[smem:$0x3F8B] =	sst s0;
	s0 =	simm.s32 @!p1 $0x0  }
0x14: {  	s2 =	sld [smem:$0x3F6F];
	s0 =	simm.s32 @p1 $0x1  }
0x15: {  	[smem:$0x3F8C] =	sst s0;
	s0 =	simm.s32 @!p2 $0x0  }
0x16: {  	s3 =	sld [smem:$0x3FDB];
	s0 =	simm.s32 @p2 $0x1  }
0x17: {  	s4 =	simm.s32 $0x1BF5;
	[smem:$0x3F8E] =	sst s0  }
0x18: {  	s0 =	sld [smem:$0x3F71];
	_ =	swait.ge [sflag:s4], $0x0  }
0x19: {  	s7 =	sld [smem:$0x3F72]  }
0x1a: {  	s8 =	sadd.s32 $0xFFFFE003, lr  }
0x1b: {  	s9 =	sadd.s32 $0xFFFFFEF7, lr;
	s5 =	simm.s32 $0xFFFFFFFF;
	p2 =	slt.u32 s8, $0xFFFFF086  }
0x1c: {  	p1 =	slt.u32 s9, $0xF7A;
	s5 =	simm.s32 @!p2 $0x0  }
0x1d: {  	s5 =	simm.s32 @p1 $0x1;
	p0 =	seq.s32 s7, s2  }
0x1e: {  	s7 =	smul.u32 @!p0 $0xF7A, s2;
	p2 =	seq.s32 @!p0 s5, $0x0  }
0x1f: {  	s9 =	smul.u32 $0xF7A, s1;
	s8 =	simm.s32 @!p0 $0x1BF5;
	p2 =	por !p2, p0  }
0x20: {  	[sflag:s8] =	ssyncset.s32 @!p0 $0xFFFFF086;
	s6 =	sadd.s32 @!p0 s3, s7;
	s7 =	simm.s32 @!p0 $0x108  }
0x21: {  	s3 =	sadd.s32 s3, s9;
	s6 =	sadd.s32 @!p0 $0x88, s6;
	s7 =	simm.s32 @p2 $0x1082  }
0x22: {  	[simem:s7], [sflag:s8] =	dma.local @!p0 [hbm:s6], $0xF7A  }
0x23: {  	s9 =	sor.u32 $0xD0000000, s2;
	s6 =	simm.s32 $0x108;
	_ =	swait.ge @!p0 [sflag:s8], $0x0  }
0x24: {  	s3 =	sadd.s32 $0x88, s3;
	s6 =	simm.s32 @!p1 $0x1082;
	[sflag:s4] =	ssyncset.s32 $0xFFFFF086  }
0x25: {  	[simem:s6], [sflag:s4] =	dma.local [hbm:s3], $0xF7A  }
0x26: {  	[smem:$0x3F72] =	sst s1;
	(tag) =	ssettag s2;
	_ =	strace s9  }
0x27: {  	s1 =	sld [smem:$0x3F82]  }
0x28: {  	s2 =	sld [smem:$0x3F83]  }
0x29: {  	s4 =	sld [smem:$0x3F85]  }
0x2a: {  	p0 =	seq.s32 s5, $0x0;
	s5 =	sld [smem:$0x3F86]  }
0x2b: {  	s6 =	sld [smem:$0x3F87]  }
0x2c: {  	s7 =	sld [smem:$0x3F88]  }
0x2d: {  	s3 =	simm.s32 $0x108;
	s8 =	sld [smem:$0x3F89]  }
0x2e: {  	s3 =	simm.s32 @!p0 $0x1082;
	s9 =	sld [smem:$0x3F8A]  }
0x2f: {  	lr =	sadd.s32 s0, s3;
	s0 =	sld [smem:$0x3F81]  }
0x30: {  	s3 =	sld [smem:$0x3F84]  }
0x31: {  	[smem:$0x3F8D] =	sst s10  }
0x32: {  	s10 =	sld [smem:$0x3F8B];
	_ =	sdelay $0x3  }
0x33: {  	p0 =	seq.s32 s10, $0x1;
	s10 =	sld [smem:$0x3F8D];
	_ =	sdelay $0x3  }
0x34: {  	[smem:$0x3F8D] =	sst s10  }
0x35: {  	s10 =	sld [smem:$0x3F8C];
	_ =	sdelay $0x3  }
0x36: {  	p1 =	seq.s32 s10, $0x1;
	s10 =	sld [smem:$0x3F8D];
	_ =	sdelay $0x3  }
0x37: {  	[smem:$0x3F8D] =	sst s10  }
0x38: {  	s10 =	sld [smem:$0x3F8E]  }
0x39: {  	_ = 	snop;
	(pc) =	sbr.ind lr, $3  }
0x3a: {  	_ = 	snop  }
0x3b: {  	_ = 	snop  }
0x3c: {  	p2 =	seq.s32 s10, $0x1;
	s10 =	sld [smem:$0x3F8D]  }
0x3d: {  	_ =	shalt  }
0x3e: {  	_ =	shalt  }
0x3f: {  	_ =	shalt  }
0x40: {  	_ =	shalt  }
0x41: {  	_ =	shalt  }
0x42: {  	_ =	shalt  }
0x43: {  	_ =	shalt  }
0x44: {  	_ =	shalt  }
0x45: {  	_ =	shalt  }
0x46: {  	_ =	shalt  }
0x47: {  	_ =	shalt  }
0x48: {  	_ =	shalt  }
0x49: {  	_ =	shalt  }
0x4a: {  	_ =	shalt  }
0x4b: {  	_ =	shalt  }
0x4c: {  	_ =	shalt  }
0x4d: {  	_ =	shalt  }
0x4e: {  	_ =	shalt  }
0x4f: {  	_ =	shalt  }
0x50: {  	_ =	shalt  }
0x51: {  	_ =	shalt  }
0x52: {  	_ =	shalt  }
0x53: {  	_ =	shalt  }
0x54: {  	_ =	shalt  }
0x55: {  	_ =	shalt  }
0x56: {  	_ =	shalt  }
0x57: {  	_ =	shalt  }
0x58: {  	_ =	shalt  }
0x59: {  	_ =	shalt  }
0x5a: {  	_ =	shalt  }
0x5b: {  	_ =	shalt  }
0x5c: {  	_ =	shalt  }
0x5d: {  	_ =	shalt  }
0x5e: {  	_ =	shalt  }
0x5f: {  	_ =	shalt  }
0x60: {  	_ =	shalt  }
0x61: {  	_ =	shalt  }
0x62: {  	_ =	shalt  }
0x63: {  	_ =	shalt  }
0x64: {  	_ =	shalt  }
0x65: {  	_ =	shalt  }
0x66: {  	_ =	shalt  }
0x67: {  	_ =	shalt  }
0x68: {  	_ =	shalt  }
0x69: {  	_ =	shalt  }
0x6a: {  	_ =	shalt  }
0x6b: {  	_ =	shalt  }
0x6c: {  	_ =	shalt  }
0x6d: {  	_ =	shalt  }
0x6e: {  	_ =	shalt  }
0x6f: {  	_ =	shalt  }
0x70: {  	_ =	shalt  }
0x71: {  	_ =	shalt  }
0x72: {  	_ =	shalt  }
0x73: {  	_ =	shalt  }
0x74: {  	_ =	shalt  }
0x75: {  	_ =	shalt  }
0x76: {  	_ =	shalt  }
0x77: {  	_ =	shalt  }
0x78: {  	_ =	shalt  }
0x79: {  	_ =	shalt  }
0x7a: {  	_ =	shalt  }
0x7b: {  	_ =	shalt  }
0x7c: {  	_ =	shalt  }
0x7d: {  	_ =	shalt  }
0x7e: {  	_ =	shalt  }
0x7f: {  	_ =	shalt  }
0x80: {  	_ =	shalt  }
0x81: {  	_ =	shalt  }
0x82: {  	_ =	shalt  }
0x83: {  	_ =	shalt  }
0x84: {  	_ =	shalt  }
0x85: {  	_ =	shalt  }
0x86: {  	_ =	shalt  }
0x87: {  	_ =	shalt  }
.Lfunc_end0:
.L_simem_size_0:
called_computation.2_lowered:
.L_overlay_start_0:
0x88: {  	s2 =	sld [smem:$0x3FD9]  }
0x89: {  	s3 =	sld [smem:$0x3FFE];
	_ =	sdelay $0x1  }
0x8a: {  	s1 =	srdreg.scid  }
0x8b: {  	s0 =	sand.u32 $0x1, s1  }
0x8c: {  	s16 =	sshll.u32 s0, $0xA;
	s2 =	sadd.s32 s3, s2  }
0x8d: {  	s2 =	sadd.s32 s2, s16  }
0x8e: {  	[smem:$0x3F99] =	sst s2  }
0x8f: {  	_ = 	snop  }
0x90: {  	(tm) =	ssettm $0x1  }
0x91: {  	s17 =	sld [smem:$0x3FFB];
	_ =	sdelay $0x3  }
0x92: {  	_ =	strace s17  }
0x93: {  	s2 =	sld [smem:$0x3FFC];
	_ =	sdelay $0x3  }
0x94: {  	_ =	strace s2  }
0x95: {  	s2 =	sld [smem:$0x3FFD];
	_ =	sdelay $0x3  }
0x96: {  	_ =	strace s2  }
0x97: {  	_ =	strace $0x8FFFFFFF  }
0x98: {  	s18 =	sld [smem:$0x3FDB];
	_ =	sdelay $0x1  }
0x99: {  	s19 =	simm.s32 $_scs_section_size  }
0x9a: {  	s4 =	simm.s32 $_size__tile_overlayer_lowered;
	s5 =	simm.s32 $_tile_overlayer_lowered  }
0x9b: {  	s22 =	simm.s32 $0x1BFF;
	s21 =	sshll.u32 s5, $0x1;
	s2 =	sadd.s32 s19, s18  }
0x9c: {  	s6 =	simm.s32 $0x0;
	s20 =	sshll.u32 s4, $0x1;
	s4 =	sadd.s32 s21, s2  }
0x9d: {  	[timem:s6], [sflag:s22] =	dma.local [hbm:s4], s20  }
0x9e: {  	_ =	swait.ge [sflag:s22], s20  }
0x9f: {  	s3 =	ssub.s32 $0x0, s20;
	[sflag:s22] =	ssyncset.done $0x0  }
0xa0: {  	[sflag:s22] =	ssyncadd.s32 s3;
	_ =	sdelay $0x1  }
0xa1: {  	s23 =	simm.s32 $0x1B8B  }
0xa2: {  	_ =	swait.ge [sflag:s23], $0x1  }
0xa3: {  	[sflag:s23] =	ssyncset.done $0x0  }
0xa4: {  	s25 =	simm.s32 $0x1B8E;
	s24 =	sld [smem:$0x3FFE];
	[sflag:s23] =	ssyncadd.s32 $0xFFFFFFFF  }
0xa5: {  	s26 =	simm.s32 $execute0_lowered;
	[smem:$0x3FD2] =	sst s25  }
0xa6: {  	s4 =	sshll.u32 s26, $0x1;
	_ =	strace $0x8000004C;
	[dreg:$0x1] =	wrdreg $0xFFFFFFFF  }
0xa7: {  	s28 =	simm.s32 $_size_execute0_lowered;
	s2 =	sadd.s32 s2, s4;
	[dreg:$0x0] =	wrdreg $0x0  }
0xa8: {  	s4 =	sshll.u32 s28, $0x1;
	[dreg:$0x2] =	wrdreg s2  }
0xa9: {  	[dreg:$0x3] =	wrdreg s4  }
0xaa: {  	[dreg:$0x4] =	wrdreg $0xC0  }
0xab: {  	_ =	task [dreg:s6], $0x5FFFF  }
0xac: {  	[dreg:$0x1] =	wrdreg $0xFFFFFFFF  }
0xad: {  	[dreg:$0x0] =	wrdreg $0x60  }
0xae: {  	[dreg:$0x2] =	wrdreg s24  }
0xaf: {  	[dreg:$0x3] =	wrdreg $0x128000  }
0xb0: {  	[dreg:$0x4] =	wrdreg $0x9  }
0xb1: {  	_ =	task.clear_ibuf [dreg:s6], $0x5FFFF;
	_ =	strace $0x9000004C  }
0xb2: {  	s29 =	simm.s32 $0x9;
	_ =	strace $0x8000004E  }
0xb3: {  	_ =	swait.ge [sflag:s29], $0x1  }
0xb4: {  	[sflag:s29] =	ssyncadd.s32 $0xFFFFFFFF  }
0xb5: {  	_ =	strace $0x9000004E  }
0xb6: {  	_ =	sfence  }
0xb7: {  	s30 =	sld [smem:$0x0];
	_ =	sdelay $0x2  }
0xb8: {  	s31 =	sshll.u32 s1, $0xD;
	s1 =	sshrl.u32 s1, $0x2  }
0xb9: {  	s3 =	sand.u32 $0x4000, s31;
	s1 =	sadd.s32 s1, s30  }
0xba: {  	s0 =	sor.u32 s3, s0;
	s1 =	sshll.u32 s1, $0x11  }
0xbb: {  	s0 =	sor.u32 s1, s0  }
0xbc: {  	s0 =	sadd.s32 $0x8F2B, s0  }
0xbd: {  	[sflag:s0] =	ssyncadd.remote.s32 $0x1  }
0xbe: {  	_ =	sfence.sel $0xFFFF  }
0xbf: {  	[dreg:$0x0] =	wrdreg $0xFFFFFFFF;
	(pc) =	sbr.abs _section_cstart, $3  }
0xc0: {  	[dreg:$0x1] =	wrdreg $0xFFFFFFFF  }
0xc1: {  	_ =	task.clear_ibuf [dreg:s6], $0x2FFFF;
	_ =	strace $0x9FFFFFFF  }
0xc2: {  	(tm) =	ssettm $0x7FFFFFFF  }
0xc3: {  	_ =	shalt  }
tec
execute0_lowered:
.L_overlay_start_1:
0x0: {  	(tag) =	ssettag $0x1  }
0x1: {  	s0 =	rddreg [dreg:$0x0];
	s2 =	srdreg.scid  }
0x2: {  	s3 =	stileid.u32;
	s1 =	rddreg [dreg:$0x1];
	s13 =	simm.s32 $0x5  }
0x3: {  	s14 =	simm.s32 $0x80;
	s15 =	simm.s32 $0x2800;
	s16 =	simm.s32 $0x4800  }
0x4: {  	s18 =	simm.s32 $0x6800;
	s20 =	simm.s32 $0x8800;
	s21 =	simm.s32 $0x1  }
0x5: {  	s23 =	simm.s32 $0xA800;
	s28 =	simm.s32 $0xE800;
	s30 =	simm.s32 $0x10800  }
0x6: {  	s31 =	simm.s32 $0x2;
	s24 =	simm.s32 $0x0;
	s4 =	sand.u32 $0x1, s2  }
0x7: {  	s5 =	sshll.u32 s3, $0x1;
	s2 =	simm.s32 $0x0;
	s7 =	sadd.s32 $0x8000, s0  }
0x8: {  	s8 =	smul.u32 $0x140000, s3;
	p0 =	sne.s32 s3, $0x0;
	s5 =	sor.u32 s4, s5  }
0x9: {  	[smem:$0x7FF] =	sst s2;
	s25 =	ssub.s32 $0x2, s4;
	s10 =	smul.u32 $0xA0000, s4  }
0xa: {  	s12 =	sshrl.u32 @!p0 s1, $0x3;
	s6 =	smul.u32 $0x500, s5;
	_ =	strace $0x8000004D  }
0xb: {  	[dreg:$0x3] =	wrdreg s7;
	s5 =	smul.u32 $0xA0000, s5;
	s9 =	sshrl.u32 s25, $0x1  }
0xc: {  	s7 =	ssub.s32 s25, s9;
	s29 =	sadd.s32 s10, s8;
	s25 =	simm.s32 $0xC800  }
0xd: {  	s6 =	sadd.s32 s6, s0;
	s0 =	sadd.s32 $0x73E00, s0;
	s5 =	sshrl.u32 s5, $0x3  }
0xe: {  	s10 =	sor.u32 $0x10000, s29;
	s11 =	sor.u32 $0x18000, s29;
	s26 =	sadd.s32 $0x69E00, s6  }
0xf: {  	s5 =	sadd.s32 s0, s5;
	s6 =	smax.u32 s7, $0x1;
	s10 =	sshrl.u32 s10, $0x3  }
0x10: {  	s11 =	sshrl.u32 s11, $0x3;
	[dreg:$0x4] =	wrdreg s26;
	s7 =	sadd.s32 $0x1000, s5  }
0x11: {  	s8 =	sadd.s32 $0x12000, s5;
	s9 =	sadd.s32 $0x13000, s5;
	s10 =	sadd.s32 s10, s0  }
0x12: {  	s22 =	sadd.s32 s11, s0;
	s0 =	simm.s32 $0x3;
	s26 =	simm.s32 $0x4  }
.LBB2_1:
0x13: {  	s3 =	simm.s32 @!p0 $0x1C05;
	s4 =	rddreg [dreg:$0x3]  }
0x14: {  	[spmem:s12], [sflag:s3] =	dma.local @!p0 [hbm:s4], $0x13880  }
0x15: {  	s3 =	simm.s32 @!p0 $0x5  }
0x16: {  	_ =	swait.ge @!p0 [sflag:s3], $0x13880  }
0x17: {  	[sflag:s3] =	ssyncset.done @!p0 $0x0  }
0x18: {  	s11 =	rddreg [dreg:$0x4];
	[sflag:s3] =	ssyncadd.s32 @!p0 $0xFFFEC780  }
0x19: {  	[tilespmem:s2], [sflag:$0x5] =	stream.linear.gather [hbm4b:s11+s2], $0x2800, $0x38;
	[tilespmem:$0x1C440] =	vst v63  }
0x1a: {  	_ =	swait.ge [sflag:s13], $0x2800  }
0x1b: {  	[sflag:s13] =	ssyncset.done $0x0  }
0x1c: {  	[sflag:s13] =	ssyncadd.s32 $0xFFFFD800  }
0x1d: {  	[bflag:$0x0] =	sbarrier.arrive $0xFFFF  }
0x1e: {  	[tilespmem:s15], [sflag:$0x1] =	stream.indirect.gather [spmem:s1], $0x40, s2, s14, $0xb8;
	[tilespmem:$0x1C440] =	vst v63  }
0x1f: {  	_ = 	snop  }
0x20: {  	[tilespmem:s16], [sflag:$0x1] =	stream.indirect.gather [spmem:s1], $0x40, s14, s14, $0xb8;
	[tilespmem:$0x1C440] =	vst v63  }
0x21: {  	s17 =	simm.s32 $0x100  }
0x22: {  	[tilespmem:s18], [sflag:$0x1] =	stream.indirect.gather [spmem:s1], $0x40, s17, s14, $0xb8;
	[tilespmem:$0x1C440] =	vst v63  }
0x23: {  	s19 =	simm.s32 $0x180  }
0x24: {  	[tilespmem:s20], [sflag:$0x1] =	stream.indirect.gather [spmem:s1], $0x40, s19, s14, $0xb8;
	[tilespmem:$0x1C440] =	vst v63  }
0x25: {  	_ =	swait.ge [sflag:s21], $0x2000  }
0x26: {  	[sflag:s21] =	ssyncset.done $0x0  }
0x27: {  	[sflag:s21] =	ssyncadd.s32 $0xFFFFE000  }
0x28: {  	_ =	swait.ge [sflag:s21], $0x2000  }
0x29: {  	[sflag:s21] =	ssyncset.done $0x0  }
0x2a: {  	[sflag:s21] =	ssyncadd.s32 $0xFFFFE000  }
0x2b: {  	_ =	swait.ge [sflag:s21], $0x2000  }
0x2c: {  	[sflag:s21] =	ssyncset.done $0x0  }
0x2d: {  	[sflag:s21] =	ssyncadd.s32 $0xFFFFE000  }
0x2e: {  	_ =	swait.ge [sflag:s21], $0x2000  }
0x2f: {  	[sflag:s21] =	ssyncset.done $0x0  }
0x30: {  	s4 =	simm.s32 $0x200;
	[sflag:s21] =	ssyncadd.s32 $0xFFFFE000  }
0x31: {  	[tilespmem:s23], [sflag:$0x2] =	stream.indirect.gather [spmem:s1], $0x40, s4, s14, $0xb8;
	[tilespmem:$0x1C440] =	vst v63  }
0x32: {  	s11 =	simm.s32 $0x280  }
0x33: {  	[tilespmem:s25], [sflag:$0x2] =	stream.indirect.gather [spmem:s1], $0x40, s11, s14, $0xb8;
	[tilespmem:$0x1C440] =	vst v63  }
0x34: {  	s17 =	simm.s32 $0x300  }
0x35: {  	[tilespmem:s28], [sflag:$0x2] =	stream.indirect.gather [spmem:s1], $0x40, s17, s14, $0xb8;
	[tilespmem:$0x1C440] =	vst v63  }
0x36: {  	s19 =	simm.s32 $0x380  }
0x37: {  	[tilespmem:s30], [sflag:$0x2] =	stream.indirect.gather [spmem:s1], $0x40, s19, s14, $0xb8;
	[tilespmem:$0x1C440] =	vst v63  }
0x38: {  	_ = 	snop  }
0x39: {  	[hbm4b:s5+s2] =	stream.linear.scatter [tilespmem:s15], [sflag:$0x3], $0x8000, $0x38;
	[tilespmem:$0x1C440] =	vst v63  }
0x3a: {  	_ =	swait.ge [sflag:s31], $0x2000  }
0x3b: {  	[sflag:s31] =	ssyncset.done $0x0  }
0x3c: {  	[sflag:s31] =	ssyncadd.s32 $0xFFFFE000  }
0x3d: {  	_ =	swait.ge [sflag:s31], $0x2000  }
0x3e: {  	[sflag:s31] =	ssyncset.done $0x0  }
0x3f: {  	[sflag:s31] =	ssyncadd.s32 $0xFFFFE000  }
0x40: {  	_ =	swait.ge [sflag:s31], $0x2000  }
0x41: {  	[sflag:s31] =	ssyncset.done $0x0  }
0x42: {  	[sflag:s31] =	ssyncadd.s32 $0xFFFFE000  }
0x43: {  	_ =	swait.ge [sflag:s31], $0x2000  }
0x44: {  	[sflag:s31] =	ssyncset.done $0x0  }
0x45: {  	[sflag:s31] =	ssyncadd.s32 $0xFFFFE000  }
0x46: {  	_ =	swait.ge [sflag:s0], $0x8000  }
0x47: {  	[sflag:s0] =	ssyncset.done $0x0  }
0x48: {  	s4 =	simm.s32 $0x400;
	[sflag:s0] =	ssyncadd.s32 $0xFFFF8000  }
0x49: {  	[tilespmem:s15], [sflag:$0x1] =	stream.indirect.gather [spmem:s1], $0x40, s4, s14, $0xb8;
	[tilespmem:$0x1C440] =	vst v63  }
0x4a: {  	s11 =	simm.s32 $0x480  }
0x4b: {  	[tilespmem:s16], [sflag:$0x1] =	stream.indirect.gather [spmem:s1], $0x40, s11, s14, $0xb8;
	[tilespmem:$0x1C440] =	vst v63  }
0x4c: {  	s17 =	simm.s32 $0x500  }
0x4d: {  	[tilespmem:s18], [sflag:$0x1] =	stream.indirect.gather [spmem:s1], $0x40, s17, s14, $0xb8;
	[tilespmem:$0x1C440] =	vst v63  }
0x4e: {  	s19 =	simm.s32 $0x580  }
0x4f: {  	[tilespmem:s20], [sflag:$0x1] =	stream.indirect.gather [spmem:s1], $0x40, s19, s14, $0xb8;
	[tilespmem:$0x1C440] =	vst v63  }
0x50: {  	_ = 	snop  }
0x51: {  	[hbm4b:s7+s2] =	stream.linear.scatter [tilespmem:s23], [sflag:$0x4], $0x8000, $0x38;
	[tilespmem:$0x1C440] =	vst v63  }
0x52: {  	_ =	swait.ge [sflag:s21], $0x2000  }
0x53: {  	[sflag:s21] =	ssyncset.done $0x0  }
0x54: {  	[sflag:s21] =	ssyncadd.s32 $0xFFFFE000  }
0x55: {  	_ =	swait.ge [sflag:s21], $0x2000  }
0x56: {  	[sflag:s21] =	ssyncset.done $0x0  }
0x57: {  	[sflag:s21] =	ssyncadd.s32 $0xFFFFE000  }
0x58: {  	_ =	swait.ge [sflag:s21], $0x2000  }
0x59: {  	[sflag:s21] =	ssyncset.done $0x0  }
0x5a: {  	[sflag:s21] =	ssyncadd.s32 $0xFFFFE000  }
0x5b: {  	_ =	swait.ge [sflag:s21], $0x2000  }
0x5c: {  	[sflag:s21] =	ssyncset.done $0x0  }
0x5d: {  	[sflag:s21] =	ssyncadd.s32 $0xFFFFE000  }
0x5e: {  	_ =	swait.ge [sflag:s26], $0x8000  }
0x5f: {  	[sflag:s26] =	ssyncset.done $0x0  }
0x60: {  	s4 =	simm.s32 $0x600;
	[sflag:s26] =	ssyncadd.s32 $0xFFFF8000  }
0x61: {  	[tilespmem:s23], [sflag:$0x2] =	stream.indirect.gather [spmem:s1], $0x40, s4, s14, $0xb8;
	[tilespmem:$0x1C440] =	vst v63  }
0x62: {  	s11 =	simm.s32 $0x680  }
0x63: {  	[tilespmem:s25], [sflag:$0x2] =	stream.indirect.gather [spmem:s1], $0x40, s11, s14, $0xb8;
	[tilespmem:$0x1C440] =	vst v63  }
0x64: {  	s17 =	simm.s32 $0x700  }
0x65: {  	[tilespmem:s28], [sflag:$0x2] =	stream.indirect.gather [spmem:s1], $0x40, s17, s14, $0xb8;
	[tilespmem:$0x1C440] =	vst v63  }
0x66: {  	s19 =	simm.s32 $0x780  }
0x67: {  	[tilespmem:s30], [sflag:$0x2] =	stream.indirect.gather [spmem:s1], $0x40, s19, s14, $0xb8;
	[tilespmem:$0x1C440] =	vst v63  }
0x68: {  	_ = 	snop  }
0x69: {  	[hbm4b:s10+s2] =	stream.linear.scatter [tilespmem:s15], [sflag:$0x3], $0x8000, $0x38;
	[tilespmem:$0x1C440] =	vst v63  }
0x6a: {  	_ =	swait.ge [sflag:s31], $0x2000  }
0x6b: {  	[sflag:s31] =	ssyncset.done $0x0  }
0x6c: {  	[sflag:s31] =	ssyncadd.s32 $0xFFFFE000  }
0x6d: {  	_ =	swait.ge [sflag:s31], $0x2000  }
0x6e: {  	[sflag:s31] =	ssyncset.done $0x0  }
0x6f: {  	[sflag:s31] =	ssyncadd.s32 $0xFFFFE000  }
0x70: {  	_ =	swait.ge [sflag:s31], $0x2000  }
0x71: {  	[sflag:s31] =	ssyncset.done $0x0  }
0x72: {  	[sflag:s31] =	ssyncadd.s32 $0xFFFFE000  }
0x73: {  	_ =	swait.ge [sflag:s31], $0x2000  }
0x74: {  	[sflag:s31] =	ssyncset.done $0x0  }
0x75: {  	[sflag:s31] =	ssyncadd.s32 $0xFFFFE000  }
0x76: {  	_ =	swait.ge [sflag:s0], $0x8000  }
0x77: {  	[sflag:s0] =	ssyncset.done $0x0  }
0x78: {  	s4 =	simm.s32 $0x800;
	[sflag:s0] =	ssyncadd.s32 $0xFFFF8000  }
0x79: {  	[tilespmem:s15], [sflag:$0x1] =	stream.indirect.gather [spmem:s1], $0x40, s4, s14, $0xb8;
	[tilespmem:$0x1C440] =	vst v63  }
0x7a: {  	s11 =	simm.s32 $0x880  }
0x7b: {  	[tilespmem:s16], [sflag:$0x1] =	stream.indirect.gather [spmem:s1], $0x40, s11, s14, $0xb8;
	[tilespmem:$0x1C440] =	vst v63  }
0x7c: {  	s17 =	simm.s32 $0x900  }
0x7d: {  	[tilespmem:s18], [sflag:$0x1] =	stream.indirect.gather [spmem:s1], $0x40, s17, s14, $0xb8;
	[tilespmem:$0x1C440] =	vst v63  }
0x7e: {  	s29 =	simm.s32 $0x1000;
	s19 =	simm.s32 $0x980  }
0x7f: {  	[tilespmem:s20], [sflag:$0x1] =	stream.indirect.gather [spmem:s1], $0x40, s19, s14, $0xb8;
	[tilespmem:$0x1C440] =	vst v63  }
0x80: {  	s11 =	smov.u32 s22;
	s17 =	sadd.s32 $0x2000, s10;
	s19 =	sadd.s32 $0x2000, s22  }
.LBB2_2:
0x81: {  	[hbm4b:s11+s2] =	stream.linear.scatter [tilespmem:s23], [sflag:$0x4], $0x8000, $0x38;
	[tilespmem:$0x1C440] =	vst v63  }
0x82: {  	s3 =	smov.u32 s29;
	s11 =	smov.u32 s19  }
0x83: {  	p1 =	sne.s32 s29, $0x7000;
	s29 =	sadd.s32 $0x1000, s29;
	_ =	swait.ge [sflag:s21], $0x2000  }
0x84: {  	[sflag:s21] =	ssyncset.done $0x0  }
0x85: {  	[sflag:s21] =	ssyncadd.s32 $0xFFFFE000  }
0x86: {  	_ =	swait.ge [sflag:s21], $0x2000  }
0x87: {  	[sflag:s21] =	ssyncset.done $0x0  }
0x88: {  	[sflag:s21] =	ssyncadd.s32 $0xFFFFE000  }
0x89: {  	_ =	swait.ge [sflag:s21], $0x2000  }
0x8a: {  	[sflag:s21] =	ssyncset.done $0x0  }
0x8b: {  	[sflag:s21] =	ssyncadd.s32 $0xFFFFE000  }
0x8c: {  	_ =	swait.ge [sflag:s21], $0x2000  }
0x8d: {  	[sflag:s21] =	ssyncset.done $0x0  }
0x8e: {  	[sflag:s21] =	ssyncadd.s32 $0xFFFFE000  }
0x8f: {  	_ =	swait.ge [sflag:s26], $0x8000  }
0x90: {  	s3 =	sshra.s32 s3, $0x2;
	[sflag:s26] =	ssyncset.done $0x0  }
0x91: {  	s4 =	sadd.s32 $0x600, s3;
	[sflag:s26] =	ssyncadd.s32 $0xFFFF8000  }
0x92: {  	[tilespmem:s23], [sflag:$0x2] =	stream.indirect.gather [spmem:s1], $0x40, s4, s14, $0xb8;
	[tilespmem:$0x1C440] =	vst v63  }
0x93: {  	s4 =	sadd.s32 $0x680, s3  }
0x94: {  	[tilespmem:s25], [sflag:$0x2] =	stream.indirect.gather [spmem:s1], $0x40, s4, s14, $0xb8;
	[tilespmem:$0x1C440] =	vst v63  }
0x95: {  	s4 =	sadd.s32 $0x700, s3  }
0x96: {  	[tilespmem:s28], [sflag:$0x2] =	stream.indirect.gather [spmem:s1], $0x40, s4, s14, $0xb8;
	[tilespmem:$0x1C440] =	vst v63  }
0x97: {  	s4 =	sadd.s32 $0x780, s3  }
0x98: {  	[tilespmem:s30], [sflag:$0x2] =	stream.indirect.gather [spmem:s1], $0x40, s4, s14, $0xb8;
	[tilespmem:$0x1C440] =	vst v63  }
0x99: {  	_ = 	snop  }
0x9a: {  	[hbm4b:s17+s2] =	stream.linear.scatter [tilespmem:s15], [sflag:$0x3], $0x8000, $0x38;
	[tilespmem:$0x1C440] =	vst v63  }
0x9b: {  	_ =	swait.ge [sflag:s31], $0x2000  }
0x9c: {  	[sflag:s31] =	ssyncset.done $0x0  }
0x9d: {  	[sflag:s31] =	ssyncadd.s32 $0xFFFFE000  }
0x9e: {  	_ =	swait.ge [sflag:s31], $0x2000  }
0x9f: {  	[sflag:s31] =	ssyncset.done $0x0  }
0xa0: {  	[sflag:s31] =	ssyncadd.s32 $0xFFFFE000  }
0xa1: {  	_ =	swait.ge [sflag:s31], $0x2000  }
0xa2: {  	[sflag:s31] =	ssyncset.done $0x0  }
0xa3: {  	[sflag:s31] =	ssyncadd.s32 $0xFFFFE000  }
0xa4: {  	_ =	swait.ge [sflag:s31], $0x2000  }
0xa5: {  	[sflag:s31] =	ssyncset.done $0x0  }
0xa6: {  	[sflag:s31] =	ssyncadd.s32 $0xFFFFE000  }
0xa7: {  	_ =	swait.ge [sflag:s0], $0x8000  }
0xa8: {  	[sflag:s0] =	ssyncset.done $0x0  }
0xa9: {  	s4 =	sadd.s32 $0x800, s3;
	[sflag:s0] =	ssyncadd.s32 $0xFFFF8000  }
0xaa: {  	[tilespmem:s15], [sflag:$0x1] =	stream.indirect.gather [spmem:s1], $0x40, s4, s14, $0xb8;
	[tilespmem:$0x1C440] =	vst v63  }
0xab: {  	s4 =	sadd.s32 $0x880, s3  }
0xac: {  	[tilespmem:s16], [sflag:$0x1] =	stream.indirect.gather [spmem:s1], $0x40, s4, s14, $0xb8;
	[tilespmem:$0x1C440] =	vst v63  }
.Ltmp0:
0xad: {  	s4 =	sadd.s32 $0x900, s3;
	(pc) =	sbr.rel @p1 .LBB2_2-.Ltmp0, $4  }
0xae: {  	[tilespmem:s18], [sflag:$0x1] =	stream.indirect.gather [spmem:s1], $0x40, s4, s14, $0xb8;
	[tilespmem:$0x1C440] =	vst v63  }
0xaf: {  	s3 =	sadd.s32 $0x980, s3  }
0xb0: {  	[tilespmem:s20], [sflag:$0x1] =	stream.indirect.gather [spmem:s1], $0x40, s3, s14, $0xb8;
	[tilespmem:$0x1C440] =	vst v63  }
0xb1: {  	s19 =	sadd.s32 $0x2000, s19;
	s17 =	sadd.s32 $0x2000, s17  }
0xb2: {  	[hbm4b:s11+s2] =	stream.linear.scatter [tilespmem:s23], [sflag:$0x4], $0x8000, $0x38;
	[tilespmem:$0x1C440] =	vst v63  }
0xb3: {  	_ =	swait.ge [sflag:s21], $0x2000  }
0xb4: {  	[sflag:s21] =	ssyncset.done $0x0  }
0xb5: {  	[sflag:s21] =	ssyncadd.s32 $0xFFFFE000  }
0xb6: {  	_ =	swait.ge [sflag:s21], $0x2000  }
0xb7: {  	[sflag:s21] =	ssyncset.done $0x0  }
0xb8: {  	[sflag:s21] =	ssyncadd.s32 $0xFFFFE000  }
0xb9: {  	_ =	swait.ge [sflag:s21], $0x2000  }
0xba: {  	[sflag:s21] =	ssyncset.done $0x0  }
0xbb: {  	[sflag:s21] =	ssyncadd.s32 $0xFFFFE000  }
0xbc: {  	_ =	swait.ge [sflag:s21], $0x2000  }
0xbd: {  	[sflag:s21] =	ssyncset.done $0x0  }
0xbe: {  	[sflag:s21] =	ssyncadd.s32 $0xFFFFE000  }
0xbf: {  	_ =	swait.ge [sflag:s26], $0x8000  }
0xc0: {  	[sflag:s26] =	ssyncset.done $0x0  }
0xc1: {  	s3 =	simm.s32 $0x2600;
	[sflag:s26] =	ssyncadd.s32 $0xFFFF8000  }
0xc2: {  	[tilespmem:s23], [sflag:$0x2] =	stream.indirect.gather [spmem:s1], $0x40, s3, s14, $0xb8;
	[tilespmem:$0x1C440] =	vst v63  }
0xc3: {  	s17 =	simm.s32 $0x2680  }
0xc4: {  	[tilespmem:s25], [sflag:$0x2] =	stream.indirect.gather [spmem:s1], $0x40, s17, s14, $0xb8;
	[tilespmem:$0x1C440] =	vst v63  }
0xc5: {  	s19 =	simm.s32 $0x2700  }
0xc6: {  	[tilespmem:s28], [sflag:$0x2] =	stream.indirect.gather [spmem:s1], $0x40, s19, s14, $0xb8;
	[tilespmem:$0x1C440] =	vst v63  }
0xc7: {  	s29 =	simm.s32 $0x2780  }
0xc8: {  	[tilespmem:s30], [sflag:$0x2] =	stream.indirect.gather [spmem:s1], $0x40, s29, s14, $0xb8;
	[tilespmem:$0x1C440] =	vst v63  }
0xc9: {  	_ = 	snop  }
0xca: {  	[hbm4b:s8+s2] =	stream.linear.scatter [tilespmem:s15], [sflag:$0x3], $0x8000, $0x38;
	[tilespmem:$0x1C440] =	vst v63  }
0xcb: {  	_ =	swait.ge [sflag:s31], $0x2000  }
0xcc: {  	[sflag:s31] =	ssyncset.done $0x0  }
0xcd: {  	[sflag:s31] =	ssyncadd.s32 $0xFFFFE000  }
0xce: {  	_ =	swait.ge [sflag:s31], $0x2000  }
0xcf: {  	[sflag:s31] =	ssyncset.done $0x0  }
0xd0: {  	[sflag:s31] =	ssyncadd.s32 $0xFFFFE000  }
0xd1: {  	_ =	swait.ge [sflag:s31], $0x2000  }
0xd2: {  	[sflag:s31] =	ssyncset.done $0x0  }
0xd3: {  	[sflag:s31] =	ssyncadd.s32 $0xFFFFE000  }
0xd4: {  	_ =	swait.ge [sflag:s31], $0x2000  }
0xd5: {  	[sflag:s31] =	ssyncset.done $0x0  }
0xd6: {  	s24 =	sadd.s32 $0x1, s24;
	[sflag:s31] =	ssyncadd.s32 $0xFFFFE000  }
0xd7: {  	[hbm4b:s9+s2] =	stream.linear.scatter [tilespmem:s23], [sflag:$0x4], $0x8000, $0x38;
	[tilespmem:$0x1C440] =	vst v63  }
0xd8: {  	p1 =	sne.s32 s24, s6;
	_ =	swait.ge [sflag:s0], $0x8000  }
.Ltmp1:
0xd9: {  	[sflag:s0] =	ssyncset.done $0x0;
	(pc) =	sbr.rel @p1 .LBB2_1-.Ltmp1, $4  }
0xda: {  	[sflag:s0] =	ssyncadd.s32 $0xFFFF8000  }
0xdb: {  	_ =	swait.ge [sflag:s26], $0x8000  }
0xdc: {  	[sflag:s26] =	ssyncset.done $0x0  }
0xdd: {  	[sflag:s26] =	ssyncadd.s32 $0xFFFF8000  }
0xde: {  	_ =	sfence.sel $0x180000  }
0xdf: {  	[bflag:$0x0] =	sbarrier.arrive $0xFFFF  }
0xe0: {  	_ =	strace $0x9000004D  }
0xe1: {  	[bflag:$0x2] =	sbarrier.arrive $0xFFFF  }
0xe2: {  	s0 =	rddreg [dreg:$0x2]  }
0xe3: {  	s0 =	sadd.s32 @!p0 $0x100000, s0  }
0xe4: {  	[sflag:s0] =	ssyncadd.tile.s32 @!p0 $0x1;
	_ =	shalt  }
.Lfunc_end2:
_tile_overlayer_lowered:
.L_overlay_start_2:
0xe5: {  	(tag) =	ssettag $0x2  }
0xe6: {  	s0 =	rddreg [dreg:$0x0];
	s2 =	stileid.u32  }
0xe7: {  	s1 =	rddreg [dreg:$0x1];
	p0 =	sne.s32 s2, $0x0  }
0xe8: {  	s3 =	rddreg [dreg:$0x2];
	[bflag:$0x3] =	sbarrier.arrive $0xFFFF;
	s2 =	simm.s32 @!p0 $0x1C05  }
0xe9: {  	[timem:s3], [sflag:s2] =	dma.local @!p0 [hbm:s0], s1  }
0xea: {  	s0 =	simm.s32 @!p0 $0x5  }
0xeb: {  	_ =	swait.ge @!p0 [sflag:s0], s1  }
0xec: {  	s1 =	ssub.s32 @!p0 $0x0, s1;
	[sflag:s0] =	ssyncset.done @!p0 $0x0  }
0xed: {  	[sflag:s0] =	ssyncadd.s32 @!p0 s1  }
0xee: {  	[bflag:$0x3] =	sbarrier.arrive $0xFFFF  }
0xef: {  	_ =	shalt  }

// kernel: kernel.9.cloned.1.call-start
scs
__scs_entry_jumppad:
0x0: {  	(pc) =	sbr.rel $0x88, $3  }
0x1: {  	(tag) =	ssettag $0x0;
	lr =	simm.s32 $0x1  }
0x2: {  	[smem:$0x3F72] =	sst lr;
	_ =	strace $0xD0000000  }
0x3: {  	_ = 	snop  }
0x4: {  	_ = 	snop  }
0x5: {  	_ = 	snop  }
0x6: {  	_ = 	snop  }
0x7: {  	_ = 	snop  }
__scs_overlays_trampoline_lowered:
0x8: {  	[smem:$0x3F81] =	sst s0  }
0x9: {  	[smem:$0x3F82] =	sst s1  }
0xa: {  	[smem:$0x3F83] =	sst s2  }
0xb: {  	[smem:$0x3F84] =	sst s3  }
0xc: {  	[smem:$0x3F85] =	sst s4  }
0xd: {  	[smem:$0x3F86] =	sst s5  }
0xe: {  	[smem:$0x3F87] =	sst s6  }
0xf: {  	[smem:$0x3F88] =	sst s7  }
0x10: {  	[smem:$0x3F89] =	sst s8  }
0x11: {  	[smem:$0x3F8A] =	sst s9;
	s0 =	simm.s32 @!p0 $0x0  }
0x12: {  	s1 =	sld [smem:$0x3F70];
	s0 =	simm.s32 @p0 $0x1  }
0x13: {  	[smem:$0x3F8B] =	sst s0;
	s0 =	simm.s32 @!p1 $0x0  }
0x14: {  	s2 =	sld [smem:$0x3F6F];
	s0 =	simm.s32 @p1 $0x1  }
0x15: {  	[smem:$0x3F8C] =	sst s0;
	s0 =	simm.s32 @!p2 $0x0  }
0x16: {  	s3 =	sld [smem:$0x3FDB];
	s0 =	simm.s32 @p2 $0x1  }
0x17: {  	s4 =	simm.s32 $0x1BF5;
	[smem:$0x3F8E] =	sst s0  }
0x18: {  	s0 =	sld [smem:$0x3F71];
	_ =	swait.ge [sflag:s4], $0x0  }
0x19: {  	s7 =	sld [smem:$0x3F72]  }
0x1a: {  	s8 =	sadd.s32 $0xFFFFE003, lr  }
0x1b: {  	s9 =	sadd.s32 $0xFFFFFEF7, lr;
	s5 =	simm.s32 $0xFFFFFFFF;
	p2 =	slt.u32 s8, $0xFFFFF086  }
0x1c: {  	p1 =	slt.u32 s9, $0xF7A;
	s5 =	simm.s32 @!p2 $0x0  }
0x1d: {  	s5 =	simm.s32 @p1 $0x1;
	p0 =	seq.s32 s7, s2  }
0x1e: {  	s7 =	smul.u32 @!p0 $0xF7A, s2;
	p2 =	seq.s32 @!p0 s5, $0x0  }
0x1f: {  	s9 =	smul.u32 $0xF7A, s1;
	s8 =	simm.s32 @!p0 $0x1BF5;
	p2 =	por !p2, p0  }
0x20: {  	[sflag:s8] =	ssyncset.s32 @!p0 $0xFFFFF086;
	s6 =	sadd.s32 @!p0 s3, s7;
	s7 =	simm.s32 @!p0 $0x108  }
0x21: {  	s3 =	sadd.s32 s3, s9;
	s6 =	sadd.s32 @!p0 $0x88, s6;
	s7 =	simm.s32 @p2 $0x1082  }
0x22: {  	[simem:s7], [sflag:s8] =	dma.local @!p0 [hbm:s6], $0xF7A  }
0x23: {  	s9 =	sor.u32 $0xD0000000, s2;
	s6 =	simm.s32 $0x108;
	_ =	swait.ge @!p0 [sflag:s8], $0x0  }
0x24: {  	s3 =	sadd.s32 $0x88, s3;
	s6 =	simm.s32 @!p1 $0x1082;
	[sflag:s4] =	ssyncset.s32 $0xFFFFF086  }
0x25: {  	[simem:s6], [sflag:s4] =	dma.local [hbm:s3], $0xF7A  }
0x26: {  	[smem:$0x3F72] =	sst s1;
	(tag) =	ssettag s2;
	_ =	strace s9  }
0x27: {  	s1 =	sld [smem:$0x3F82]  }
0x28: {  	s2 =	sld [smem:$0x3F83]  }
0x29: {  	s4 =	sld [smem:$0x3F85]  }
0x2a: {  	p0 =	seq.s32 s5, $0x0;
	s5 =	sld [smem:$0x3F86]  }
0x2b: {  	s6 =	sld [smem:$0x3F87]  }
0x2c: {  	s7 =	sld [smem:$0x3F88]  }
0x2d: {  	s3 =	simm.s32 $0x108;
	s8 =	sld [smem:$0x3F89]  }
0x2e: {  	s3 =	simm.s32 @!p0 $0x1082;
	s9 =	sld [smem:$0x3F8A]  }
0x2f: {  	lr =	sadd.s32 s0, s3;
	s0 =	sld [smem:$0x3F81]  }
0x30: {  	s3 =	sld [smem:$0x3F84]  }
0x31: {  	[smem:$0x3F8D] =	sst s10  }
0x32: {  	s10 =	sld [smem:$0x3F8B];
	_ =	sdelay $0x3  }
0x33: {  	p0 =	seq.s32 s10, $0x1;
	s10 =	sld [smem:$0x3F8D];
	_ =	sdelay $0x3  }
0x34: {  	[smem:$0x3F8D] =	sst s10  }
0x35: {  	s10 =	sld [smem:$0x3F8C];
	_ =	sdelay $0x3  }
0x36: {  	p1 =	seq.s32 s10, $0x1;
	s10 =	sld [smem:$0x3F8D];
	_ =	sdelay $0x3  }
0x37: {  	[smem:$0x3F8D] =	sst s10  }
0x38: {  	s10 =	sld [smem:$0x3F8E]  }
0x39: {  	_ = 	snop;
	(pc) =	sbr.ind lr, $3  }
0x3a: {  	_ = 	snop  }
0x3b: {  	_ = 	snop  }
0x3c: {  	p2 =	seq.s32 s10, $0x1;
	s10 =	sld [smem:$0x3F8D]  }
0x3d: {  	_ =	shalt  }
0x3e: {  	_ =	shalt  }
0x3f: {  	_ =	shalt  }
0x40: {  	_ =	shalt  }
0x41: {  	_ =	shalt  }
0x42: {  	_ =	shalt  }
0x43: {  	_ =	shalt  }
0x44: {  	_ =	shalt  }
0x45: {  	_ =	shalt  }
0x46: {  	_ =	shalt  }
0x47: {  	_ =	shalt  }
0x48: {  	_ =	shalt  }
0x49: {  	_ =	shalt  }
0x4a: {  	_ =	shalt  }
0x4b: {  	_ =	shalt  }
0x4c: {  	_ =	shalt  }
0x4d: {  	_ =	shalt  }
0x4e: {  	_ =	shalt  }
0x4f: {  	_ =	shalt  }
0x50: {  	_ =	shalt  }
0x51: {  	_ =	shalt  }
0x52: {  	_ =	shalt  }
0x53: {  	_ =	shalt  }
0x54: {  	_ =	shalt  }
0x55: {  	_ =	shalt  }
0x56: {  	_ =	shalt  }
0x57: {  	_ =	shalt  }
0x58: {  	_ =	shalt  }
0x59: {  	_ =	shalt  }
0x5a: {  	_ =	shalt  }
0x5b: {  	_ =	shalt  }
0x5c: {  	_ =	shalt  }
0x5d: {  	_ =	shalt  }
0x5e: {  	_ =	shalt  }
0x5f: {  	_ =	shalt  }
0x60: {  	_ =	shalt  }
0x61: {  	_ =	shalt  }
0x62: {  	_ =	shalt  }
0x63: {  	_ =	shalt  }
0x64: {  	_ =	shalt  }
0x65: {  	_ =	shalt  }
0x66: {  	_ =	shalt  }
0x67: {  	_ =	shalt  }
0x68: {  	_ =	shalt  }
0x69: {  	_ =	shalt  }
0x6a: {  	_ =	shalt  }
0x6b: {  	_ =	shalt  }
0x6c: {  	_ =	shalt  }
0x6d: {  	_ =	shalt  }
0x6e: {  	_ =	shalt  }
0x6f: {  	_ =	shalt  }
0x70: {  	_ =	shalt  }
0x71: {  	_ =	shalt  }
0x72: {  	_ =	shalt  }
0x73: {  	_ =	shalt  }
0x74: {  	_ =	shalt  }
0x75: {  	_ =	shalt  }
0x76: {  	_ =	shalt  }
0x77: {  	_ =	shalt  }
0x78: {  	_ =	shalt  }
0x79: {  	_ =	shalt  }
0x7a: {  	_ =	shalt  }
0x7b: {  	_ =	shalt  }
0x7c: {  	_ =	shalt  }
0x7d: {  	_ =	shalt  }
0x7e: {  	_ =	shalt  }
0x7f: {  	_ =	shalt  }
0x80: {  	_ =	shalt  }
0x81: {  	_ =	shalt  }
0x82: {  	_ =	shalt  }
0x83: {  	_ =	shalt  }
0x84: {  	_ =	shalt  }
0x85: {  	_ =	shalt  }
0x86: {  	_ =	shalt  }
0x87: {  	_ =	shalt  }
.Lfunc_end0:
.L_simem_size_0:
called_computation_lowered:
.L_overlay_start_0:
0x88: {  	s2 =	sld [smem:$0x3FD9]  }
0x89: {  	s3 =	sld [smem:$0x3FFE];
	_ =	sdelay $0x1  }
0x8a: {  	s1 =	srdreg.scid  }
0x8b: {  	s0 =	sand.u32 $0x1, s1  }
0x8c: {  	s16 =	sshll.u32 s0, $0xA;
	s2 =	sadd.s32 s3, s2  }
0x8d: {  	s2 =	sadd.s32 s2, s16  }
0x8e: {  	[smem:$0x3F99] =	sst s2  }
0x8f: {  	_ = 	snop  }
0x90: {  	(tm) =	ssettm $0x1  }
0x91: {  	s17 =	sld [smem:$0x3FFB];
	_ =	sdelay $0x3  }
0x92: {  	_ =	strace s17  }
0x93: {  	s2 =	sld [smem:$0x3FFC];
	_ =	sdelay $0x3  }
0x94: {  	_ =	strace s2  }
0x95: {  	s2 =	sld [smem:$0x3FFD];
	_ =	sdelay $0x3  }
0x96: {  	_ =	strace s2  }
0x97: {  	_ =	strace $0x8FFFFFFF  }
0x98: {  	s18 =	sld [smem:$0x3FDB];
	_ =	sdelay $0x1  }
0x99: {  	s19 =	simm.s32 $_scs_section_size  }
0x9a: {  	s4 =	simm.s32 $_size__tile_overlayer_lowered;
	s5 =	simm.s32 $_tile_overlayer_lowered  }
0x9b: {  	s22 =	simm.s32 $0x1BFF;
	s21 =	sshll.u32 s5, $0x1;
	s2 =	sadd.s32 s19, s18  }
0x9c: {  	s6 =	simm.s32 $0x0;
	s20 =	sshll.u32 s4, $0x1;
	s4 =	sadd.s32 s21, s2  }
0x9d: {  	[timem:s6], [sflag:s22] =	dma.local [hbm:s4], s20  }
0x9e: {  	_ =	swait.ge [sflag:s22], s20  }
0x9f: {  	s3 =	ssub.s32 $0x0, s20;
	[sflag:s22] =	ssyncset.done $0x0  }
0xa0: {  	[sflag:s22] =	ssyncadd.s32 s3;
	_ =	sdelay $0x1  }
0xa1: {  	s23 =	simm.s32 $0x1B8B  }
0xa2: {  	_ =	swait.ge [sflag:s23], $0x1  }
0xa3: {  	[sflag:s23] =	ssyncset.done $0x0  }
0xa4: {  	s25 =	simm.s32 $0x1B8E;
	s24 =	sld [smem:$0x3FFE];
	[sflag:s23] =	ssyncadd.s32 $0xFFFFFFFF  }
0xa5: {  	s26 =	simm.s32 $execute0_lowered;
	[smem:$0x3FD2] =	sst s25  }
0xa6: {  	s4 =	sshll.u32 s26, $0x1;
	_ =	strace $0x80000046;
	[dreg:$0x1] =	wrdreg $0xFFFFFFFF  }
0xa7: {  	s28 =	simm.s32 $_size_execute0_lowered;
	s2 =	sadd.s32 s2, s4;
	[dreg:$0x0] =	wrdreg $0x0  }
0xa8: {  	s4 =	sshll.u32 s28, $0x1;
	[dreg:$0x2] =	wrdreg s2  }
0xa9: {  	[dreg:$0x3] =	wrdreg s4  }
0xaa: {  	[dreg:$0x4] =	wrdreg $0xC0  }
0xab: {  	_ =	task [dreg:s6], $0x5FFFF  }
0xac: {  	[dreg:$0x1] =	wrdreg $0xFFFFFFFF  }
0xad: {  	[dreg:$0x0] =	wrdreg $0x60  }
0xae: {  	[dreg:$0x2] =	wrdreg s24  }
0xaf: {  	[dreg:$0x3] =	wrdreg $0x128000  }
0xb0: {  	[dreg:$0x4] =	wrdreg $0x9  }
0xb1: {  	_ =	task.clear_ibuf [dreg:s6], $0x5FFFF;
	_ =	strace $0x90000046  }
0xb2: {  	s29 =	simm.s32 $0x9;
	_ =	strace $0x80000048  }
0xb3: {  	_ =	swait.ge [sflag:s29], $0x1  }
0xb4: {  	[sflag:s29] =	ssyncadd.s32 $0xFFFFFFFF  }
0xb5: {  	_ =	strace $0x90000048  }
0xb6: {  	_ =	sfence  }
0xb7: {  	s30 =	sld [smem:$0x0];
	_ =	sdelay $0x2  }
0xb8: {  	s31 =	sshll.u32 s1, $0xD;
	s1 =	sshrl.u32 s1, $0x2  }
0xb9: {  	s3 =	sand.u32 $0x4000, s31;
	s1 =	sadd.s32 s1, s30  }
0xba: {  	s0 =	sor.u32 s3, s0;
	s1 =	sshll.u32 s1, $0x11  }
0xbb: {  	s0 =	sor.u32 s1, s0  }
0xbc: {  	s0 =	sadd.s32 $0x8F2B, s0  }
0xbd: {  	[sflag:s0] =	ssyncadd.remote.s32 $0x1  }
0xbe: {  	_ =	sfence.sel $0xFFFF  }
0xbf: {  	[dreg:$0x0] =	wrdreg $0xFFFFFFFF;
	(pc) =	sbr.abs _section_cstart, $3  }
0xc0: {  	[dreg:$0x1] =	wrdreg $0xFFFFFFFF  }
0xc1: {  	_ =	task.clear_ibuf [dreg:s6], $0x2FFFF;
	_ =	strace $0x9FFFFFFF  }
0xc2: {  	(tm) =	ssettm $0x7FFFFFFF  }
0xc3: {  	_ =	shalt  }
tec
execute0_lowered:
.L_overlay_start_1:
0x0: {  	(tag) =	ssettag $0x1  }
0x1: {  	s0 =	rddreg [dreg:$0x0];
	s2 =	srdreg.scid  }
0x2: {  	s3 =	stileid.u32;
	s1 =	rddreg [dreg:$0x1];
	s13 =	simm.s32 $0x5  }
0x3: {  	s14 =	simm.s32 $0x80;
	s15 =	simm.s32 $0x2800;
	s16 =	simm.s32 $0x4800  }
0x4: {  	s18 =	simm.s32 $0x6800;
	s20 =	simm.s32 $0x8800;
	s21 =	simm.s32 $0x1  }
0x5: {  	s23 =	simm.s32 $0xA800;
	s28 =	simm.s32 $0xE800;
	s30 =	simm.s32 $0x10800  }
0x6: {  	s31 =	simm.s32 $0x2;
	s24 =	simm.s32 $0x0;
	s4 =	sand.u32 $0x1, s2  }
0x7: {  	s5 =	sshll.u32 s3, $0x1;
	s2 =	simm.s32 $0x0;
	s7 =	sadd.s32 $0x56400, s0  }
0x8: {  	s8 =	smul.u32 $0x140000, s3;
	p0 =	sne.s32 s3, $0x0;
	s5 =	sor.u32 s4, s5  }
0x9: {  	[smem:$0x7FF] =	sst s2;
	s25 =	ssub.s32 $0x2, s4;
	s10 =	smul.u32 $0xA0000, s4  }
0xa: {  	s12 =	sshrl.u32 @!p0 s1, $0x3;
	s6 =	smul.u32 $0x500, s5;
	_ =	strace $0x80000047  }
0xb: {  	[dreg:$0x3] =	wrdreg s7;
	s5 =	smul.u32 $0xA0000, s5;
	s9 =	sshrl.u32 s25, $0x1  }
0xc: {  	s7 =	ssub.s32 s25, s9;
	s29 =	sadd.s32 s10, s8;
	s25 =	simm.s32 $0xC800  }
0xd: {  	s6 =	sadd.s32 s6, s0;
	s0 =	sadd.s32 $0x73E00, s0;
	s5 =	sshrl.u32 s5, $0x3  }
0xe: {  	s10 =	sor.u32 $0x10000, s29;
	s11 =	sor.u32 $0x18000, s29;
	s26 =	sadd.s32 $0x69E00, s6  }
0xf: {  	s5 =	sadd.s32 s0, s5;
	s6 =	smax.u32 s7, $0x1;
	s10 =	sshrl.u32 s10, $0x3  }
0x10: {  	s11 =	sshrl.u32 s11, $0x3;
	[dreg:$0x4] =	wrdreg s26;
	s7 =	sadd.s32 $0x1000, s5  }
0x11: {  	s8 =	sadd.s32 $0x12000, s5;
	s9 =	sadd.s32 $0x13000, s5;
	s10 =	sadd.s32 s10, s0  }
0x12: {  	s22 =	sadd.s32 s11, s0;
	s0 =	simm.s32 $0x3;
	s26 =	simm.s32 $0x4  }
.LBB2_1:
0x13: {  	s3 =	simm.s32 @!p0 $0x1C05;
	s4 =	rddreg [dreg:$0x3]  }
0x14: {  	[spmem:s12], [sflag:s3] =	dma.local @!p0 [hbm:s4], $0x13880  }
0x15: {  	s3 =	simm.s32 @!p0 $0x5  }
0x16: {  	_ =	swait.ge @!p0 [sflag:s3], $0x13880  }
0x17: {  	[sflag:s3] =	ssyncset.done @!p0 $0x0  }
0x18: {  	s11 =	rddreg [dreg:$0x4];
	[sflag:s3] =	ssyncadd.s32 @!p0 $0xFFFEC780  }
0x19: {  	[tilespmem:s2], [sflag:$0x5] =	stream.linear.gather [hbm4b:s11+s2], $0x2800, $0x38;
	[tilespmem:$0x1C440] =	vst v63  }
0x1a: {  	_ =	swait.ge [sflag:s13], $0x2800  }
0x1b: {  	[sflag:s13] =	ssyncset.done $0x0  }
0x1c: {  	[sflag:s13] =	ssyncadd.s32 $0xFFFFD800  }
0x1d: {  	[bflag:$0x0] =	sbarrier.arrive $0xFFFF  }
0x1e: {  	[tilespmem:s15], [sflag:$0x1] =	stream.indirect.gather [spmem:s1], $0x40, s2, s14, $0xb8;
	[tilespmem:$0x1C440] =	vst v63  }
0x1f: {  	_ = 	snop  }
0x20: {  	[tilespmem:s16], [sflag:$0x1] =	stream.indirect.gather [spmem:s1], $0x40, s14, s14, $0xb8;
	[tilespmem:$0x1C440] =	vst v63  }
0x21: {  	s17 =	simm.s32 $0x100  }
0x22: {  	[tilespmem:s18], [sflag:$0x1] =	stream.indirect.gather [spmem:s1], $0x40, s17, s14, $0xb8;
	[tilespmem:$0x1C440] =	vst v63  }
0x23: {  	s19 =	simm.s32 $0x180  }
0x24: {  	[tilespmem:s20], [sflag:$0x1] =	stream.indirect.gather [spmem:s1], $0x40, s19, s14, $0xb8;
	[tilespmem:$0x1C440] =	vst v63  }
0x25: {  	_ =	swait.ge [sflag:s21], $0x2000  }
0x26: {  	[sflag:s21] =	ssyncset.done $0x0  }
0x27: {  	[sflag:s21] =	ssyncadd.s32 $0xFFFFE000  }
0x28: {  	_ =	swait.ge [sflag:s21], $0x2000  }
0x29: {  	[sflag:s21] =	ssyncset.done $0x0  }
0x2a: {  	[sflag:s21] =	ssyncadd.s32 $0xFFFFE000  }
0x2b: {  	_ =	swait.ge [sflag:s21], $0x2000  }
0x2c: {  	[sflag:s21] =	ssyncset.done $0x0  }
0x2d: {  	[sflag:s21] =	ssyncadd.s32 $0xFFFFE000  }
0x2e: {  	_ =	swait.ge [sflag:s21], $0x2000  }
0x2f: {  	[sflag:s21] =	ssyncset.done $0x0  }
0x30: {  	s4 =	simm.s32 $0x200;
	[sflag:s21] =	ssyncadd.s32 $0xFFFFE000  }
0x31: {  	[tilespmem:s23], [sflag:$0x2] =	stream.indirect.gather [spmem:s1], $0x40, s4, s14, $0xb8;
	[tilespmem:$0x1C440] =	vst v63  }
0x32: {  	s11 =	simm.s32 $0x280  }
0x33: {  	[tilespmem:s25], [sflag:$0x2] =	stream.indirect.gather [spmem:s1], $0x40, s11, s14, $0xb8;
	[tilespmem:$0x1C440] =	vst v63  }
0x34: {  	s17 =	simm.s32 $0x300  }
0x35: {  	[tilespmem:s28], [sflag:$0x2] =	stream.indirect.gather [spmem:s1], $0x40, s17, s14, $0xb8;
	[tilespmem:$0x1C440] =	vst v63  }
0x36: {  	s19 =	simm.s32 $0x380  }
0x37: {  	[tilespmem:s30], [sflag:$0x2] =	stream.indirect.gather [spmem:s1], $0x40, s19, s14, $0xb8;
	[tilespmem:$0x1C440] =	vst v63  }
0x38: {  	_ = 	snop  }
0x39: {  	[hbm4b:s5+s2] =	stream.linear.scatter [tilespmem:s15], [sflag:$0x3], $0x8000, $0x38;
	[tilespmem:$0x1C440] =	vst v63  }
0x3a: {  	_ =	swait.ge [sflag:s31], $0x2000  }
0x3b: {  	[sflag:s31] =	ssyncset.done $0x0  }
0x3c: {  	[sflag:s31] =	ssyncadd.s32 $0xFFFFE000  }
0x3d: {  	_ =	swait.ge [sflag:s31], $0x2000  }
0x3e: {  	[sflag:s31] =	ssyncset.done $0x0  }
0x3f: {  	[sflag:s31] =	ssyncadd.s32 $0xFFFFE000  }
0x40: {  	_ =	swait.ge [sflag:s31], $0x2000  }
0x41: {  	[sflag:s31] =	ssyncset.done $0x0  }
0x42: {  	[sflag:s31] =	ssyncadd.s32 $0xFFFFE000  }
0x43: {  	_ =	swait.ge [sflag:s31], $0x2000  }
0x44: {  	[sflag:s31] =	ssyncset.done $0x0  }
0x45: {  	[sflag:s31] =	ssyncadd.s32 $0xFFFFE000  }
0x46: {  	_ =	swait.ge [sflag:s0], $0x8000  }
0x47: {  	[sflag:s0] =	ssyncset.done $0x0  }
0x48: {  	s4 =	simm.s32 $0x400;
	[sflag:s0] =	ssyncadd.s32 $0xFFFF8000  }
0x49: {  	[tilespmem:s15], [sflag:$0x1] =	stream.indirect.gather [spmem:s1], $0x40, s4, s14, $0xb8;
	[tilespmem:$0x1C440] =	vst v63  }
0x4a: {  	s11 =	simm.s32 $0x480  }
0x4b: {  	[tilespmem:s16], [sflag:$0x1] =	stream.indirect.gather [spmem:s1], $0x40, s11, s14, $0xb8;
	[tilespmem:$0x1C440] =	vst v63  }
0x4c: {  	s17 =	simm.s32 $0x500  }
0x4d: {  	[tilespmem:s18], [sflag:$0x1] =	stream.indirect.gather [spmem:s1], $0x40, s17, s14, $0xb8;
	[tilespmem:$0x1C440] =	vst v63  }
0x4e: {  	s19 =	simm.s32 $0x580  }
0x4f: {  	[tilespmem:s20], [sflag:$0x1] =	stream.indirect.gather [spmem:s1], $0x40, s19, s14, $0xb8;
	[tilespmem:$0x1C440] =	vst v63  }
0x50: {  	_ = 	snop  }
0x51: {  	[hbm4b:s7+s2] =	stream.linear.scatter [tilespmem:s23], [sflag:$0x4], $0x8000, $0x38;
	[tilespmem:$0x1C440] =	vst v63  }
0x52: {  	_ =	swait.ge [sflag:s21], $0x2000  }
0x53: {  	[sflag:s21] =	ssyncset.done $0x0  }
0x54: {  	[sflag:s21] =	ssyncadd.s32 $0xFFFFE000  }
0x55: {  	_ =	swait.ge [sflag:s21], $0x2000  }
0x56: {  	[sflag:s21] =	ssyncset.done $0x0  }
0x57: {  	[sflag:s21] =	ssyncadd.s32 $0xFFFFE000  }
0x58: {  	_ =	swait.ge [sflag:s21], $0x2000  }
0x59: {  	[sflag:s21] =	ssyncset.done $0x0  }
0x5a: {  	[sflag:s21] =	ssyncadd.s32 $0xFFFFE000  }
0x5b: {  	_ =	swait.ge [sflag:s21], $0x2000  }
0x5c: {  	[sflag:s21] =	ssyncset.done $0x0  }
0x5d: {  	[sflag:s21] =	ssyncadd.s32 $0xFFFFE000  }
0x5e: {  	_ =	swait.ge [sflag:s26], $0x8000  }
0x5f: {  	[sflag:s26] =	ssyncset.done $0x0  }
0x60: {  	s4 =	simm.s32 $0x600;
	[sflag:s26] =	ssyncadd.s32 $0xFFFF8000  }
0x61: {  	[tilespmem:s23], [sflag:$0x2] =	stream.indirect.gather [spmem:s1], $0x40, s4, s14, $0xb8;
	[tilespmem:$0x1C440] =	vst v63  }
0x62: {  	s11 =	simm.s32 $0x680  }
0x63: {  	[tilespmem:s25], [sflag:$0x2] =	stream.indirect.gather [spmem:s1], $0x40, s11, s14, $0xb8;
	[tilespmem:$0x1C440] =	vst v63  }
0x64: {  	s17 =	simm.s32 $0x700  }
0x65: {  	[tilespmem:s28], [sflag:$0x2] =	stream.indirect.gather [spmem:s1], $0x40, s17, s14, $0xb8;
	[tilespmem:$0x1C440] =	vst v63  }
0x66: {  	s19 =	simm.s32 $0x780  }
0x67: {  	[tilespmem:s30], [sflag:$0x2] =	stream.indirect.gather [spmem:s1], $0x40, s19, s14, $0xb8;
	[tilespmem:$0x1C440] =	vst v63  }
0x68: {  	_ = 	snop  }
0x69: {  	[hbm4b:s10+s2] =	stream.linear.scatter [tilespmem:s15], [sflag:$0x3], $0x8000, $0x38;
	[tilespmem:$0x1C440] =	vst v63  }
0x6a: {  	_ =	swait.ge [sflag:s31], $0x2000  }
0x6b: {  	[sflag:s31] =	ssyncset.done $0x0  }
0x6c: {  	[sflag:s31] =	ssyncadd.s32 $0xFFFFE000  }
0x6d: {  	_ =	swait.ge [sflag:s31], $0x2000  }
0x6e: {  	[sflag:s31] =	ssyncset.done $0x0  }
0x6f: {  	[sflag:s31] =	ssyncadd.s32 $0xFFFFE000  }
0x70: {  	_ =	swait.ge [sflag:s31], $0x2000  }
0x71: {  	[sflag:s31] =	ssyncset.done $0x0  }
0x72: {  	[sflag:s31] =	ssyncadd.s32 $0xFFFFE000  }
0x73: {  	_ =	swait.ge [sflag:s31], $0x2000  }
0x74: {  	[sflag:s31] =	ssyncset.done $0x0  }
0x75: {  	[sflag:s31] =	ssyncadd.s32 $0xFFFFE000  }
0x76: {  	_ =	swait.ge [sflag:s0], $0x8000  }
0x77: {  	[sflag:s0] =	ssyncset.done $0x0  }
0x78: {  	s4 =	simm.s32 $0x800;
	[sflag:s0] =	ssyncadd.s32 $0xFFFF8000  }
0x79: {  	[tilespmem:s15], [sflag:$0x1] =	stream.indirect.gather [spmem:s1], $0x40, s4, s14, $0xb8;
	[tilespmem:$0x1C440] =	vst v63  }
0x7a: {  	s11 =	simm.s32 $0x880  }
0x7b: {  	[tilespmem:s16], [sflag:$0x1] =	stream.indirect.gather [spmem:s1], $0x40, s11, s14, $0xb8;
	[tilespmem:$0x1C440] =	vst v63  }
0x7c: {  	s17 =	simm.s32 $0x900  }
0x7d: {  	[tilespmem:s18], [sflag:$0x1] =	stream.indirect.gather [spmem:s1], $0x40, s17, s14, $0xb8;
	[tilespmem:$0x1C440] =	vst v63  }
0x7e: {  	s29 =	simm.s32 $0x1000;
	s19 =	simm.s32 $0x980  }
0x7f: {  	[tilespmem:s20], [sflag:$0x1] =	stream.indirect.gather [spmem:s1], $0x40, s19, s14, $0xb8;
	[tilespmem:$0x1C440] =	vst v63  }
0x80: {  	s11 =	smov.u32 s22;
	s17 =	sadd.s32 $0x2000, s10;
	s19 =	sadd.s32 $0x2000, s22  }
.LBB2_2:
0x81: {  	[hbm4b:s11+s2] =	stream.linear.scatter [tilespmem:s23], [sflag:$0x4], $0x8000, $0x38;
	[tilespmem:$0x1C440] =	vst v63  }
0x82: {  	s3 =	smov.u32 s29;
	s11 =	smov.u32 s19  }
0x83: {  	p1 =	sne.s32 s29, $0x7000;
	s29 =	sadd.s32 $0x1000, s29;
	_ =	swait.ge [sflag:s21], $0x2000  }
0x84: {  	[sflag:s21] =	ssyncset.done $0x0  }
0x85: {  	[sflag:s21] =	ssyncadd.s32 $0xFFFFE000  }
0x86: {  	_ =	swait.ge [sflag:s21], $0x2000  }
0x87: {  	[sflag:s21] =	ssyncset.done $0x0  }
0x88: {  	[sflag:s21] =	ssyncadd.s32 $0xFFFFE000  }
0x89: {  	_ =	swait.ge [sflag:s21], $0x2000  }
0x8a: {  	[sflag:s21] =	ssyncset.done $0x0  }
0x8b: {  	[sflag:s21] =	ssyncadd.s32 $0xFFFFE000  }
0x8c: {  	_ =	swait.ge [sflag:s21], $0x2000  }
0x8d: {  	[sflag:s21] =	ssyncset.done $0x0  }
0x8e: {  	[sflag:s21] =	ssyncadd.s32 $0xFFFFE000  }
0x8f: {  	_ =	swait.ge [sflag:s26], $0x8000  }
0x90: {  	s3 =	sshra.s32 s3, $0x2;
	[sflag:s26] =	ssyncset.done $0x0  }
0x91: {  	s4 =	sadd.s32 $0x600, s3;
	[sflag:s26] =	ssyncadd.s32 $0xFFFF8000  }
0x92: {  	[tilespmem:s23], [sflag:$0x2] =	stream.indirect.gather [spmem:s1], $0x40, s4, s14, $0xb8;
	[tilespmem:$0x1C440] =	vst v63  }
0x93: {  	s4 =	sadd.s32 $0x680, s3  }
0x94: {  	[tilespmem:s25], [sflag:$0x2] =	stream.indirect.gather [spmem:s1], $0x40, s4, s14, $0xb8;
	[tilespmem:$0x1C440] =	vst v63  }
0x95: {  	s4 =	sadd.s32 $0x700, s3  }
0x96: {  	[tilespmem:s28], [sflag:$0x2] =	stream.indirect.gather [spmem:s1], $0x40, s4, s14, $0xb8;
	[tilespmem:$0x1C440] =	vst v63  }
0x97: {  	s4 =	sadd.s32 $0x780, s3  }
0x98: {  	[tilespmem:s30], [sflag:$0x2] =	stream.indirect.gather [spmem:s1], $0x40, s4, s14, $0xb8;
	[tilespmem:$0x1C440] =	vst v63  }
0x99: {  	_ = 	snop  }
0x9a: {  	[hbm4b:s17+s2] =	stream.linear.scatter [tilespmem:s15], [sflag:$0x3], $0x8000, $0x38;
	[tilespmem:$0x1C440] =	vst v63  }
0x9b: {  	_ =	swait.ge [sflag:s31], $0x2000  }
0x9c: {  	[sflag:s31] =	ssyncset.done $0x0  }
0x9d: {  	[sflag:s31] =	ssyncadd.s32 $0xFFFFE000  }
0x9e: {  	_ =	swait.ge [sflag:s31], $0x2000  }
0x9f: {  	[sflag:s31] =	ssyncset.done $0x0  }
0xa0: {  	[sflag:s31] =	ssyncadd.s32 $0xFFFFE000  }
0xa1: {  	_ =	swait.ge [sflag:s31], $0x2000  }
0xa2: {  	[sflag:s31] =	ssyncset.done $0x0  }
0xa3: {  	[sflag:s31] =	ssyncadd.s32 $0xFFFFE000  }
0xa4: {  	_ =	swait.ge [sflag:s31], $0x2000  }
0xa5: {  	[sflag:s31] =	ssyncset.done $0x0  }
0xa6: {  	[sflag:s31] =	ssyncadd.s32 $0xFFFFE000  }
0xa7: {  	_ =	swait.ge [sflag:s0], $0x8000  }
0xa8: {  	[sflag:s0] =	ssyncset.done $0x0  }
0xa9: {  	s4 =	sadd.s32 $0x800, s3;
	[sflag:s0] =	ssyncadd.s32 $0xFFFF8000  }
0xaa: {  	[tilespmem:s15], [sflag:$0x1] =	stream.indirect.gather [spmem:s1], $0x40, s4, s14, $0xb8;
	[tilespmem:$0x1C440] =	vst v63  }
0xab: {  	s4 =	sadd.s32 $0x880, s3  }
0xac: {  	[tilespmem:s16], [sflag:$0x1] =	stream.indirect.gather [spmem:s1], $0x40, s4, s14, $0xb8;
	[tilespmem:$0x1C440] =	vst v63  }
.Ltmp0:
0xad: {  	s4 =	sadd.s32 $0x900, s3;
	(pc) =	sbr.rel @p1 .LBB2_2-.Ltmp0, $4  }
0xae: {  	[tilespmem:s18], [sflag:$0x1] =	stream.indirect.gather [spmem:s1], $0x40, s4, s14, $0xb8;
	[tilespmem:$0x1C440] =	vst v63  }
0xaf: {  	s3 =	sadd.s32 $0x980, s3  }
0xb0: {  	[tilespmem:s20], [sflag:$0x1] =	stream.indirect.gather [spmem:s1], $0x40, s3, s14, $0xb8;
	[tilespmem:$0x1C440] =	vst v63  }
0xb1: {  	s19 =	sadd.s32 $0x2000, s19;
	s17 =	sadd.s32 $0x2000, s17  }
0xb2: {  	[hbm4b:s11+s2] =	stream.linear.scatter [tilespmem:s23], [sflag:$0x4], $0x8000, $0x38;
	[tilespmem:$0x1C440] =	vst v63  }
0xb3: {  	_ =	swait.ge [sflag:s21], $0x2000  }
0xb4: {  	[sflag:s21] =	ssyncset.done $0x0  }
0xb5: {  	[sflag:s21] =	ssyncadd.s32 $0xFFFFE000  }
0xb6: {  	_ =	swait.ge [sflag:s21], $0x2000  }
0xb7: {  	[sflag:s21] =	ssyncset.done $0x0  }
0xb8: {  	[sflag:s21] =	ssyncadd.s32 $0xFFFFE000  }
0xb9: {  	_ =	swait.ge [sflag:s21], $0x2000  }
0xba: {  	[sflag:s21] =	ssyncset.done $0x0  }
0xbb: {  	[sflag:s21] =	ssyncadd.s32 $0xFFFFE000  }
0xbc: {  	_ =	swait.ge [sflag:s21], $0x2000  }
0xbd: {  	[sflag:s21] =	ssyncset.done $0x0  }
0xbe: {  	[sflag:s21] =	ssyncadd.s32 $0xFFFFE000  }
0xbf: {  	_ =	swait.ge [sflag:s26], $0x8000  }
0xc0: {  	[sflag:s26] =	ssyncset.done $0x0  }
0xc1: {  	s3 =	simm.s32 $0x2600;
	[sflag:s26] =	ssyncadd.s32 $0xFFFF8000  }
0xc2: {  	[tilespmem:s23], [sflag:$0x2] =	stream.indirect.gather [spmem:s1], $0x40, s3, s14, $0xb8;
	[tilespmem:$0x1C440] =	vst v63  }
0xc3: {  	s17 =	simm.s32 $0x2680  }
0xc4: {  	[tilespmem:s25], [sflag:$0x2] =	stream.indirect.gather [spmem:s1], $0x40, s17, s14, $0xb8;
	[tilespmem:$0x1C440] =	vst v63  }
0xc5: {  	s19 =	simm.s32 $0x2700  }
0xc6: {  	[tilespmem:s28], [sflag:$0x2] =	stream.indirect.gather [spmem:s1], $0x40, s19, s14, $0xb8;
	[tilespmem:$0x1C440] =	vst v63  }
0xc7: {  	s29 =	simm.s32 $0x2780  }
0xc8: {  	[tilespmem:s30], [sflag:$0x2] =	stream.indirect.gather [spmem:s1], $0x40, s29, s14, $0xb8;
	[tilespmem:$0x1C440] =	vst v63  }
0xc9: {  	_ = 	snop  }
0xca: {  	[hbm4b:s8+s2] =	stream.linear.scatter [tilespmem:s15], [sflag:$0x3], $0x8000, $0x38;
	[tilespmem:$0x1C440] =	vst v63  }
0xcb: {  	_ =	swait.ge [sflag:s31], $0x2000  }
0xcc: {  	[sflag:s31] =	ssyncset.done $0x0  }
0xcd: {  	[sflag:s31] =	ssyncadd.s32 $0xFFFFE000  }
0xce: {  	_ =	swait.ge [sflag:s31], $0x2000  }
0xcf: {  	[sflag:s31] =	ssyncset.done $0x0  }
0xd0: {  	[sflag:s31] =	ssyncadd.s32 $0xFFFFE000  }
0xd1: {  	_ =	swait.ge [sflag:s31], $0x2000  }
0xd2: {  	[sflag:s31] =	ssyncset.done $0x0  }
0xd3: {  	[sflag:s31] =	ssyncadd.s32 $0xFFFFE000  }
0xd4: {  	_ =	swait.ge [sflag:s31], $0x2000  }
0xd5: {  	[sflag:s31] =	ssyncset.done $0x0  }
0xd6: {  	s24 =	sadd.s32 $0x1, s24;
	[sflag:s31] =	ssyncadd.s32 $0xFFFFE000  }
0xd7: {  	[hbm4b:s9+s2] =	stream.linear.scatter [tilespmem:s23], [sflag:$0x4], $0x8000, $0x38;
	[tilespmem:$0x1C440] =	vst v63  }
0xd8: {  	p1 =	sne.s32 s24, s6;
	_ =	swait.ge [sflag:s0], $0x8000  }
.Ltmp1:
0xd9: {  	[sflag:s0] =	ssyncset.done $0x0;
	(pc) =	sbr.rel @p1 .LBB2_1-.Ltmp1, $4  }
0xda: {  	[sflag:s0] =	ssyncadd.s32 $0xFFFF8000  }
0xdb: {  	_ =	swait.ge [sflag:s26], $0x8000  }
0xdc: {  	[sflag:s26] =	ssyncset.done $0x0  }
0xdd: {  	[sflag:s26] =	ssyncadd.s32 $0xFFFF8000  }
0xde: {  	_ =	sfence.sel $0x180000  }
0xdf: {  	[bflag:$0x0] =	sbarrier.arrive $0xFFFF  }
0xe0: {  	_ =	strace $0x90000047  }
0xe1: {  	[bflag:$0x2] =	sbarrier.arrive $0xFFFF  }
0xe2: {  	s0 =	rddreg [dreg:$0x2]  }
0xe3: {  	s0 =	sadd.s32 @!p0 $0x100000, s0  }
0xe4: {  	[sflag:s0] =	ssyncadd.tile.s32 @!p0 $0x1;
	_ =	shalt  }
.Lfunc_end2:
_tile_overlayer_lowered:
.L_overlay_start_2:
0xe5: {  	(tag) =	ssettag $0x2  }
0xe6: {  	s0 =	rddreg [dreg:$0x0];
	s2 =	stileid.u32  }
0xe7: {  	s1 =	rddreg [dreg:$0x1];
	p0 =	sne.s32 s2, $0x0  }
0xe8: {  	s3 =	rddreg [dreg:$0x2];
	[bflag:$0x3] =	sbarrier.arrive $0xFFFF;
	s2 =	simm.s32 @!p0 $0x1C05  }
0xe9: {  	[timem:s3], [sflag:s2] =	dma.local @!p0 [hbm:s0], s1  }
0xea: {  	s0 =	simm.s32 @!p0 $0x5  }
0xeb: {  	_ =	swait.ge @!p0 [sflag:s0], s1  }
0xec: {  	s1 =	ssub.s32 @!p0 $0x0, s1;
	[sflag:s0] =	ssyncset.done @!p0 $0x0  }
0xed: {  	[sflag:s0] =	ssyncadd.s32 @!p0 s1  }
0xee: {  	[bflag:$0x3] =	sbarrier.arrive $0xFFFF  }
0xef: {  	_ =	shalt  }

</sc_bundles>
